<compile_context>
chip_gen: v7x
topology: tpu7x:2x2x1
jax: 0.10.2.dev20260603
libtpu: 0.0.44.dev20260713+nightly
codegen_flags: <defaults>
</compile_context>

<pallas_src>
import functools

import jax
import jax.numpy as jnp
from jax import lax
from jax.experimental import pallas as pl
from jax.experimental.pallas import tpu as pltpu
from jax.experimental.pallas import tpu_sc as plsc

N = 10000
D = 128
HD = D // 2
E = 320000

NC = 2
NS = 16

CHUNK = 128
CHUNKS_PER_TILE = 160
PER_TILE = CHUNK * CHUNKS_PER_TILE
EPAD = NS * PER_TILE

NACC = 10240
SCRATCH_ROW = 10100
ROWS_PER_TILE = NACC // NS
ZROWS = 128

BLK = 400
GRID = N // BLK

_mesh = plsc.VectorSubcoreMesh(core_axis_name="c", subcore_axis_name="s")


def _zero_fill(buf, nrows, ncols):
    zv = jnp.zeros((16,), jnp.float32)

    def row(i, carry):
        for j in range(ncols // 16):
            buf[i, pl.ds(j * 16, 16)] = zv
        return carry

    lax.fori_loop(0, nrows, row, 0)


def _deg_body(dst_hbm, out_hbm, didx, ones_b, zbuf, acc):
    c = lax.axis_index("c")
    s = lax.axis_index("s")

    _zero_fill(zbuf, ZROWS, 16)
    ov = jnp.ones((16,), jnp.float32)

    def orow(i, carry):
        ones_b[i, pl.ds(0, 16)] = ov
        return carry

    lax.fori_loop(0, CHUNK, orow, 0)

    for k in range(ROWS_PER_TILE // ZROWS):
        pltpu.sync_copy(zbuf, acc.at[pl.ds(s * ROWS_PER_TILE + k * ZROWS, ZROWS)])
    pltpu.sync_copy(
        dst_hbm.at[s, pl.ds(c * (CHUNKS_PER_TILE // NC), CHUNKS_PER_TILE // NC)],
        didx,
    )
    plsc.subcore_barrier()

    def chunk(j, carry):
        pltpu.sync_copy(ones_b, acc.at[didx.at[j]], add=True)
        return carry

    lax.fori_loop(0, CHUNKS_PER_TILE // NC, chunk, 0)
    plsc.subcore_barrier()
    pltpu.sync_copy(
        acc.at[pl.ds(s * ROWS_PER_TILE, ROWS_PER_TILE)],
        out_hbm.at[c, pl.ds(s * ROWS_PER_TILE, ROWS_PER_TILE)],
    )


_deg_kernel = pl.kernel(
    _deg_body,
    out_type=jax.ShapeDtypeStruct((NC, NACC, 16), jnp.float32),
    mesh=_mesh,
    compiler_params=pltpu.CompilerParams(use_tc_tiling_on_sc=False),
    scratch_types=[
        pltpu.VMEM((CHUNKS_PER_TILE // NC, CHUNK), jnp.int32),
        pltpu.VMEM((CHUNK, 16), jnp.float32),
        pltpu.VMEM((ZROWS, 16), jnp.float32),
        pltpu.VMEM_SHARED((NACC, 16), jnp.float32),
    ],
)


def _agg_body(
    zp_hbm, src_hbm, dst_hbm, out_hbm,
    sidx, didx, b0, b1, b2, b3, zbuf, acc, m0, m1, m2, m3,
):
    c = lax.axis_index("c")
    s = lax.axis_index("s")

    _zero_fill(zbuf, ZROWS, HD)
    for k in range(ROWS_PER_TILE // ZROWS):
        pltpu.sync_copy(zbuf, acc.at[pl.ds(s * ROWS_PER_TILE + k * ZROWS, ZROWS)])
    pltpu.sync_copy(src_hbm.at[s], sidx)
    pltpu.sync_copy(dst_hbm.at[s], didx)
    plsc.subcore_barrier()

    zp_half = zp_hbm.at[c]
    bufs = (b0, b1, b2, b3)
    sems = (m0, m1, m2, m3)

    def g_start(k, buf, sem):
        pltpu.async_copy(zp_half.at[sidx.at[k]], buf, sem)

    def g_wait(buf, sem):
        pltpu.make_async_copy(zp_half.at[sidx.at[0]], buf, sem).wait()

    def s_start(k, buf, sem):
        pltpu.async_copy(buf, acc.at[didx.at[k]], sem, add=True)

    def s_wait(buf, sem):
        pltpu.make_async_copy(buf, acc.at[didx.at[0]], sem).wait()

    def step(k, q, skip_swait=False, skip_gstart=False):
        x, f = bufs[q], bufs[(q + 2) % 4]
        mx, mf = sems[q], sems[(q + 2) % 4]
        if not skip_swait:
            s_wait(f, mf)
        if not skip_gstart:
            g_start(k + 2, f, mf)
        g_wait(x, mx)
        s_start(k, x, mx)

    g_start(0, b0, m0)
    g_start(1, b1, m1)
    step(0, 0, skip_swait=True)
    step(1, 1, skip_swait=True)

    def quad(i, carry):
        k = 4 * i + 2
        step(k + 0, 2)
        step(k + 1, 3)
        step(k + 2, 0)
        step(k + 3, 1)
        return carry

    lax.fori_loop(0, (CHUNKS_PER_TILE - 4) // 4, quad, 0)
    step(CHUNKS_PER_TILE - 2, 2, skip_gstart=True)
    step(CHUNKS_PER_TILE - 1, 3, skip_gstart=True)
    s_wait(b2, m2)
    s_wait(b3, m3)

    plsc.subcore_barrier()
    pltpu.sync_copy(
        acc.at[pl.ds(s * ROWS_PER_TILE, ROWS_PER_TILE)],
        out_hbm.at[c, pl.ds(s * ROWS_PER_TILE, ROWS_PER_TILE)],
    )


_agg_kernel = pl.kernel(
    _agg_body,
    out_type=jax.ShapeDtypeStruct((NC, NACC, HD), jnp.float32),
    mesh=_mesh,
    compiler_params=pltpu.CompilerParams(use_tc_tiling_on_sc=False),
    scratch_types=[
        pltpu.VMEM((CHUNKS_PER_TILE, CHUNK), jnp.int32),
        pltpu.VMEM((CHUNKS_PER_TILE, CHUNK), jnp.int32),
        pltpu.VMEM((CHUNK, HD), jnp.float32),
        pltpu.VMEM((CHUNK, HD), jnp.float32),
        pltpu.VMEM((CHUNK, HD), jnp.float32),
        pltpu.VMEM((CHUNK, HD), jnp.float32),
        pltpu.VMEM((ZROWS, HD), jnp.float32),
        pltpu.VMEM_SHARED((NACC, HD), jnp.float32),
        pltpu.SemaphoreType.DMA,
        pltpu.SemaphoreType.DMA,
        pltpu.SemaphoreType.DMA,
        pltpu.SemaphoreType.DMA,
    ],
)


def _k1_body(x_ref, w_ref, b_ref, d_ref, zp_ref, dv_ref):
    deg = d_ref[0][:, 0:1] + d_ref[1][:, 0:1] + 1.0
    dinv = lax.rsqrt(deg)
    z = jnp.dot(x_ref[...], w_ref[...], preferred_element_type=jnp.float32)
    z = (z + b_ref[...][None, :]) * dinv
    zp_ref[...] = jnp.stack([z[:, :HD], z[:, HD:]])
    dv_ref[...] = jnp.broadcast_to(dinv, (BLK, 8))


def _k2_body(p0_ref, p1_ref, zp_ref, dv_ref, w_ref, b_ref, z2p_ref):
    dinv = dv_ref[:, 0:1]
    p = jnp.concatenate([p0_ref[0], p1_ref[0]], axis=1)
    zp = jnp.concatenate([zp_ref[0], zp_ref[1]], axis=1)
    h = jnp.maximum((p + zp) * dinv, 0.0)
    z2 = jnp.dot(h, w_ref[...], preferred_element_type=jnp.float32)
    z2 = (z2 + b_ref[...][None, :]) * dinv
    z2p_ref[...] = jnp.stack([z2[:, :HD], z2[:, HD:]])


def _k3_body(q0_ref, q1_ref, z2p_ref, dv_ref, out_ref):
    dinv = dv_ref[:, 0:1]
    q = jnp.concatenate([q0_ref[0], q1_ref[0]], axis=1)
    zp = jnp.concatenate([z2p_ref[0], z2p_ref[1]], axis=1)
    out_ref[...] = (q + zp) * dinv


def kernel(x, edge_index, W1, b1, W2, b2):
    src = edge_index[0]
    dst = edge_index[1]
    pad = EPAD - E
    srcp = jnp.concatenate([src, jnp.zeros((pad,), jnp.int32)]).reshape(
        NS, CHUNKS_PER_TILE, CHUNK
    )
    dstp = jnp.concatenate(
        [dst, jnp.full((pad,), SCRATCH_ROW, jnp.int32)]
    ).reshape(NS, CHUNKS_PER_TILE, CHUNK)

    degp = _deg_kernel(dstp)

    zp, dv = pl.pallas_call(
        _k1_body,
        grid=(GRID,),
        in_specs=[
            pl.BlockSpec((BLK, D), lambda i: (i, 0)),
            pl.BlockSpec((D, D), lambda i: (0, 0)),
            pl.BlockSpec((D,), lambda i: (0,)),
            pl.BlockSpec((NC, BLK, 16), lambda i: (0, i, 0)),
        ],
        out_specs=[
            pl.BlockSpec((NC, BLK, HD), lambda i: (0, i, 0)),
            pl.BlockSpec((BLK, 8), lambda i: (i, 0)),
        ],
        out_shape=[
            jax.ShapeDtypeStruct((NC, N, HD), jnp.float32),
            jax.ShapeDtypeStruct((N, 8), jnp.float32),
        ],
    )(x, W1, b1, degp)

    part1 = _agg_kernel(zp, srcp, dstp)

    z2p = pl.pallas_call(
        _k2_body,
        grid=(GRID,),
        in_specs=[
            pl.BlockSpec((1, BLK, HD), lambda i: (0, i, 0)),
            pl.BlockSpec((1, BLK, HD), lambda i: (1, i, 0)),
            pl.BlockSpec((NC, BLK, HD), lambda i: (0, i, 0)),
            pl.BlockSpec((BLK, 8), lambda i: (i, 0)),
            pl.BlockSpec((D, D), lambda i: (0, 0)),
            pl.BlockSpec((D,), lambda i: (0,)),
        ],
        out_specs=pl.BlockSpec((NC, BLK, HD), lambda i: (0, i, 0)),
        out_shape=jax.ShapeDtypeStruct((NC, N, HD), jnp.float32),
    )(part1, part1, zp, dv, W2, b2)

    part2 = _agg_kernel(z2p, srcp, dstp)

    out = pl.pallas_call(
        _k3_body,
        grid=(GRID,),
        in_specs=[
            pl.BlockSpec((1, BLK, HD), lambda i: (0, i, 0)),
            pl.BlockSpec((1, BLK, HD), lambda i: (1, i, 0)),
            pl.BlockSpec((NC, BLK, HD), lambda i: (0, i, 0)),
            pl.BlockSpec((BLK, 8), lambda i: (i, 0)),
        ],
        out_specs=pl.BlockSpec((BLK, D), lambda i: (i, 0)),
        out_shape=jax.ShapeDtypeStruct((N, D), jnp.float32),
    )(part2, part2, z2p, dv)

    return out

# --- scband reference (transcript-rebuilt; emitter-appended) ---
"""Pipeline reference for scband-base-gnn-56633438765153 (READ-ONLY COPY).

The authoritative reference and input builder live on the scoring server;
editing this copy changes nothing except your own understanding.
"""

import jax, jax.numpy as jnp
import numpy as np

N = 10000
E = 320000
D = 128
H = 128


def setup_inputs(seed: int = 0) -> dict:
    key = jax.random.key(seed)
    k1, k2, k3, k4 = jax.random.split(key, 4)
    x = jax.random.normal(k1, (N, D), dtype=jnp.float32)
    edge_index = jax.random.randint(k2, (2, E), 0, N).astype(jnp.int32)
    W1 = jax.random.normal(k3, (D, H), dtype=jnp.float32) * (1.0 / np.sqrt(D))
    b1 = jnp.zeros((H,), dtype=jnp.float32)
    W2 = jax.random.normal(k4, (H, H), dtype=jnp.float32) * (1.0 / np.sqrt(H))
    b2 = jnp.zeros((H,), dtype=jnp.float32)
    return {"x": x, "edge_index": edge_index, "W1": W1, "b1": b1, "W2": W2, "b2": b2}


def _gcn_layer(h, src, dst, W, b, n_nodes):
    # Linear transform
    h = h @ W + b
    # Symmetric-normalized aggregation with self loops (GCNConv math)
    deg = jnp.zeros((n_nodes,), dtype=jnp.float32).at[dst].add(1.0)
    dinv = jnp.where(deg > 0, 1.0 / jnp.sqrt(deg), 0.0)
    norm = dinv[src] * dinv[dst]
    msg = h[src] * norm[:, None]
    out = jnp.zeros((n_nodes, h.shape[1]), dtype=h.dtype).at[dst].add(msg)
    return out


def reference(x, edge_index, W1, b1, W2, b2):
    src = edge_index[0]
    dst = edge_index[1]
    sl = jnp.arange(N, dtype=src.dtype)
    src = jnp.concatenate([src, sl])
    dst = jnp.concatenate([dst, sl])
    h = _gcn_layer(x, src, dst, W1, b1, N)
    h = jax.nn.relu(h)
    h = _gcn_layer(h, src, dst, W2, b2, N)
    return h

if __name__ == "__main__":
    import jax
    _d = setup_inputs()
    print(jax.jit(kernel)(*tuple(_d.values())))

</pallas_src>

<mosaic_0001>
#map = affine_map<(d0, d1) -> (0, 0, 0)>
module attributes {stable_mosaic.version = 14 : i64} {
  func.func @_agg_body(%arg0: i32, %arg1: i32, %arg2: memref<2x10000x64xf32, #tpu.memory_space<hbm>>, %arg3: memref<16x160x128xi32, #tpu.memory_space<hbm>>, %arg4: memref<16x160x128xi32, #tpu.memory_space<hbm>>, %arg5: memref<2x10240x64xf32, #tpu.memory_space<hbm>>, %arg6: memref<160x128xi32, #tpu.memory_space<vmem>>, %arg7: memref<160x128xi32, #tpu.memory_space<vmem>>, %arg8: memref<128x64xf32, #tpu.memory_space<vmem>>, %arg9: memref<128x64xf32, #tpu.memory_space<vmem>>, %arg10: memref<128x64xf32, #tpu.memory_space<vmem>>, %arg11: memref<128x64xf32, #tpu.memory_space<vmem>>, %arg12: memref<128x64xf32, #tpu.memory_space<vmem>>, %arg13: memref<10240x64xf32, #tpu.memory_space<vmem_shared>>, %arg14: memref<!tpu.dma_semaphore, #tpu.memory_space<semaphore_mem>>, %arg15: memref<!tpu.dma_semaphore, #tpu.memory_space<semaphore_mem>>, %arg16: memref<!tpu.dma_semaphore, #tpu.memory_space<semaphore_mem>>, %arg17: memref<!tpu.dma_semaphore, #tpu.memory_space<semaphore_mem>>) attributes {dimension_semantics = [#tpu.dimension_semantics<core_parallel>, #tpu.dimension_semantics<subcore_parallel>], iteration_bounds = array<i64: 2, 16>, scalar_prefetch = 0 : i64, scratch_operands = 12 : i64, tpu.core_type = #tpu.core_type<sc_vector_subcore>, window_params = [{transform_indices = #map}, {transform_indices = #map}, {transform_indices = #map}, {transform_indices = #map}]} {
    %broadcast_in_dim3A = arith.constant 0.000000e+00 : f32
    %broadcast_in_dim3A_0 = vector.broadcast %broadcast_in_dim3A : f32 to vector<16xf32>
    %scan3A = arith.constant 0 : i32
    %scan3A_1 = arith.constant 0 : i32
    %scan3A_2 = arith.constant 128 : i32
    %scan3A_3 = arith.addi %scan3A_1, %scan3A_2 : i32
    %scan3A_4 = arith.constant 1 : i32
    scf.for %scan3A_177 = %scan3A_1 to %scan3A_3 step %scan3A_4  : i32 {
      %swap3A = arith.index_cast %scan3A_177 : i32 to index
      %swap3A_178 = arith.constant 0 : index
      %swap3A_179 = tpu.vector_load %arg12[%swap3A, %swap3A_178] {strides = array<i32>} : memref<128x64xf32, #tpu.memory_space<vmem>>, vector<1x16xf32>,
      %swap3A_180 = vector.shape_cast %swap3A_179 : vector<1x16xf32> to vector<16xf32>
      %swap3A_181 = vector.shape_cast %broadcast_in_dim3A_0 : vector<16xf32> to vector<1x16xf32>
      tpu.vector_store %arg12[%swap3A, %swap3A_178], %swap3A_181 {strides = array<i32>} : memref<128x64xf32, #tpu.memory_space<vmem>>, vector<1x16xf32>,
      %swap3A_182 = arith.index_cast %scan3A_177 : i32 to index
      %swap3A_183 = arith.constant 16 : index
      %swap3A_184 = tpu.vector_load %arg12[%swap3A_182, %swap3A_183] {strides = array<i32>} : memref<128x64xf32, #tpu.memory_space<vmem>>, vector<1x16xf32>,
      %swap3A_185 = vector.shape_cast %swap3A_184 : vector<1x16xf32> to vector<16xf32>
      %swap3A_186 = vector.shape_cast %broadcast_in_dim3A_0 : vector<16xf32> to vector<1x16xf32>
      tpu.vector_store %arg12[%swap3A_182, %swap3A_183], %swap3A_186 {strides = array<i32>} : memref<128x64xf32, #tpu.memory_space<vmem>>, vector<1x16xf32>,
      %swap3A_187 = arith.index_cast %scan3A_177 : i32 to index
      %swap3A_188 = arith.constant 32 : index
      %swap3A_189 = tpu.vector_load %arg12[%swap3A_187, %swap3A_188] {strides = array<i32>} : memref<128x64xf32, #tpu.memory_space<vmem>>, vector<1x16xf32>,
      %swap3A_190 = vector.shape_cast %swap3A_189 : vector<1x16xf32> to vector<16xf32>
      %swap3A_191 = vector.shape_cast %broadcast_in_dim3A_0 : vector<16xf32> to vector<1x16xf32>
      tpu.vector_store %arg12[%swap3A_187, %swap3A_188], %swap3A_191 {strides = array<i32>} : memref<128x64xf32, #tpu.memory_space<vmem>>, vector<1x16xf32>,
      %swap3A_192 = arith.index_cast %scan3A_177 : i32 to index
      %swap3A_193 = arith.constant 48 : index
      %swap3A_194 = tpu.vector_load %arg12[%swap3A_192, %swap3A_193] {strides = array<i32>} : memref<128x64xf32, #tpu.memory_space<vmem>>, vector<1x16xf32>,
      %swap3A_195 = vector.shape_cast %swap3A_194 : vector<1x16xf32> to vector<16xf32>
      %swap3A_196 = vector.shape_cast %broadcast_in_dim3A_0 : vector<16xf32> to vector<1x16xf32>
      tpu.vector_store %arg12[%swap3A_192, %swap3A_193], %swap3A_196 {strides = array<i32>} : memref<128x64xf32, #tpu.memory_space<vmem>>, vector<1x16xf32>,
    }
    %scan3A_5 = arith.constant 128 : i32
    %mul3A = arith.constant 640 : i32
    %mul3A_6 = arith.muli %arg1, %mul3A : i32
    %add3A = arith.constant 0 : i32
    %add3A_7 = arith.addi %mul3A_6, %add3A : i32
    "tpu.region"() ({
      %run_scoped3A = tpu.sem_alloc : memref<!tpu.dma_semaphore, #tpu.memory_space<semaphore_mem>>
      %dma_start3A_177 = arith.constant 0 : i32
      %dma_start3A_178 = tpu.memref_slice %arg13[%add3A_7, %dma_start3A_177] : memref<10240x64xf32, #tpu.memory_space<vmem_shared>> -> memref<128x64xf32, #tpu.memory_space<vmem_shared>>
      %dma_start3A_179 = arith.constant 0 : i32
      %dma_start3A_180 = tpu.memref_slice %arg13[%add3A_7, %dma_start3A_179] : memref<10240x64xf32, #tpu.memory_space<vmem_shared>> -> memref<128x64xf32, #tpu.memory_space<vmem_shared>>
      tpu.enqueue_dma source(%arg12 : memref<128x64xf32, #tpu.memory_space<vmem>>) target(%dma_start3A_180 : memref<128x64xf32, #tpu.memory_space<vmem_shared>>) target_semaphore(%run_scoped3A : memref<!tpu.dma_semaphore, #tpu.memory_space<semaphore_mem>>)
      %dma_wait3A_181 = arith.constant 0 : i32
      %dma_wait3A_182 = tpu.memref_slice %arg13[%add3A_7, %dma_wait3A_181] : memref<10240x64xf32, #tpu.memory_space<vmem_shared>> -> memref<128x64xf32, #tpu.memory_space<vmem_shared>>
      %dma_wait3A_183 = arith.constant 0 : i32
      %dma_wait3A_184 = tpu.memref_slice %arg13[%add3A_7, %dma_wait3A_183] : memref<10240x64xf32, #tpu.memory_space<vmem_shared>> -> memref<128x64xf32, #tpu.memory_space<vmem_shared>>
      tpu.wait_dma2 semaphore(%run_scoped3A : memref<!tpu.dma_semaphore, #tpu.memory_space<semaphore_mem>>) src(%arg12 : memref<128x64xf32, #tpu.memory_space<vmem>>) dst(%dma_wait3A_184 : memref<128x64xf32, #tpu.memory_space<vmem_shared>>)
      tpu.yield
    }) : () -> ()
    %mul3A_8 = arith.constant 640 : i32
    %mul3A_9 = arith.muli %arg1, %mul3A_8 : i32
    %add3A_10 = arith.constant 128 : i32
    %add3A_11 = arith.addi %mul3A_9, %add3A_10 : i32
    "tpu.region"() ({
      %run_scoped3A = tpu.sem_alloc : memref<!tpu.dma_semaphore, #tpu.memory_space<semaphore_mem>>
      %dma_start3A_177 = arith.constant 0 : i32
      %dma_start3A_178 = tpu.memref_slice %arg13[%add3A_11, %dma_start3A_177] : memref<10240x64xf32, #tpu.memory_space<vmem_shared>> -> memref<128x64xf32, #tpu.memory_space<vmem_shared>>
      %dma_start3A_179 = arith.constant 0 : i32
      %dma_start3A_180 = tpu.memref_slice %arg13[%add3A_11, %dma_start3A_179] : memref<10240x64xf32, #tpu.memory_space<vmem_shared>> -> memref<128x64xf32, #tpu.memory_space<vmem_shared>>
      tpu.enqueue_dma source(%arg12 : memref<128x64xf32, #tpu.memory_space<vmem>>) target(%dma_start3A_180 : memref<128x64xf32, #tpu.memory_space<vmem_shared>>) target_semaphore(%run_scoped3A : memref<!tpu.dma_semaphore, #tpu.memory_space<semaphore_mem>>)
      %dma_wait3A_181 = arith.constant 0 : i32
      %dma_wait3A_182 = tpu.memref_slice %arg13[%add3A_11, %dma_wait3A_181] : memref<10240x64xf32, #tpu.memory_space<vmem_shared>> -> memref<128x64xf32, #tpu.memory_space<vmem_shared>>
      %dma_wait3A_183 = arith.constant 0 : i32
      %dma_wait3A_184 = tpu.memref_slice %arg13[%add3A_11, %dma_wait3A_183] : memref<10240x64xf32, #tpu.memory_space<vmem_shared>> -> memref<128x64xf32, #tpu.memory_space<vmem_shared>>
      tpu.wait_dma2 semaphore(%run_scoped3A : memref<!tpu.dma_semaphore, #tpu.memory_space<semaphore_mem>>) src(%arg12 : memref<128x64xf32, #tpu.memory_space<vmem>>) dst(%dma_wait3A_184 : memref<128x64xf32, #tpu.memory_space<vmem_shared>>)
      tpu.yield
    }) : () -> ()
    %mul3A_12 = arith.constant 640 : i32
    %mul3A_13 = arith.muli %arg1, %mul3A_12 : i32
    %add3A_14 = arith.constant 256 : i32
    %add3A_15 = arith.addi %mul3A_13, %add3A_14 : i32
    "tpu.region"() ({
      %run_scoped3A = tpu.sem_alloc : memref<!tpu.dma_semaphore, #tpu.memory_space<semaphore_mem>>
      %dma_start3A_177 = arith.constant 0 : i32
      %dma_start3A_178 = tpu.memref_slice %arg13[%add3A_15, %dma_start3A_177] : memref<10240x64xf32, #tpu.memory_space<vmem_shared>> -> memref<128x64xf32, #tpu.memory_space<vmem_shared>>
      %dma_start3A_179 = arith.constant 0 : i32
      %dma_start3A_180 = tpu.memref_slice %arg13[%add3A_15, %dma_start3A_179] : memref<10240x64xf32, #tpu.memory_space<vmem_shared>> -> memref<128x64xf32, #tpu.memory_space<vmem_shared>>
      tpu.enqueue_dma source(%arg12 : memref<128x64xf32, #tpu.memory_space<vmem>>) target(%dma_start3A_180 : memref<128x64xf32, #tpu.memory_space<vmem_shared>>) target_semaphore(%run_scoped3A : memref<!tpu.dma_semaphore, #tpu.memory_space<semaphore_mem>>)
      %dma_wait3A_181 = arith.constant 0 : i32
      %dma_wait3A_182 = tpu.memref_slice %arg13[%add3A_15, %dma_wait3A_181] : memref<10240x64xf32, #tpu.memory_space<vmem_shared>> -> memref<128x64xf32, #tpu.memory_space<vmem_shared>>
      %dma_wait3A_183 = arith.constant 0 : i32
      %dma_wait3A_184 = tpu.memref_slice %arg13[%add3A_15, %dma_wait3A_183] : memref<10240x64xf32, #tpu.memory_space<vmem_shared>> -> memref<128x64xf32, #tpu.memory_space<vmem_shared>>
      tpu.wait_dma2 semaphore(%run_scoped3A : memref<!tpu.dma_semaphore, #tpu.memory_space<semaphore_mem>>) src(%arg12 : memref<128x64xf32, #tpu.memory_space<vmem>>) dst(%dma_wait3A_184 : memref<128x64xf32, #tpu.memory_space<vmem_shared>>)
      tpu.yield
    }) : () -> ()
    %mul3A_16 = arith.constant 640 : i32
    %mul3A_17 = arith.muli %arg1, %mul3A_16 : i32
    %add3A_18 = arith.constant 384 : i32
    %add3A_19 = arith.addi %mul3A_17, %add3A_18 : i32
    "tpu.region"() ({
      %run_scoped3A = tpu.sem_alloc : memref<!tpu.dma_semaphore, #tpu.memory_space<semaphore_mem>>
      %dma_start3A_177 = arith.constant 0 : i32
      %dma_start3A_178 = tpu.memref_slice %arg13[%add3A_19, %dma_start3A_177] : memref<10240x64xf32, #tpu.memory_space<vmem_shared>> -> memref<128x64xf32, #tpu.memory_space<vmem_shared>>
      %dma_start3A_179 = arith.constant 0 : i32
      %dma_start3A_180 = tpu.memref_slice %arg13[%add3A_19, %dma_start3A_179] : memref<10240x64xf32, #tpu.memory_space<vmem_shared>> -> memref<128x64xf32, #tpu.memory_space<vmem_shared>>
      tpu.enqueue_dma source(%arg12 : memref<128x64xf32, #tpu.memory_space<vmem>>) target(%dma_start3A_180 : memref<128x64xf32, #tpu.memory_space<vmem_shared>>) target_semaphore(%run_scoped3A : memref<!tpu.dma_semaphore, #tpu.memory_space<semaphore_mem>>)
      %dma_wait3A_181 = arith.constant 0 : i32
      %dma_wait3A_182 = tpu.memref_slice %arg13[%add3A_19, %dma_wait3A_181] : memref<10240x64xf32, #tpu.memory_space<vmem_shared>> -> memref<128x64xf32, #tpu.memory_space<vmem_shared>>
      %dma_wait3A_183 = arith.constant 0 : i32
      %dma_wait3A_184 = tpu.memref_slice %arg13[%add3A_19, %dma_wait3A_183] : memref<10240x64xf32, #tpu.memory_space<vmem_shared>> -> memref<128x64xf32, #tpu.memory_space<vmem_shared>>
      tpu.wait_dma2 semaphore(%run_scoped3A : memref<!tpu.dma_semaphore, #tpu.memory_space<semaphore_mem>>) src(%arg12 : memref<128x64xf32, #tpu.memory_space<vmem>>) dst(%dma_wait3A_184 : memref<128x64xf32, #tpu.memory_space<vmem_shared>>)
      tpu.yield
    }) : () -> ()
    %mul3A_20 = arith.constant 640 : i32
    %mul3A_21 = arith.muli %arg1, %mul3A_20 : i32
    %add3A_22 = arith.constant 512 : i32
    %add3A_23 = arith.addi %mul3A_21, %add3A_22 : i32
    "tpu.region"() ({
      %run_scoped3A = tpu.sem_alloc : memref<!tpu.dma_semaphore, #tpu.memory_space<semaphore_mem>>
      %dma_start3A_177 = arith.constant 0 : i32
      %dma_start3A_178 = tpu.memref_slice %arg13[%add3A_23, %dma_start3A_177] : memref<10240x64xf32, #tpu.memory_space<vmem_shared>> -> memref<128x64xf32, #tpu.memory_space<vmem_shared>>
      %dma_start3A_179 = arith.constant 0 : i32
      %dma_start3A_180 = tpu.memref_slice %arg13[%add3A_23, %dma_start3A_179] : memref<10240x64xf32, #tpu.memory_space<vmem_shared>> -> memref<128x64xf32, #tpu.memory_space<vmem_shared>>
      tpu.enqueue_dma source(%arg12 : memref<128x64xf32, #tpu.memory_space<vmem>>) target(%dma_start3A_180 : memref<128x64xf32, #tpu.memory_space<vmem_shared>>) target_semaphore(%run_scoped3A : memref<!tpu.dma_semaphore, #tpu.memory_space<semaphore_mem>>)
      %dma_wait3A_181 = arith.constant 0 : i32
      %dma_wait3A_182 = tpu.memref_slice %arg13[%add3A_23, %dma_wait3A_181] : memref<10240x64xf32, #tpu.memory_space<vmem_shared>> -> memref<128x64xf32, #tpu.memory_space<vmem_shared>>
      %dma_wait3A_183 = arith.constant 0 : i32
      %dma_wait3A_184 = tpu.memref_slice %arg13[%add3A_23, %dma_wait3A_183] : memref<10240x64xf32, #tpu.memory_space<vmem_shared>> -> memref<128x64xf32, #tpu.memory_space<vmem_shared>>
      tpu.wait_dma2 semaphore(%run_scoped3A : memref<!tpu.dma_semaphore, #tpu.memory_space<semaphore_mem>>) src(%arg12 : memref<128x64xf32, #tpu.memory_space<vmem>>) dst(%dma_wait3A_184 : memref<128x64xf32, #tpu.memory_space<vmem_shared>>)
      tpu.yield
    }) : () -> ()
    "tpu.region"() ({
      %run_scoped3A = tpu.sem_alloc : memref<!tpu.dma_semaphore, #tpu.memory_space<semaphore_mem>>
      %dma_start3A_177 = arith.constant 0 : i32
      %dma_start3A_178 = arith.constant 0 : i32
      %dma_start3A_179 = tpu.memref_slice %arg3[%arg1, %dma_start3A_177, %dma_start3A_178] : memref<16x160x128xi32, #tpu.memory_space<hbm>> -> memref<1x160x128xi32, #tpu.memory_space<hbm>>
      %dma_start3A_180 = tpu.memref_squeeze %dma_start3A_179 : memref<1x160x128xi32, #tpu.memory_space<hbm>> -> memref<160x128xi32, #tpu.memory_space<hbm>>
      %dma_start3A_181 = arith.constant 0 : i32
      %dma_start3A_182 = arith.constant 0 : i32
      %dma_start3A_183 = tpu.memref_slice %arg3[%arg1, %dma_start3A_181, %dma_start3A_182] : memref<16x160x128xi32, #tpu.memory_space<hbm>> -> memref<1x160x128xi32, #tpu.memory_space<hbm>>
      %dma_start3A_184 = tpu.memref_squeeze %dma_start3A_183 : memref<1x160x128xi32, #tpu.memory_space<hbm>> -> memref<160x128xi32, #tpu.memory_space<hbm>>
      tpu.enqueue_dma source(%dma_start3A_184 : memref<160x128xi32, #tpu.memory_space<hbm>>) target(%arg6 : memref<160x128xi32, #tpu.memory_space<vmem>>) target_semaphore(%run_scoped3A : memref<!tpu.dma_semaphore, #tpu.memory_space<semaphore_mem>>)
      %dma_wait3A_185 = arith.constant 0 : i32
      %dma_wait3A_186 = arith.constant 0 : i32
      %dma_wait3A_187 = tpu.memref_slice %arg3[%arg1, %dma_wait3A_185, %dma_wait3A_186] : memref<16x160x128xi32, #tpu.memory_space<hbm>> -> memref<1x160x128xi32, #tpu.memory_space<hbm>>
      %dma_wait3A_188 = tpu.memref_squeeze %dma_wait3A_187 : memref<1x160x128xi32, #tpu.memory_space<hbm>> -> memref<160x128xi32, #tpu.memory_space<hbm>>
      %dma_wait3A_189 = arith.constant 0 : i32
      %dma_wait3A_190 = arith.constant 0 : i32
      %dma_wait3A_191 = tpu.memref_slice %arg3[%arg1, %dma_wait3A_189, %dma_wait3A_190] : memref<16x160x128xi32, #tpu.memory_space<hbm>> -> memref<1x160x128xi32, #tpu.memory_space<hbm>>
      %dma_wait3A_192 = tpu.memref_squeeze %dma_wait3A_191 : memref<1x160x128xi32, #tpu.memory_space<hbm>> -> memref<160x128xi32, #tpu.memory_space<hbm>>
      tpu.wait_dma2 semaphore(%run_scoped3A : memref<!tpu.dma_semaphore, #tpu.memory_space<semaphore_mem>>) src(%dma_wait3A_192 : memref<160x128xi32, #tpu.memory_space<hbm>>) dst(%arg6 : memref<160x128xi32, #tpu.memory_space<vmem>>)
      tpu.yield
    }) : () -> ()
    "tpu.region"() ({
      %run_scoped3A = tpu.sem_alloc : memref<!tpu.dma_semaphore, #tpu.memory_space<semaphore_mem>>
      %dma_start3A_177 = arith.constant 0 : i32
      %dma_start3A_178 = arith.constant 0 : i32
      %dma_start3A_179 = tpu.memref_slice %arg4[%arg1, %dma_start3A_177, %dma_start3A_178] : memref<16x160x128xi32, #tpu.memory_space<hbm>> -> memref<1x160x128xi32, #tpu.memory_space<hbm>>
      %dma_start3A_180 = tpu.memref_squeeze %dma_start3A_179 : memref<1x160x128xi32, #tpu.memory_space<hbm>> -> memref<160x128xi32, #tpu.memory_space<hbm>>
      %dma_start3A_181 = arith.constant 0 : i32
      %dma_start3A_182 = arith.constant 0 : i32
      %dma_start3A_183 = tpu.memref_slice %arg4[%arg1, %dma_start3A_181, %dma_start3A_182] : memref<16x160x128xi32, #tpu.memory_space<hbm>> -> memref<1x160x128xi32, #tpu.memory_space<hbm>>
      %dma_start3A_184 = tpu.memref_squeeze %dma_start3A_183 : memref<1x160x128xi32, #tpu.memory_space<hbm>> -> memref<160x128xi32, #tpu.memory_space<hbm>>
      tpu.enqueue_dma source(%dma_start3A_184 : memref<160x128xi32, #tpu.memory_space<hbm>>) target(%arg7 : memref<160x128xi32, #tpu.memory_space<vmem>>) target_semaphore(%run_scoped3A : memref<!tpu.dma_semaphore, #tpu.memory_space<semaphore_mem>>)
      %dma_wait3A_185 = arith.constant 0 : i32
      %dma_wait3A_186 = arith.constant 0 : i32
      %dma_wait3A_187 = tpu.memref_slice %arg4[%arg1, %dma_wait3A_185, %dma_wait3A_186] : memref<16x160x128xi32, #tpu.memory_space<hbm>> -> memref<1x160x128xi32, #tpu.memory_space<hbm>>
      %dma_wait3A_188 = tpu.memref_squeeze %dma_wait3A_187 : memref<1x160x128xi32, #tpu.memory_space<hbm>> -> memref<160x128xi32, #tpu.memory_space<hbm>>
      %dma_wait3A_189 = arith.constant 0 : i32
      %dma_wait3A_190 = arith.constant 0 : i32
      %dma_wait3A_191 = tpu.memref_slice %arg4[%arg1, %dma_wait3A_189, %dma_wait3A_190] : memref<16x160x128xi32, #tpu.memory_space<hbm>> -> memref<1x160x128xi32, #tpu.memory_space<hbm>>
      %dma_wait3A_192 = tpu.memref_squeeze %dma_wait3A_191 : memref<1x160x128xi32, #tpu.memory_space<hbm>> -> memref<160x128xi32, #tpu.memory_space<hbm>>
      tpu.wait_dma2 semaphore(%run_scoped3A : memref<!tpu.dma_semaphore, #tpu.memory_space<semaphore_mem>>) src(%dma_wait3A_192 : memref<160x128xi32, #tpu.memory_space<hbm>>) dst(%arg7 : memref<160x128xi32, #tpu.memory_space<vmem>>)
      tpu.yield
    }) : () -> ()
    %barrier3A = arith.constant 0 : index
    tpu.barrier barrier_id(%barrier3A)
    %dma_start3A = arith.constant 0 : i32
    %dma_start3A_24 = arith.constant 0 : i32
    %dma_start3A_25 = tpu.memref_slice %arg6[%dma_start3A, %dma_start3A_24] : memref<160x128xi32, #tpu.memory_space<vmem>> -> memref<1x128xi32, #tpu.memory_space<vmem>>
    %dma_start3A_26 = tpu.memref_squeeze %dma_start3A_25 : memref<1x128xi32, #tpu.memory_space<vmem>> -> memref<128xi32, #tpu.memory_space<vmem>>
    %dma_start3A_27 = arith.constant 0 : i32
    %dma_start3A_28 = arith.constant 0 : i32
    %dma_start3A_29 = tpu.memref_slice %arg2[%arg0, %dma_start3A_27, %dma_start3A_28] : memref<2x10000x64xf32, #tpu.memory_space<hbm>> -> memref<1x10000x64xf32, #tpu.memory_space<hbm>>
    %dma_start3A_30 = tpu.memref_squeeze %dma_start3A_29 : memref<1x10000x64xf32, #tpu.memory_space<hbm>> -> memref<10000x64xf32, #tpu.memory_space<hbm>>
    %dma_start3A_31 = arith.constant 0 : i32
    %dma_start3A_32 = arith.constant 0 : i32
    %dma_start3A_33 = tpu.memref_slice %dma_start3A_30[%dma_start3A_31, %dma_start3A_32] : memref<10000x64xf32, #tpu.memory_space<hbm>> -> memref<10000x64xf32, #tpu.memory_space<hbm>>
    tpu.enqueue_indirect_dma source(%dma_start3A_33 : memref<10000x64xf32, #tpu.memory_space<hbm>>) target(%arg8 : memref<128x64xf32, #tpu.memory_space<vmem>>) offsets(%dma_start3A_26 : memref<128xi32, #tpu.memory_space<vmem>>) semaphore(%arg14 : memref<!tpu.dma_semaphore, #tpu.memory_space<semaphore_mem>>)
    %dma_start3A_34 = arith.constant 1 : i32
    %dma_start3A_35 = arith.constant 0 : i32
    %dma_start3A_36 = tpu.memref_slice %arg6[%dma_start3A_34, %dma_start3A_35] : memref<160x128xi32, #tpu.memory_space<vmem>> -> memref<1x128xi32, #tpu.memory_space<vmem>>
    %dma_start3A_37 = tpu.memref_squeeze %dma_start3A_36 : memref<1x128xi32, #tpu.memory_space<vmem>> -> memref<128xi32, #tpu.memory_space<vmem>>
    %dma_start3A_38 = arith.constant 0 : i32
    %dma_start3A_39 = arith.constant 0 : i32
    %dma_start3A_40 = tpu.memref_slice %arg2[%arg0, %dma_start3A_38, %dma_start3A_39] : memref<2x10000x64xf32, #tpu.memory_space<hbm>> -> memref<1x10000x64xf32, #tpu.memory_space<hbm>>
    %dma_start3A_41 = tpu.memref_squeeze %dma_start3A_40 : memref<1x10000x64xf32, #tpu.memory_space<hbm>> -> memref<10000x64xf32, #tpu.memory_space<hbm>>
    %dma_start3A_42 = arith.constant 0 : i32
    %dma_start3A_43 = arith.constant 0 : i32
    %dma_start3A_44 = tpu.memref_slice %dma_start3A_41[%dma_start3A_42, %dma_start3A_43] : memref<10000x64xf32, #tpu.memory_space<hbm>> -> memref<10000x64xf32, #tpu.memory_space<hbm>>
    tpu.enqueue_indirect_dma source(%dma_start3A_44 : memref<10000x64xf32, #tpu.memory_space<hbm>>) target(%arg9 : memref<128x64xf32, #tpu.memory_space<vmem>>) offsets(%dma_start3A_37 : memref<128xi32, #tpu.memory_space<vmem>>) semaphore(%arg15 : memref<!tpu.dma_semaphore, #tpu.memory_space<semaphore_mem>>)
    %dma_start3A_45 = arith.constant 2 : i32
    %dma_start3A_46 = arith.constant 0 : i32
    %dma_start3A_47 = tpu.memref_slice %arg6[%dma_start3A_45, %dma_start3A_46] : memref<160x128xi32, #tpu.memory_space<vmem>> -> memref<1x128xi32, #tpu.memory_space<vmem>>
    %dma_start3A_48 = tpu.memref_squeeze %dma_start3A_47 : memref<1x128xi32, #tpu.memory_space<vmem>> -> memref<128xi32, #tpu.memory_space<vmem>>
    %dma_start3A_49 = arith.constant 0 : i32
    %dma_start3A_50 = arith.constant 0 : i32
    %dma_start3A_51 = tpu.memref_slice %arg2[%arg0, %dma_start3A_49, %dma_start3A_50] : memref<2x10000x64xf32, #tpu.memory_space<hbm>> -> memref<1x10000x64xf32, #tpu.memory_space<hbm>>
    %dma_start3A_52 = tpu.memref_squeeze %dma_start3A_51 : memref<1x10000x64xf32, #tpu.memory_space<hbm>> -> memref<10000x64xf32, #tpu.memory_space<hbm>>
    %dma_start3A_53 = arith.constant 0 : i32
    %dma_start3A_54 = arith.constant 0 : i32
    %dma_start3A_55 = tpu.memref_slice %dma_start3A_52[%dma_start3A_53, %dma_start3A_54] : memref<10000x64xf32, #tpu.memory_space<hbm>> -> memref<10000x64xf32, #tpu.memory_space<hbm>>
    tpu.enqueue_indirect_dma source(%dma_start3A_55 : memref<10000x64xf32, #tpu.memory_space<hbm>>) target(%arg10 : memref<128x64xf32, #tpu.memory_space<vmem>>) offsets(%dma_start3A_48 : memref<128xi32, #tpu.memory_space<vmem>>) semaphore(%arg16 : memref<!tpu.dma_semaphore, #tpu.memory_space<semaphore_mem>>)
    %dma_wait3A = arith.constant 0 : i32
    %dma_wait3A_56 = arith.constant 0 : i32
    %dma_wait3A_57 = tpu.memref_slice %arg6[%dma_wait3A, %dma_wait3A_56] : memref<160x128xi32, #tpu.memory_space<vmem>> -> memref<1x128xi32, #tpu.memory_space<vmem>>
    %dma_wait3A_58 = tpu.memref_squeeze %dma_wait3A_57 : memref<1x128xi32, #tpu.memory_space<vmem>> -> memref<128xi32, #tpu.memory_space<vmem>>
    %dma_wait3A_59 = arith.constant 0 : i32
    %dma_wait3A_60 = arith.constant 0 : i32
    %dma_wait3A_61 = tpu.memref_slice %arg2[%arg0, %dma_wait3A_59, %dma_wait3A_60] : memref<2x10000x64xf32, #tpu.memory_space<hbm>> -> memref<1x10000x64xf32, #tpu.memory_space<hbm>>
    %dma_wait3A_62 = tpu.memref_squeeze %dma_wait3A_61 : memref<1x10000x64xf32, #tpu.memory_space<hbm>> -> memref<10000x64xf32, #tpu.memory_space<hbm>>
    %dma_wait3A_63 = arith.constant 0 : i32
    %dma_wait3A_64 = arith.constant 0 : i32
    %dma_wait3A_65 = tpu.memref_slice %dma_wait3A_62[%dma_wait3A_63, %dma_wait3A_64] : memref<10000x64xf32, #tpu.memory_space<hbm>> -> memref<10000x64xf32, #tpu.memory_space<hbm>>
    tpu.wait_indirect_dma semaphore(%arg14 : memref<!tpu.dma_semaphore, #tpu.memory_space<semaphore_mem>>) src(%dma_wait3A_65 : memref<10000x64xf32, #tpu.memory_space<hbm>>) dst(%arg8 : memref<128x64xf32, #tpu.memory_space<vmem>>)
    %dma_start3A_66 = arith.constant 0 : i32
    %dma_start3A_67 = arith.constant 0 : i32
    %dma_start3A_68 = tpu.memref_slice %arg7[%dma_start3A_66, %dma_start3A_67] : memref<160x128xi32, #tpu.memory_space<vmem>> -> memref<1x128xi32, #tpu.memory_space<vmem>>
    %dma_start3A_69 = tpu.memref_squeeze %dma_start3A_68 : memref<1x128xi32, #tpu.memory_space<vmem>> -> memref<128xi32, #tpu.memory_space<vmem>>
    %dma_start3A_70 = arith.constant 0 : i32
    %dma_start3A_71 = arith.constant 0 : i32
    %dma_start3A_72 = tpu.memref_slice %arg13[%dma_start3A_70, %dma_start3A_71] : memref<10240x64xf32, #tpu.memory_space<vmem_shared>> -> memref<10240x64xf32, #tpu.memory_space<vmem_shared>>
    tpu.enqueue_indirect_dma source(%arg8 : memref<128x64xf32, #tpu.memory_space<vmem>>) target(%dma_start3A_72 : memref<10240x64xf32, #tpu.memory_space<vmem_shared>>) offsets(%dma_start3A_69 : memref<128xi32, #tpu.memory_space<vmem>>) semaphore(%arg14 : memref<!tpu.dma_semaphore, #tpu.memory_space<semaphore_mem>>) {add = true}
    %dma_start3A_73 = arith.constant 3 : i32
    %dma_start3A_74 = arith.constant 0 : i32
    %dma_start3A_75 = tpu.memref_slice %arg6[%dma_start3A_73, %dma_start3A_74] : memref<160x128xi32, #tpu.memory_space<vmem>> -> memref<1x128xi32, #tpu.memory_space<vmem>>
    %dma_start3A_76 = tpu.memref_squeeze %dma_start3A_75 : memref<1x128xi32, #tpu.memory_space<vmem>> -> memref<128xi32, #tpu.memory_space<vmem>>
    %dma_start3A_77 = arith.constant 0 : i32
    %dma_start3A_78 = arith.constant 0 : i32
    %dma_start3A_79 = tpu.memref_slice %arg2[%arg0, %dma_start3A_77, %dma_start3A_78] : memref<2x10000x64xf32, #tpu.memory_space<hbm>> -> memref<1x10000x64xf32, #tpu.memory_space<hbm>>
    %dma_start3A_80 = tpu.memref_squeeze %dma_start3A_79 : memref<1x10000x64xf32, #tpu.memory_space<hbm>> -> memref<10000x64xf32, #tpu.memory_space<hbm>>
    %dma_start3A_81 = arith.constant 0 : i32
    %dma_start3A_82 = arith.constant 0 : i32
    %dma_start3A_83 = tpu.memref_slice %dma_start3A_80[%dma_start3A_81, %dma_start3A_82] : memref<10000x64xf32, #tpu.memory_space<hbm>> -> memref<10000x64xf32, #tpu.memory_space<hbm>>
    tpu.enqueue_indirect_dma source(%dma_start3A_83 : memref<10000x64xf32, #tpu.memory_space<hbm>>) target(%arg11 : memref<128x64xf32, #tpu.memory_space<vmem>>) offsets(%dma_start3A_76 : memref<128xi32, #tpu.memory_space<vmem>>) semaphore(%arg17 : memref<!tpu.dma_semaphore, #tpu.memory_space<semaphore_mem>>)
    %dma_wait3A_84 = arith.constant 0 : i32
    %dma_wait3A_85 = arith.constant 0 : i32
    %dma_wait3A_86 = tpu.memref_slice %arg6[%dma_wait3A_84, %dma_wait3A_85] : memref<160x128xi32, #tpu.memory_space<vmem>> -> memref<1x128xi32, #tpu.memory_space<vmem>>
    %dma_wait3A_87 = tpu.memref_squeeze %dma_wait3A_86 : memref<1x128xi32, #tpu.memory_space<vmem>> -> memref<128xi32, #tpu.memory_space<vmem>>
    %dma_wait3A_88 = arith.constant 0 : i32
    %dma_wait3A_89 = arith.constant 0 : i32
    %dma_wait3A_90 = tpu.memref_slice %arg2[%arg0, %dma_wait3A_88, %dma_wait3A_89] : memref<2x10000x64xf32, #tpu.memory_space<hbm>> -> memref<1x10000x64xf32, #tpu.memory_space<hbm>>
    %dma_wait3A_91 = tpu.memref_squeeze %dma_wait3A_90 : memref<1x10000x64xf32, #tpu.memory_space<hbm>> -> memref<10000x64xf32, #tpu.memory_space<hbm>>
    %dma_wait3A_92 = arith.constant 0 : i32
    %dma_wait3A_93 = arith.constant 0 : i32
    %dma_wait3A_94 = tpu.memref_slice %dma_wait3A_91[%dma_wait3A_92, %dma_wait3A_93] : memref<10000x64xf32, #tpu.memory_space<hbm>> -> memref<10000x64xf32, #tpu.memory_space<hbm>>
    tpu.wait_indirect_dma semaphore(%arg15 : memref<!tpu.dma_semaphore, #tpu.memory_space<semaphore_mem>>) src(%dma_wait3A_94 : memref<10000x64xf32, #tpu.memory_space<hbm>>) dst(%arg9 : memref<128x64xf32, #tpu.memory_space<vmem>>)
    %dma_start3A_95 = arith.constant 1 : i32
    %dma_start3A_96 = arith.constant 0 : i32
    %dma_start3A_97 = tpu.memref_slice %arg7[%dma_start3A_95, %dma_start3A_96] : memref<160x128xi32, #tpu.memory_space<vmem>> -> memref<1x128xi32, #tpu.memory_space<vmem>>
    %dma_start3A_98 = tpu.memref_squeeze %dma_start3A_97 : memref<1x128xi32, #tpu.memory_space<vmem>> -> memref<128xi32, #tpu.memory_space<vmem>>
    %dma_start3A_99 = arith.constant 0 : i32
    %dma_start3A_100 = arith.constant 0 : i32
    %dma_start3A_101 = tpu.memref_slice %arg13[%dma_start3A_99, %dma_start3A_100] : memref<10240x64xf32, #tpu.memory_space<vmem_shared>> -> memref<10240x64xf32, #tpu.memory_space<vmem_shared>>
    tpu.enqueue_indirect_dma source(%arg9 : memref<128x64xf32, #tpu.memory_space<vmem>>) target(%dma_start3A_101 : memref<10240x64xf32, #tpu.memory_space<vmem_shared>>) offsets(%dma_start3A_98 : memref<128xi32, #tpu.memory_space<vmem>>) semaphore(%arg15 : memref<!tpu.dma_semaphore, #tpu.memory_space<semaphore_mem>>) {add = true}
    %scan3A_102 = arith.constant 0 : i32
    %scan3A_103 = arith.constant 0 : i32
    %scan3A_104 = arith.constant 39 : i32
    %scan3A_105 = arith.addi %scan3A_103, %scan3A_104 : i32
    %scan3A_106 = arith.constant 1 : i32
    scf.for %scan3A_177 = %scan3A_103 to %scan3A_105 step %scan3A_106  : i32 {
      %mul3A_178 = arith.constant 4 : i32
      %mul3A_179 = arith.muli %mul3A_178, %scan3A_177 : i32
      %add3A_180 = arith.constant 2 : i32
      %add3A_181 = arith.addi %mul3A_179, %add3A_180 : i32
      %add3A_182 = arith.constant 0 : i32
      %add3A_183 = arith.addi %add3A_181, %add3A_182 : i32
      %dma_wait3A_184 = arith.constant 0 : i32
      %dma_wait3A_185 = arith.constant 0 : i32
      %dma_wait3A_186 = tpu.memref_slice %arg7[%dma_wait3A_184, %dma_wait3A_185] : memref<160x128xi32, #tpu.memory_space<vmem>> -> memref<1x128xi32, #tpu.memory_space<vmem>>
      %dma_wait3A_187 = tpu.memref_squeeze %dma_wait3A_186 : memref<1x128xi32, #tpu.memory_space<vmem>> -> memref<128xi32, #tpu.memory_space<vmem>>
      %dma_wait3A_188 = arith.constant 0 : i32
      %dma_wait3A_189 = arith.constant 0 : i32
      %dma_wait3A_190 = tpu.memref_slice %arg13[%dma_wait3A_188, %dma_wait3A_189] : memref<10240x64xf32, #tpu.memory_space<vmem_shared>> -> memref<10240x64xf32, #tpu.memory_space<vmem_shared>>
      tpu.wait_indirect_dma semaphore(%arg14 : memref<!tpu.dma_semaphore, #tpu.memory_space<semaphore_mem>>) src(%arg8 : memref<128x64xf32, #tpu.memory_space<vmem>>) dst(%dma_wait3A_190 : memref<10240x64xf32, #tpu.memory_space<vmem_shared>>)
      %add3A_191 = arith.constant 2 : i32
      %add3A_192 = arith.addi %add3A_183, %add3A_191 : i32
      %dma_start3A_193 = arith.constant 0 : i32
      %dma_start3A_194 = tpu.memref_slice %arg6[%add3A_192, %dma_start3A_193] : memref<160x128xi32, #tpu.memory_space<vmem>> -> memref<1x128xi32, #tpu.memory_space<vmem>>
      %dma_start3A_195 = tpu.memref_squeeze %dma_start3A_194 : memref<1x128xi32, #tpu.memory_space<vmem>> -> memref<128xi32, #tpu.memory_space<vmem>>
      %dma_start3A_196 = arith.constant 0 : i32
      %dma_start3A_197 = arith.constant 0 : i32
      %dma_start3A_198 = tpu.memref_slice %arg2[%arg0, %dma_start3A_196, %dma_start3A_197] : memref<2x10000x64xf32, #tpu.memory_space<hbm>> -> memref<1x10000x64xf32, #tpu.memory_space<hbm>>
      %dma_start3A_199 = tpu.memref_squeeze %dma_start3A_198 : memref<1x10000x64xf32, #tpu.memory_space<hbm>> -> memref<10000x64xf32, #tpu.memory_space<hbm>>
      %dma_start3A_200 = arith.constant 0 : i32
      %dma_start3A_201 = arith.constant 0 : i32
      %dma_start3A_202 = tpu.memref_slice %dma_start3A_199[%dma_start3A_200, %dma_start3A_201] : memref<10000x64xf32, #tpu.memory_space<hbm>> -> memref<10000x64xf32, #tpu.memory_space<hbm>>
      tpu.enqueue_indirect_dma source(%dma_start3A_202 : memref<10000x64xf32, #tpu.memory_space<hbm>>) target(%arg8 : memref<128x64xf32, #tpu.memory_space<vmem>>) offsets(%dma_start3A_195 : memref<128xi32, #tpu.memory_space<vmem>>) semaphore(%arg14 : memref<!tpu.dma_semaphore, #tpu.memory_space<semaphore_mem>>)
      %dma_wait3A_203 = arith.constant 0 : i32
      %dma_wait3A_204 = arith.constant 0 : i32
      %dma_wait3A_205 = tpu.memref_slice %arg6[%dma_wait3A_203, %dma_wait3A_204] : memref<160x128xi32, #tpu.memory_space<vmem>> -> memref<1x128xi32, #tpu.memory_space<vmem>>
      %dma_wait3A_206 = tpu.memref_squeeze %dma_wait3A_205 : memref<1x128xi32, #tpu.memory_space<vmem>> -> memref<128xi32, #tpu.memory_space<vmem>>
      %dma_wait3A_207 = arith.constant 0 : i32
      %dma_wait3A_208 = arith.constant 0 : i32
      %dma_wait3A_209 = tpu.memref_slice %arg2[%arg0, %dma_wait3A_207, %dma_wait3A_208] : memref<2x10000x64xf32, #tpu.memory_space<hbm>> -> memref<1x10000x64xf32, #tpu.memory_space<hbm>>
      %dma_wait3A_210 = tpu.memref_squeeze %dma_wait3A_209 : memref<1x10000x64xf32, #tpu.memory_space<hbm>> -> memref<10000x64xf32, #tpu.memory_space<hbm>>
      %dma_wait3A_211 = arith.constant 0 : i32
      %dma_wait3A_212 = arith.constant 0 : i32
      %dma_wait3A_213 = tpu.memref_slice %dma_wait3A_210[%dma_wait3A_211, %dma_wait3A_212] : memref<10000x64xf32, #tpu.memory_space<hbm>> -> memref<10000x64xf32, #tpu.memory_space<hbm>>
      tpu.wait_indirect_dma semaphore(%arg16 : memref<!tpu.dma_semaphore, #tpu.memory_space<semaphore_mem>>) src(%dma_wait3A_213 : memref<10000x64xf32, #tpu.memory_space<hbm>>) dst(%arg10 : memref<128x64xf32, #tpu.memory_space<vmem>>)
      %dma_start3A_214 = arith.constant 0 : i32
      %dma_start3A_215 = tpu.memref_slice %arg7[%add3A_183, %dma_start3A_214] : memref<160x128xi32, #tpu.memory_space<vmem>> -> memref<1x128xi32, #tpu.memory_space<vmem>>
      %dma_start3A_216 = tpu.memref_squeeze %dma_start3A_215 : memref<1x128xi32, #tpu.memory_space<vmem>> -> memref<128xi32, #tpu.memory_space<vmem>>
      %dma_start3A_217 = arith.constant 0 : i32
      %dma_start3A_218 = arith.constant 0 : i32
      %dma_start3A_219 = tpu.memref_slice %arg13[%dma_start3A_217, %dma_start3A_218] : memref<10240x64xf32, #tpu.memory_space<vmem_shared>> -> memref<10240x64xf32, #tpu.memory_space<vmem_shared>>
      tpu.enqueue_indirect_dma source(%arg10 : memref<128x64xf32, #tpu.memory_space<vmem>>) target(%dma_start3A_219 : memref<10240x64xf32, #tpu.memory_space<vmem_shared>>) offsets(%dma_start3A_216 : memref<128xi32, #tpu.memory_space<vmem>>) semaphore(%arg16 : memref<!tpu.dma_semaphore, #tpu.memory_space<semaphore_mem>>) {add = true}
      %add3A_220 = arith.constant 1 : i32
      %add3A_221 = arith.addi %add3A_181, %add3A_220 : i32
      %dma_wait3A_222 = arith.constant 0 : i32
      %dma_wait3A_223 = arith.constant 0 : i32
      %dma_wait3A_224 = tpu.memref_slice %arg7[%dma_wait3A_222, %dma_wait3A_223] : memref<160x128xi32, #tpu.memory_space<vmem>> -> memref<1x128xi32, #tpu.memory_space<vmem>>
      %dma_wait3A_225 = tpu.memref_squeeze %dma_wait3A_224 : memref<1x128xi32, #tpu.memory_space<vmem>> -> memref<128xi32, #tpu.memory_space<vmem>>
      %dma_wait3A_226 = arith.constant 0 : i32
      %dma_wait3A_227 = arith.constant 0 : i32
      %dma_wait3A_228 = tpu.memref_slice %arg13[%dma_wait3A_226, %dma_wait3A_227] : memref<10240x64xf32, #tpu.memory_space<vmem_shared>> -> memref<10240x64xf32, #tpu.memory_space<vmem_shared>>
      tpu.wait_indirect_dma semaphore(%arg15 : memref<!tpu.dma_semaphore, #tpu.memory_space<semaphore_mem>>) src(%arg9 : memref<128x64xf32, #tpu.memory_space<vmem>>) dst(%dma_wait3A_228 : memref<10240x64xf32, #tpu.memory_space<vmem_shared>>)
      %add3A_229 = arith.constant 2 : i32
      %add3A_230 = arith.addi %add3A_221, %add3A_229 : i32
      %dma_start3A_231 = arith.constant 0 : i32
      %dma_start3A_232 = tpu.memref_slice %arg6[%add3A_230, %dma_start3A_231] : memref<160x128xi32, #tpu.memory_space<vmem>> -> memref<1x128xi32, #tpu.memory_space<vmem>>
      %dma_start3A_233 = tpu.memref_squeeze %dma_start3A_232 : memref<1x128xi32, #tpu.memory_space<vmem>> -> memref<128xi32, #tpu.memory_space<vmem>>
      %dma_start3A_234 = arith.constant 0 : i32
      %dma_start3A_235 = arith.constant 0 : i32
      %dma_start3A_236 = tpu.memref_slice %arg2[%arg0, %dma_start3A_234, %dma_start3A_235] : memref<2x10000x64xf32, #tpu.memory_space<hbm>> -> memref<1x10000x64xf32, #tpu.memory_space<hbm>>
      %dma_start3A_237 = tpu.memref_squeeze %dma_start3A_236 : memref<1x10000x64xf32, #tpu.memory_space<hbm>> -> memref<10000x64xf32, #tpu.memory_space<hbm>>
      %dma_start3A_238 = arith.constant 0 : i32
      %dma_start3A_239 = arith.constant 0 : i32
      %dma_start3A_240 = tpu.memref_slice %dma_start3A_237[%dma_start3A_238, %dma_start3A_239] : memref<10000x64xf32, #tpu.memory_space<hbm>> -> memref<10000x64xf32, #tpu.memory_space<hbm>>
      tpu.enqueue_indirect_dma source(%dma_start3A_240 : memref<10000x64xf32, #tpu.memory_space<hbm>>) target(%arg9 : memref<128x64xf32, #tpu.memory_space<vmem>>) offsets(%dma_start3A_233 : memref<128xi32, #tpu.memory_space<vmem>>) semaphore(%arg15 : memref<!tpu.dma_semaphore, #tpu.memory_space<semaphore_mem>>)
      %dma_wait3A_241 = arith.constant 0 : i32
      %dma_wait3A_242 = arith.constant 0 : i32
      %dma_wait3A_243 = tpu.memref_slice %arg6[%dma_wait3A_241, %dma_wait3A_242] : memref<160x128xi32, #tpu.memory_space<vmem>> -> memref<1x128xi32, #tpu.memory_space<vmem>>
      %dma_wait3A_244 = tpu.memref_squeeze %dma_wait3A_243 : memref<1x128xi32, #tpu.memory_space<vmem>> -> memref<128xi32, #tpu.memory_space<vmem>>
      %dma_wait3A_245 = arith.constant 0 : i32
      %dma_wait3A_246 = arith.constant 0 : i32
      %dma_wait3A_247 = tpu.memref_slice %arg2[%arg0, %dma_wait3A_245, %dma_wait3A_246] : memref<2x10000x64xf32, #tpu.memory_space<hbm>> -> memref<1x10000x64xf32, #tpu.memory_space<hbm>>
      %dma_wait3A_248 = tpu.memref_squeeze %dma_wait3A_247 : memref<1x10000x64xf32, #tpu.memory_space<hbm>> -> memref<10000x64xf32, #tpu.memory_space<hbm>>
      %dma_wait3A_249 = arith.constant 0 : i32
      %dma_wait3A_250 = arith.constant 0 : i32
      %dma_wait3A_251 = tpu.memref_slice %dma_wait3A_248[%dma_wait3A_249, %dma_wait3A_250] : memref<10000x64xf32, #tpu.memory_space<hbm>> -> memref<10000x64xf32, #tpu.memory_space<hbm>>
      tpu.wait_indirect_dma semaphore(%arg17 : memref<!tpu.dma_semaphore, #tpu.memory_space<semaphore_mem>>) src(%dma_wait3A_251 : memref<10000x64xf32, #tpu.memory_space<hbm>>) dst(%arg11 : memref<128x64xf32, #tpu.memory_space<vmem>>)
      %dma_start3A_252 = arith.constant 0 : i32
      %dma_start3A_253 = tpu.memref_slice %arg7[%add3A_221, %dma_start3A_252] : memref<160x128xi32, #tpu.memory_space<vmem>> -> memref<1x128xi32, #tpu.memory_space<vmem>>
      %dma_start3A_254 = tpu.memref_squeeze %dma_start3A_253 : memref<1x128xi32, #tpu.memory_space<vmem>> -> memref<128xi32, #tpu.memory_space<vmem>>
      %dma_start3A_255 = arith.constant 0 : i32
      %dma_start3A_256 = arith.constant 0 : i32
      %dma_start3A_257 = tpu.memref_slice %arg13[%dma_start3A_255, %dma_start3A_256] : memref<10240x64xf32, #tpu.memory_space<vmem_shared>> -> memref<10240x64xf32, #tpu.memory_space<vmem_shared>>
      tpu.enqueue_indirect_dma source(%arg11 : memref<128x64xf32, #tpu.memory_space<vmem>>) target(%dma_start3A_257 : memref<10240x64xf32, #tpu.memory_space<vmem_shared>>) offsets(%dma_start3A_254 : memref<128xi32, #tpu.memory_space<vmem>>) semaphore(%arg17 : memref<!tpu.dma_semaphore, #tpu.memory_space<semaphore_mem>>) {add = true}
      %add3A_258 = arith.constant 2 : i32
      %add3A_259 = arith.addi %add3A_181, %add3A_258 : i32
      %dma_wait3A_260 = arith.constant 0 : i32
      %dma_wait3A_261 = arith.constant 0 : i32
      %dma_wait3A_262 = tpu.memref_slice %arg7[%dma_wait3A_260, %dma_wait3A_261] : memref<160x128xi32, #tpu.memory_space<vmem>> -> memref<1x128xi32, #tpu.memory_space<vmem>>
      %dma_wait3A_263 = tpu.memref_squeeze %dma_wait3A_262 : memref<1x128xi32, #tpu.memory_space<vmem>> -> memref<128xi32, #tpu.memory_space<vmem>>
      %dma_wait3A_264 = arith.constant 0 : i32
      %dma_wait3A_265 = arith.constant 0 : i32
      %dma_wait3A_266 = tpu.memref_slice %arg13[%dma_wait3A_264, %dma_wait3A_265] : memref<10240x64xf32, #tpu.memory_space<vmem_shared>> -> memref<10240x64xf32, #tpu.memory_space<vmem_shared>>
      tpu.wait_indirect_dma semaphore(%arg16 : memref<!tpu.dma_semaphore, #tpu.memory_space<semaphore_mem>>) src(%arg10 : memref<128x64xf32, #tpu.memory_space<vmem>>) dst(%dma_wait3A_266 : memref<10240x64xf32, #tpu.memory_space<vmem_shared>>)
      %add3A_267 = arith.constant 2 : i32
      %add3A_268 = arith.addi %add3A_259, %add3A_267 : i32
      %dma_start3A_269 = arith.constant 0 : i32
      %dma_start3A_270 = tpu.memref_slice %arg6[%add3A_268, %dma_start3A_269] : memref<160x128xi32, #tpu.memory_space<vmem>> -> memref<1x128xi32, #tpu.memory_space<vmem>>
      %dma_start3A_271 = tpu.memref_squeeze %dma_start3A_270 : memref<1x128xi32, #tpu.memory_space<vmem>> -> memref<128xi32, #tpu.memory_space<vmem>>
      %dma_start3A_272 = arith.constant 0 : i32
      %dma_start3A_273 = arith.constant 0 : i32
      %dma_start3A_274 = tpu.memref_slice %arg2[%arg0, %dma_start3A_272, %dma_start3A_273] : memref<2x10000x64xf32, #tpu.memory_space<hbm>> -> memref<1x10000x64xf32, #tpu.memory_space<hbm>>
      %dma_start3A_275 = tpu.memref_squeeze %dma_start3A_274 : memref<1x10000x64xf32, #tpu.memory_space<hbm>> -> memref<10000x64xf32, #tpu.memory_space<hbm>>
      %dma_start3A_276 = arith.constant 0 : i32
      %dma_start3A_277 = arith.constant 0 : i32
      %dma_start3A_278 = tpu.memref_slice %dma_start3A_275[%dma_start3A_276, %dma_start3A_277] : memref<10000x64xf32, #tpu.memory_space<hbm>> -> memref<10000x64xf32, #tpu.memory_space<hbm>>
      tpu.enqueue_indirect_dma source(%dma_start3A_278 : memref<10000x64xf32, #tpu.memory_space<hbm>>) target(%arg10 : memref<128x64xf32, #tpu.memory_space<vmem>>) offsets(%dma_start3A_271 : memref<128xi32, #tpu.memory_space<vmem>>) semaphore(%arg16 : memref<!tpu.dma_semaphore, #tpu.memory_space<semaphore_mem>>)
      %dma_wait3A_279 = arith.constant 0 : i32
      %dma_wait3A_280 = arith.constant 0 : i32
      %dma_wait3A_281 = tpu.memref_slice %arg6[%dma_wait3A_279, %dma_wait3A_280] : memref<160x128xi32, #tpu.memory_space<vmem>> -> memref<1x128xi32, #tpu.memory_space<vmem>>
      %dma_wait3A_282 = tpu.memref_squeeze %dma_wait3A_281 : memref<1x128xi32, #tpu.memory_space<vmem>> -> memref<128xi32, #tpu.memory_space<vmem>>
      %dma_wait3A_283 = arith.constant 0 : i32
      %dma_wait3A_284 = arith.constant 0 : i32
      %dma_wait3A_285 = tpu.memref_slice %arg2[%arg0, %dma_wait3A_283, %dma_wait3A_284] : memref<2x10000x64xf32, #tpu.memory_space<hbm>> -> memref<1x10000x64xf32, #tpu.memory_space<hbm>>
      %dma_wait3A_286 = tpu.memref_squeeze %dma_wait3A_285 : memref<1x10000x64xf32, #tpu.memory_space<hbm>> -> memref<10000x64xf32, #tpu.memory_space<hbm>>
      %dma_wait3A_287 = arith.constant 0 : i32
      %dma_wait3A_288 = arith.constant 0 : i32
      %dma_wait3A_289 = tpu.memref_slice %dma_wait3A_286[%dma_wait3A_287, %dma_wait3A_288] : memref<10000x64xf32, #tpu.memory_space<hbm>> -> memref<10000x64xf32, #tpu.memory_space<hbm>>
      tpu.wait_indirect_dma semaphore(%arg14 : memref<!tpu.dma_semaphore, #tpu.memory_space<semaphore_mem>>) src(%dma_wait3A_289 : memref<10000x64xf32, #tpu.memory_space<hbm>>) dst(%arg8 : memref<128x64xf32, #tpu.memory_space<vmem>>)
      %dma_start3A_290 = arith.constant 0 : i32
      %dma_start3A_291 = tpu.memref_slice %arg7[%add3A_259, %dma_start3A_290] : memref<160x128xi32, #tpu.memory_space<vmem>> -> memref<1x128xi32, #tpu.memory_space<vmem>>
      %dma_start3A_292 = tpu.memref_squeeze %dma_start3A_291 : memref<1x128xi32, #tpu.memory_space<vmem>> -> memref<128xi32, #tpu.memory_space<vmem>>
      %dma_start3A_293 = arith.constant 0 : i32
      %dma_start3A_294 = arith.constant 0 : i32
      %dma_start3A_295 = tpu.memref_slice %arg13[%dma_start3A_293, %dma_start3A_294] : memref<10240x64xf32, #tpu.memory_space<vmem_shared>> -> memref<10240x64xf32, #tpu.memory_space<vmem_shared>>
      tpu.enqueue_indirect_dma source(%arg8 : memref<128x64xf32, #tpu.memory_space<vmem>>) target(%dma_start3A_295 : memref<10240x64xf32, #tpu.memory_space<vmem_shared>>) offsets(%dma_start3A_292 : memref<128xi32, #tpu.memory_space<vmem>>) semaphore(%arg14 : memref<!tpu.dma_semaphore, #tpu.memory_space<semaphore_mem>>) {add = true}
      %add3A_296 = arith.constant 3 : i32
      %add3A_297 = arith.addi %add3A_181, %add3A_296 : i32
      %dma_wait3A_298 = arith.constant 0 : i32
      %dma_wait3A_299 = arith.constant 0 : i32
      %dma_wait3A_300 = tpu.memref_slice %arg7[%dma_wait3A_298, %dma_wait3A_299] : memref<160x128xi32, #tpu.memory_space<vmem>> -> memref<1x128xi32, #tpu.memory_space<vmem>>
      %dma_wait3A_301 = tpu.memref_squeeze %dma_wait3A_300 : memref<1x128xi32, #tpu.memory_space<vmem>> -> memref<128xi32, #tpu.memory_space<vmem>>
      %dma_wait3A_302 = arith.constant 0 : i32
      %dma_wait3A_303 = arith.constant 0 : i32
      %dma_wait3A_304 = tpu.memref_slice %arg13[%dma_wait3A_302, %dma_wait3A_303] : memref<10240x64xf32, #tpu.memory_space<vmem_shared>> -> memref<10240x64xf32, #tpu.memory_space<vmem_shared>>
      tpu.wait_indirect_dma semaphore(%arg17 : memref<!tpu.dma_semaphore, #tpu.memory_space<semaphore_mem>>) src(%arg11 : memref<128x64xf32, #tpu.memory_space<vmem>>) dst(%dma_wait3A_304 : memref<10240x64xf32, #tpu.memory_space<vmem_shared>>)
      %add3A_305 = arith.constant 2 : i32
      %add3A_306 = arith.addi %add3A_297, %add3A_305 : i32
      %dma_start3A_307 = arith.constant 0 : i32
      %dma_start3A_308 = tpu.memref_slice %arg6[%add3A_306, %dma_start3A_307] : memref<160x128xi32, #tpu.memory_space<vmem>> -> memref<1x128xi32, #tpu.memory_space<vmem>>
      %dma_start3A_309 = tpu.memref_squeeze %dma_start3A_308 : memref<1x128xi32, #tpu.memory_space<vmem>> -> memref<128xi32, #tpu.memory_space<vmem>>
      %dma_start3A_310 = arith.constant 0 : i32
      %dma_start3A_311 = arith.constant 0 : i32
      %dma_start3A_312 = tpu.memref_slice %arg2[%arg0, %dma_start3A_310, %dma_start3A_311] : memref<2x10000x64xf32, #tpu.memory_space<hbm>> -> memref<1x10000x64xf32, #tpu.memory_space<hbm>>
      %dma_start3A_313 = tpu.memref_squeeze %dma_start3A_312 : memref<1x10000x64xf32, #tpu.memory_space<hbm>> -> memref<10000x64xf32, #tpu.memory_space<hbm>>
      %dma_start3A_314 = arith.constant 0 : i32
      %dma_start3A_315 = arith.constant 0 : i32
      %dma_start3A_316 = tpu.memref_slice %dma_start3A_313[%dma_start3A_314, %dma_start3A_315] : memref<10000x64xf32, #tpu.memory_space<hbm>> -> memref<10000x64xf32, #tpu.memory_space<hbm>>
      tpu.enqueue_indirect_dma source(%dma_start3A_316 : memref<10000x64xf32, #tpu.memory_space<hbm>>) target(%arg11 : memref<128x64xf32, #tpu.memory_space<vmem>>) offsets(%dma_start3A_309 : memref<128xi32, #tpu.memory_space<vmem>>) semaphore(%arg17 : memref<!tpu.dma_semaphore, #tpu.memory_space<semaphore_mem>>)
      %dma_wait3A_317 = arith.constant 0 : i32
      %dma_wait3A_318 = arith.constant 0 : i32
      %dma_wait3A_319 = tpu.memref_slice %arg6[%dma_wait3A_317, %dma_wait3A_318] : memref<160x128xi32, #tpu.memory_space<vmem>> -> memref<1x128xi32, #tpu.memory_space<vmem>>
      %dma_wait3A_320 = tpu.memref_squeeze %dma_wait3A_319 : memref<1x128xi32, #tpu.memory_space<vmem>> -> memref<128xi32, #tpu.memory_space<vmem>>
      %dma_wait3A_321 = arith.constant 0 : i32
      %dma_wait3A_322 = arith.constant 0 : i32
      %dma_wait3A_323 = tpu.memref_slice %arg2[%arg0, %dma_wait3A_321, %dma_wait3A_322] : memref<2x10000x64xf32, #tpu.memory_space<hbm>> -> memref<1x10000x64xf32, #tpu.memory_space<hbm>>
      %dma_wait3A_324 = tpu.memref_squeeze %dma_wait3A_323 : memref<1x10000x64xf32, #tpu.memory_space<hbm>> -> memref<10000x64xf32, #tpu.memory_space<hbm>>
      %dma_wait3A_325 = arith.constant 0 : i32
      %dma_wait3A_326 = arith.constant 0 : i32
      %dma_wait3A_327 = tpu.memref_slice %dma_wait3A_324[%dma_wait3A_325, %dma_wait3A_326] : memref<10000x64xf32, #tpu.memory_space<hbm>> -> memref<10000x64xf32, #tpu.memory_space<hbm>>
      tpu.wait_indirect_dma semaphore(%arg15 : memref<!tpu.dma_semaphore, #tpu.memory_space<semaphore_mem>>) src(%dma_wait3A_327 : memref<10000x64xf32, #tpu.memory_space<hbm>>) dst(%arg9 : memref<128x64xf32, #tpu.memory_space<vmem>>)
      %dma_start3A_328 = arith.constant 0 : i32
      %dma_start3A_329 = tpu.memref_slice %arg7[%add3A_297, %dma_start3A_328] : memref<160x128xi32, #tpu.memory_space<vmem>> -> memref<1x128xi32, #tpu.memory_space<vmem>>
      %dma_start3A_330 = tpu.memref_squeeze %dma_start3A_329 : memref<1x128xi32, #tpu.memory_space<vmem>> -> memref<128xi32, #tpu.memory_space<vmem>>
      %dma_start3A_331 = arith.constant 0 : i32
      %dma_start3A_332 = arith.constant 0 : i32
      %dma_start3A_333 = tpu.memref_slice %arg13[%dma_start3A_331, %dma_start3A_332] : memref<10240x64xf32, #tpu.memory_space<vmem_shared>> -> memref<10240x64xf32, #tpu.memory_space<vmem_shared>>
      tpu.enqueue_indirect_dma source(%arg9 : memref<128x64xf32, #tpu.memory_space<vmem>>) target(%dma_start3A_333 : memref<10240x64xf32, #tpu.memory_space<vmem_shared>>) offsets(%dma_start3A_330 : memref<128xi32, #tpu.memory_space<vmem>>) semaphore(%arg15 : memref<!tpu.dma_semaphore, #tpu.memory_space<semaphore_mem>>) {add = true}
    }
    %scan3A_107 = arith.constant 39 : i32
    %dma_wait3A_108 = arith.constant 0 : i32
    %dma_wait3A_109 = arith.constant 0 : i32
    %dma_wait3A_110 = tpu.memref_slice %arg7[%dma_wait3A_108, %dma_wait3A_109] : memref<160x128xi32, #tpu.memory_space<vmem>> -> memref<1x128xi32, #tpu.memory_space<vmem>>
    %dma_wait3A_111 = tpu.memref_squeeze %dma_wait3A_110 : memref<1x128xi32, #tpu.memory_space<vmem>> -> memref<128xi32, #tpu.memory_space<vmem>>
    %dma_wait3A_112 = arith.constant 0 : i32
    %dma_wait3A_113 = arith.constant 0 : i32
    %dma_wait3A_114 = tpu.memref_slice %arg13[%dma_wait3A_112, %dma_wait3A_113] : memref<10240x64xf32, #tpu.memory_space<vmem_shared>> -> memref<10240x64xf32, #tpu.memory_space<vmem_shared>>
    tpu.wait_indirect_dma semaphore(%arg14 : memref<!tpu.dma_semaphore, #tpu.memory_space<semaphore_mem>>) src(%arg8 : memref<128x64xf32, #tpu.memory_space<vmem>>) dst(%dma_wait3A_114 : memref<10240x64xf32, #tpu.memory_space<vmem_shared>>)
    %dma_wait3A_115 = arith.constant 0 : i32
    %dma_wait3A_116 = arith.constant 0 : i32
    %dma_wait3A_117 = tpu.memref_slice %arg6[%dma_wait3A_115, %dma_wait3A_116] : memref<160x128xi32, #tpu.memory_space<vmem>> -> memref<1x128xi32, #tpu.memory_space<vmem>>
    %dma_wait3A_118 = tpu.memref_squeeze %dma_wait3A_117 : memref<1x128xi32, #tpu.memory_space<vmem>> -> memref<128xi32, #tpu.memory_space<vmem>>
    %dma_wait3A_119 = arith.constant 0 : i32
    %dma_wait3A_120 = arith.constant 0 : i32
    %dma_wait3A_121 = tpu.memref_slice %arg2[%arg0, %dma_wait3A_119, %dma_wait3A_120] : memref<2x10000x64xf32, #tpu.memory_space<hbm>> -> memref<1x10000x64xf32, #tpu.memory_space<hbm>>
    %dma_wait3A_122 = tpu.memref_squeeze %dma_wait3A_121 : memref<1x10000x64xf32, #tpu.memory_space<hbm>> -> memref<10000x64xf32, #tpu.memory_space<hbm>>
    %dma_wait3A_123 = arith.constant 0 : i32
    %dma_wait3A_124 = arith.constant 0 : i32
    %dma_wait3A_125 = tpu.memref_slice %dma_wait3A_122[%dma_wait3A_123, %dma_wait3A_124] : memref<10000x64xf32, #tpu.memory_space<hbm>> -> memref<10000x64xf32, #tpu.memory_space<hbm>>
    tpu.wait_indirect_dma semaphore(%arg16 : memref<!tpu.dma_semaphore, #tpu.memory_space<semaphore_mem>>) src(%dma_wait3A_125 : memref<10000x64xf32, #tpu.memory_space<hbm>>) dst(%arg10 : memref<128x64xf32, #tpu.memory_space<vmem>>)
    %dma_start3A_126 = arith.constant 158 : i32
    %dma_start3A_127 = arith.constant 0 : i32
    %dma_start3A_128 = tpu.memref_slice %arg7[%dma_start3A_126, %dma_start3A_127] : memref<160x128xi32, #tpu.memory_space<vmem>> -> memref<1x128xi32, #tpu.memory_space<vmem>>
    %dma_start3A_129 = tpu.memref_squeeze %dma_start3A_128 : memref<1x128xi32, #tpu.memory_space<vmem>> -> memref<128xi32, #tpu.memory_space<vmem>>
    %dma_start3A_130 = arith.constant 0 : i32
    %dma_start3A_131 = arith.constant 0 : i32
    %dma_start3A_132 = tpu.memref_slice %arg13[%dma_start3A_130, %dma_start3A_131] : memref<10240x64xf32, #tpu.memory_space<vmem_shared>> -> memref<10240x64xf32, #tpu.memory_space<vmem_shared>>
    tpu.enqueue_indirect_dma source(%arg10 : memref<128x64xf32, #tpu.memory_space<vmem>>) target(%dma_start3A_132 : memref<10240x64xf32, #tpu.memory_space<vmem_shared>>) offsets(%dma_start3A_129 : memref<128xi32, #tpu.memory_space<vmem>>) semaphore(%arg16 : memref<!tpu.dma_semaphore, #tpu.memory_space<semaphore_mem>>) {add = true}
    %dma_wait3A_133 = arith.constant 0 : i32
    %dma_wait3A_134 = arith.constant 0 : i32
    %dma_wait3A_135 = tpu.memref_slice %arg7[%dma_wait3A_133, %dma_wait3A_134] : memref<160x128xi32, #tpu.memory_space<vmem>> -> memref<1x128xi32, #tpu.memory_space<vmem>>
    %dma_wait3A_136 = tpu.memref_squeeze %dma_wait3A_135 : memref<1x128xi32, #tpu.memory_space<vmem>> -> memref<128xi32, #tpu.memory_space<vmem>>
    %dma_wait3A_137 = arith.constant 0 : i32
    %dma_wait3A_138 = arith.constant 0 : i32
    %dma_wait3A_139 = tpu.memref_slice %arg13[%dma_wait3A_137, %dma_wait3A_138] : memref<10240x64xf32, #tpu.memory_space<vmem_shared>> -> memref<10240x64xf32, #tpu.memory_space<vmem_shared>>
    tpu.wait_indirect_dma semaphore(%arg15 : memref<!tpu.dma_semaphore, #tpu.memory_space<semaphore_mem>>) src(%arg9 : memref<128x64xf32, #tpu.memory_space<vmem>>) dst(%dma_wait3A_139 : memref<10240x64xf32, #tpu.memory_space<vmem_shared>>)
    %dma_wait3A_140 = arith.constant 0 : i32
    %dma_wait3A_141 = arith.constant 0 : i32
    %dma_wait3A_142 = tpu.memref_slice %arg6[%dma_wait3A_140, %dma_wait3A_141] : memref<160x128xi32, #tpu.memory_space<vmem>> -> memref<1x128xi32, #tpu.memory_space<vmem>>
    %dma_wait3A_143 = tpu.memref_squeeze %dma_wait3A_142 : memref<1x128xi32, #tpu.memory_space<vmem>> -> memref<128xi32, #tpu.memory_space<vmem>>
    %dma_wait3A_144 = arith.constant 0 : i32
    %dma_wait3A_145 = arith.constant 0 : i32
    %dma_wait3A_146 = tpu.memref_slice %arg2[%arg0, %dma_wait3A_144, %dma_wait3A_145] : memref<2x10000x64xf32, #tpu.memory_space<hbm>> -> memref<1x10000x64xf32, #tpu.memory_space<hbm>>
    %dma_wait3A_147 = tpu.memref_squeeze %dma_wait3A_146 : memref<1x10000x64xf32, #tpu.memory_space<hbm>> -> memref<10000x64xf32, #tpu.memory_space<hbm>>
    %dma_wait3A_148 = arith.constant 0 : i32
    %dma_wait3A_149 = arith.constant 0 : i32
    %dma_wait3A_150 = tpu.memref_slice %dma_wait3A_147[%dma_wait3A_148, %dma_wait3A_149] : memref<10000x64xf32, #tpu.memory_space<hbm>> -> memref<10000x64xf32, #tpu.memory_space<hbm>>
    tpu.wait_indirect_dma semaphore(%arg17 : memref<!tpu.dma_semaphore, #tpu.memory_space<semaphore_mem>>) src(%dma_wait3A_150 : memref<10000x64xf32, #tpu.memory_space<hbm>>) dst(%arg11 : memref<128x64xf32, #tpu.memory_space<vmem>>)
    %dma_start3A_151 = arith.constant 159 : i32
    %dma_start3A_152 = arith.constant 0 : i32
    %dma_start3A_153 = tpu.memref_slice %arg7[%dma_start3A_151, %dma_start3A_152] : memref<160x128xi32, #tpu.memory_space<vmem>> -> memref<1x128xi32, #tpu.memory_space<vmem>>
    %dma_start3A_154 = tpu.memref_squeeze %dma_start3A_153 : memref<1x128xi32, #tpu.memory_space<vmem>> -> memref<128xi32, #tpu.memory_space<vmem>>
    %dma_start3A_155 = arith.constant 0 : i32
    %dma_start3A_156 = arith.constant 0 : i32
    %dma_start3A_157 = tpu.memref_slice %arg13[%dma_start3A_155, %dma_start3A_156] : memref<10240x64xf32, #tpu.memory_space<vmem_shared>> -> memref<10240x64xf32, #tpu.memory_space<vmem_shared>>
    tpu.enqueue_indirect_dma source(%arg11 : memref<128x64xf32, #tpu.memory_space<vmem>>) target(%dma_start3A_157 : memref<10240x64xf32, #tpu.memory_space<vmem_shared>>) offsets(%dma_start3A_154 : memref<128xi32, #tpu.memory_space<vmem>>) semaphore(%arg17 : memref<!tpu.dma_semaphore, #tpu.memory_space<semaphore_mem>>) {add = true}
    %dma_wait3A_158 = arith.constant 0 : i32
    %dma_wait3A_159 = arith.constant 0 : i32
    %dma_wait3A_160 = tpu.memref_slice %arg7[%dma_wait3A_158, %dma_wait3A_159] : memref<160x128xi32, #tpu.memory_space<vmem>> -> memref<1x128xi32, #tpu.memory_space<vmem>>
    %dma_wait3A_161 = tpu.memref_squeeze %dma_wait3A_160 : memref<1x128xi32, #tpu.memory_space<vmem>> -> memref<128xi32, #tpu.memory_space<vmem>>
    %dma_wait3A_162 = arith.constant 0 : i32
    %dma_wait3A_163 = arith.constant 0 : i32
    %dma_wait3A_164 = tpu.memref_slice %arg13[%dma_wait3A_162, %dma_wait3A_163] : memref<10240x64xf32, #tpu.memory_space<vmem_shared>> -> memref<10240x64xf32, #tpu.memory_space<vmem_shared>>
    tpu.wait_indirect_dma semaphore(%arg16 : memref<!tpu.dma_semaphore, #tpu.memory_space<semaphore_mem>>) src(%arg10 : memref<128x64xf32, #tpu.memory_space<vmem>>) dst(%dma_wait3A_164 : memref<10240x64xf32, #tpu.memory_space<vmem_shared>>)
    %dma_wait3A_165 = arith.constant 0 : i32
    %dma_wait3A_166 = arith.constant 0 : i32
    %dma_wait3A_167 = tpu.memref_slice %arg7[%dma_wait3A_165, %dma_wait3A_166] : memref<160x128xi32, #tpu.memory_space<vmem>> -> memref<1x128xi32, #tpu.memory_space<vmem>>
    %dma_wait3A_168 = tpu.memref_squeeze %dma_wait3A_167 : memref<1x128xi32, #tpu.memory_space<vmem>> -> memref<128xi32, #tpu.memory_space<vmem>>
    %dma_wait3A_169 = arith.constant 0 : i32
    %dma_wait3A_170 = arith.constant 0 : i32
    %dma_wait3A_171 = tpu.memref_slice %arg13[%dma_wait3A_169, %dma_wait3A_170] : memref<10240x64xf32, #tpu.memory_space<vmem_shared>> -> memref<10240x64xf32, #tpu.memory_space<vmem_shared>>
    tpu.wait_indirect_dma semaphore(%arg17 : memref<!tpu.dma_semaphore, #tpu.memory_space<semaphore_mem>>) src(%arg11 : memref<128x64xf32, #tpu.memory_space<vmem>>) dst(%dma_wait3A_171 : memref<10240x64xf32, #tpu.memory_space<vmem_shared>>)
    %barrier3A_172 = arith.constant 0 : index
    tpu.barrier barrier_id(%barrier3A_172)
    %mul3A_173 = arith.constant 640 : i32
    %mul3A_174 = arith.muli %arg1, %mul3A_173 : i32
    %mul3A_175 = arith.constant 640 : i32
    %mul3A_176 = arith.muli %arg1, %mul3A_175 : i32
    "tpu.region"() ({
      %run_scoped3A = tpu.sem_alloc : memref<!tpu.dma_semaphore, #tpu.memory_space<semaphore_mem>>
      %dma_start3A_177 = arith.constant 0 : i32
      %dma_start3A_178 = tpu.memref_slice %arg5[%arg0, %mul3A_176, %dma_start3A_177] : memref<2x10240x64xf32, #tpu.memory_space<hbm>> -> memref<1x640x64xf32, #tpu.memory_space<hbm>>
      %dma_start3A_179 = tpu.memref_squeeze %dma_start3A_178 : memref<1x640x64xf32, #tpu.memory_space<hbm>> -> memref<640x64xf32, #tpu.memory_space<hbm>>
      %dma_start3A_180 = arith.constant 0 : i32
      %dma_start3A_181 = tpu.memref_slice %arg13[%mul3A_174, %dma_start3A_180] : memref<10240x64xf32, #tpu.memory_space<vmem_shared>> -> memref<640x64xf32, #tpu.memory_space<vmem_shared>>
      tpu.enqueue_dma source(%dma_start3A_181 : memref<640x64xf32, #tpu.memory_space<vmem_shared>>) target(%dma_start3A_179 : memref<640x64xf32, #tpu.memory_space<hbm>>) target_semaphore(%run_scoped3A : memref<!tpu.dma_semaphore, #tpu.memory_space<semaphore_mem>>)
      %dma_wait3A_182 = arith.constant 0 : i32
      %dma_wait3A_183 = tpu.memref_slice %arg5[%arg0, %mul3A_176, %dma_wait3A_182] : memref<2x10240x64xf32, #tpu.memory_space<hbm>> -> memref<1x640x64xf32, #tpu.memory_space<hbm>>
      %dma_wait3A_184 = tpu.memref_squeeze %dma_wait3A_183 : memref<1x640x64xf32, #tpu.memory_space<hbm>> -> memref<640x64xf32, #tpu.memory_space<hbm>>
      %dma_wait3A_185 = arith.constant 0 : i32
      %dma_wait3A_186 = tpu.memref_slice %arg13[%mul3A_174, %dma_wait3A_185] : memref<10240x64xf32, #tpu.memory_space<vmem_shared>> -> memref<640x64xf32, #tpu.memory_space<vmem_shared>>
      tpu.wait_dma2 semaphore(%run_scoped3A : memref<!tpu.dma_semaphore, #tpu.memory_space<semaphore_mem>>) src(%dma_wait3A_186 : memref<640x64xf32, #tpu.memory_space<vmem_shared>>) dst(%dma_wait3A_184 : memref<640x64xf32, #tpu.memory_space<hbm>>)
      tpu.yield
    }) : () -> ()
    return
  }
}

#map = affine_map<(d0, d1) -> (0, 0, 0)>
module attributes {stable_mosaic.version = 14 : i64} {
  func.func @_agg_body(%arg0: i32, %arg1: i32, %arg2: memref<2x10000x64xf32, #tpu.memory_space<hbm>>, %arg3: memref<16x160x128xi32, #tpu.memory_space<hbm>>, %arg4: memref<16x160x128xi32, #tpu.memory_space<hbm>>, %arg5: memref<2x10240x64xf32, #tpu.memory_space<hbm>>, %arg6: memref<160x128xi32, #tpu.memory_space<vmem>>, %arg7: memref<160x128xi32, #tpu.memory_space<vmem>>, %arg8: memref<128x64xf32, #tpu.memory_space<vmem>>, %arg9: memref<128x64xf32, #tpu.memory_space<vmem>>, %arg10: memref<128x64xf32, #tpu.memory_space<vmem>>, %arg11: memref<128x64xf32, #tpu.memory_space<vmem>>, %arg12: memref<128x64xf32, #tpu.memory_space<vmem>>, %arg13: memref<10240x64xf32, #tpu.memory_space<vmem_shared>>, %arg14: memref<!tpu.dma_semaphore, #tpu.memory_space<semaphore_mem>>, %arg15: memref<!tpu.dma_semaphore, #tpu.memory_space<semaphore_mem>>, %arg16: memref<!tpu.dma_semaphore, #tpu.memory_space<semaphore_mem>>, %arg17: memref<!tpu.dma_semaphore, #tpu.memory_space<semaphore_mem>>) attributes {dimension_semantics = [#tpu.dimension_semantics<core_parallel>, #tpu.dimension_semantics<subcore_parallel>], iteration_bounds = array<i64: 2, 16>, scalar_prefetch = 0 : i64, scratch_operands = 12 : i64, tpu.core_type = #tpu.core_type<sc_vector_subcore>, window_params = [{transform_indices = #map}, {transform_indices = #map}, {transform_indices = #map}, {transform_indices = #map}]} {
    %broadcast_in_dim3A = arith.constant 0.000000e+00 : f32
    %broadcast_in_dim3A_0 = vector.broadcast %broadcast_in_dim3A : f32 to vector<16xf32>
    %scan3A = arith.constant 0 : i32
    %scan3A_1 = arith.constant 0 : i32
    %scan3A_2 = arith.constant 128 : i32
    %scan3A_3 = arith.addi %scan3A_1, %scan3A_2 : i32
    %scan3A_4 = arith.constant 1 : i32
    scf.for %scan3A_177 = %scan3A_1 to %scan3A_3 step %scan3A_4  : i32 {
      %swap3A = arith.index_cast %scan3A_177 : i32 to index
      %swap3A_178 = arith.constant 0 : index
      %swap3A_179 = tpu.vector_load %arg12[%swap3A, %swap3A_178] {strides = array<i32>} : memref<128x64xf32, #tpu.memory_space<vmem>>, vector<1x16xf32>,
      %swap3A_180 = vector.shape_cast %swap3A_179 : vector<1x16xf32> to vector<16xf32>
      %swap3A_181 = vector.shape_cast %broadcast_in_dim3A_0 : vector<16xf32> to vector<1x16xf32>
      tpu.vector_store %arg12[%swap3A, %swap3A_178], %swap3A_181 {strides = array<i32>} : memref<128x64xf32, #tpu.memory_space<vmem>>, vector<1x16xf32>,
      %swap3A_182 = arith.index_cast %scan3A_177 : i32 to index
      %swap3A_183 = arith.constant 16 : index
      %swap3A_184 = tpu.vector_load %arg12[%swap3A_182, %swap3A_183] {strides = array<i32>} : memref<128x64xf32, #tpu.memory_space<vmem>>, vector<1x16xf32>,
      %swap3A_185 = vector.shape_cast %swap3A_184 : vector<1x16xf32> to vector<16xf32>
      %swap3A_186 = vector.shape_cast %broadcast_in_dim3A_0 : vector<16xf32> to vector<1x16xf32>
      tpu.vector_store %arg12[%swap3A_182, %swap3A_183], %swap3A_186 {strides = array<i32>} : memref<128x64xf32, #tpu.memory_space<vmem>>, vector<1x16xf32>,
      %swap3A_187 = arith.index_cast %scan3A_177 : i32 to index
      %swap3A_188 = arith.constant 32 : index
      %swap3A_189 = tpu.vector_load %arg12[%swap3A_187, %swap3A_188] {strides = array<i32>} : memref<128x64xf32, #tpu.memory_space<vmem>>, vector<1x16xf32>,
      %swap3A_190 = vector.shape_cast %swap3A_189 : vector<1x16xf32> to vector<16xf32>
      %swap3A_191 = vector.shape_cast %broadcast_in_dim3A_0 : vector<16xf32> to vector<1x16xf32>
      tpu.vector_store %arg12[%swap3A_187, %swap3A_188], %swap3A_191 {strides = array<i32>} : memref<128x64xf32, #tpu.memory_space<vmem>>, vector<1x16xf32>,
      %swap3A_192 = arith.index_cast %scan3A_177 : i32 to index
      %swap3A_193 = arith.constant 48 : index
      %swap3A_194 = tpu.vector_load %arg12[%swap3A_192, %swap3A_193] {strides = array<i32>} : memref<128x64xf32, #tpu.memory_space<vmem>>, vector<1x16xf32>,
      %swap3A_195 = vector.shape_cast %swap3A_194 : vector<1x16xf32> to vector<16xf32>
      %swap3A_196 = vector.shape_cast %broadcast_in_dim3A_0 : vector<16xf32> to vector<1x16xf32>
      tpu.vector_store %arg12[%swap3A_192, %swap3A_193], %swap3A_196 {strides = array<i32>} : memref<128x64xf32, #tpu.memory_space<vmem>>, vector<1x16xf32>,
    }
    %scan3A_5 = arith.constant 128 : i32
    %mul3A = arith.constant 640 : i32
    %mul3A_6 = arith.muli %arg1, %mul3A : i32
    %add3A = arith.constant 0 : i32
    %add3A_7 = arith.addi %mul3A_6, %add3A : i32
    "tpu.region"() ({
      %run_scoped3A = tpu.sem_alloc : memref<!tpu.dma_semaphore, #tpu.memory_space<semaphore_mem>>
      %dma_start3A_177 = arith.constant 0 : i32
      %dma_start3A_178 = tpu.memref_slice %arg13[%add3A_7, %dma_start3A_177] : memref<10240x64xf32, #tpu.memory_space<vmem_shared>> -> memref<128x64xf32, #tpu.memory_space<vmem_shared>>
      %dma_start3A_179 = arith.constant 0 : i32
      %dma_start3A_180 = tpu.memref_slice %arg13[%add3A_7, %dma_start3A_179] : memref<10240x64xf32, #tpu.memory_space<vmem_shared>> -> memref<128x64xf32, #tpu.memory_space<vmem_shared>>
      tpu.enqueue_dma source(%arg12 : memref<128x64xf32, #tpu.memory_space<vmem>>) target(%dma_start3A_180 : memref<128x64xf32, #tpu.memory_space<vmem_shared>>) target_semaphore(%run_scoped3A : memref<!tpu.dma_semaphore, #tpu.memory_space<semaphore_mem>>)
      %dma_wait3A_181 = arith.constant 0 : i32
      %dma_wait3A_182 = tpu.memref_slice %arg13[%add3A_7, %dma_wait3A_181] : memref<10240x64xf32, #tpu.memory_space<vmem_shared>> -> memref<128x64xf32, #tpu.memory_space<vmem_shared>>
      %dma_wait3A_183 = arith.constant 0 : i32
      %dma_wait3A_184 = tpu.memref_slice %arg13[%add3A_7, %dma_wait3A_183] : memref<10240x64xf32, #tpu.memory_space<vmem_shared>> -> memref<128x64xf32, #tpu.memory_space<vmem_shared>>
      tpu.wait_dma2 semaphore(%run_scoped3A : memref<!tpu.dma_semaphore, #tpu.memory_space<semaphore_mem>>) src(%arg12 : memref<128x64xf32, #tpu.memory_space<vmem>>) dst(%dma_wait3A_184 : memref<128x64xf32, #tpu.memory_space<vmem_shared>>)
      tpu.yield
    }) : () -> ()
    %mul3A_8 = arith.constant 640 : i32
    %mul3A_9 = arith.muli %arg1, %mul3A_8 : i32
    %add3A_10 = arith.constant 128 : i32
    %add3A_11 = arith.addi %mul3A_9, %add3A_10 : i32
    "tpu.region"() ({
      %run_scoped3A = tpu.sem_alloc : memref<!tpu.dma_semaphore, #tpu.memory_space<semaphore_mem>>
      %dma_start3A_177 = arith.constant 0 : i32
      %dma_start3A_178 = tpu.memref_slice %arg13[%add3A_11, %dma_start3A_177] : memref<10240x64xf32, #tpu.memory_space<vmem_shared>> -> memref<128x64xf32, #tpu.memory_space<vmem_shared>>
      %dma_start3A_179 = arith.constant 0 : i32
      %dma_start3A_180 = tpu.memref_slice %arg13[%add3A_11, %dma_start3A_179] : memref<10240x64xf32, #tpu.memory_space<vmem_shared>> -> memref<128x64xf32, #tpu.memory_space<vmem_shared>>
      tpu.enqueue_dma source(%arg12 : memref<128x64xf32, #tpu.memory_space<vmem>>) target(%dma_start3A_180 : memref<128x64xf32, #tpu.memory_space<vmem_shared>>) target_semaphore(%run_scoped3A : memref<!tpu.dma_semaphore, #tpu.memory_space<semaphore_mem>>)
      %dma_wait3A_181 = arith.constant 0 : i32
      %dma_wait3A_182 = tpu.memref_slice %arg13[%add3A_11, %dma_wait3A_181] : memref<10240x64xf32, #tpu.memory_space<vmem_shared>> -> memref<128x64xf32, #tpu.memory_space<vmem_shared>>
      %dma_wait3A_183 = arith.constant 0 : i32
      %dma_wait3A_184 = tpu.memref_slice %arg13[%add3A_11, %dma_wait3A_183] : memref<10240x64xf32, #tpu.memory_space<vmem_shared>> -> memref<128x64xf32, #tpu.memory_space<vmem_shared>>
      tpu.wait_dma2 semaphore(%run_scoped3A : memref<!tpu.dma_semaphore, #tpu.memory_space<semaphore_mem>>) src(%arg12 : memref<128x64xf32, #tpu.memory_space<vmem>>) dst(%dma_wait3A_184 : memref<128x64xf32, #tpu.memory_space<vmem_shared>>)
      tpu.yield
    }) : () -> ()
    %mul3A_12 = arith.constant 640 : i32
    %mul3A_13 = arith.muli %arg1, %mul3A_12 : i32
    %add3A_14 = arith.constant 256 : i32
    %add3A_15 = arith.addi %mul3A_13, %add3A_14 : i32
    "tpu.region"() ({
      %run_scoped3A = tpu.sem_alloc : memref<!tpu.dma_semaphore, #tpu.memory_space<semaphore_mem>>
      %dma_start3A_177 = arith.constant 0 : i32
      %dma_start3A_178 = tpu.memref_slice %arg13[%add3A_15, %dma_start3A_177] : memref<10240x64xf32, #tpu.memory_space<vmem_shared>> -> memref<128x64xf32, #tpu.memory_space<vmem_shared>>
      %dma_start3A_179 = arith.constant 0 : i32
      %dma_start3A_180 = tpu.memref_slice %arg13[%add3A_15, %dma_start3A_179] : memref<10240x64xf32, #tpu.memory_space<vmem_shared>> -> memref<128x64xf32, #tpu.memory_space<vmem_shared>>
      tpu.enqueue_dma source(%arg12 : memref<128x64xf32, #tpu.memory_space<vmem>>) target(%dma_start3A_180 : memref<128x64xf32, #tpu.memory_space<vmem_shared>>) target_semaphore(%run_scoped3A : memref<!tpu.dma_semaphore, #tpu.memory_space<semaphore_mem>>)
      %dma_wait3A_181 = arith.constant 0 : i32
      %dma_wait3A_182 = tpu.memref_slice %arg13[%add3A_15, %dma_wait3A_181] : memref<10240x64xf32, #tpu.memory_space<vmem_shared>> -> memref<128x64xf32, #tpu.memory_space<vmem_shared>>
      %dma_wait3A_183 = arith.constant 0 : i32
      %dma_wait3A_184 = tpu.memref_slice %arg13[%add3A_15, %dma_wait3A_183] : memref<10240x64xf32, #tpu.memory_space<vmem_shared>> -> memref<128x64xf32, #tpu.memory_space<vmem_shared>>
      tpu.wait_dma2 semaphore(%run_scoped3A : memref<!tpu.dma_semaphore, #tpu.memory_space<semaphore_mem>>) src(%arg12 : memref<128x64xf32, #tpu.memory_space<vmem>>) dst(%dma_wait3A_184 : memref<128x64xf32, #tpu.memory_space<vmem_shared>>)
      tpu.yield
    }) : () -> ()
    %mul3A_16 = arith.constant 640 : i32
    %mul3A_17 = arith.muli %arg1, %mul3A_16 : i32
    %add3A_18 = arith.constant 384 : i32
    %add3A_19 = arith.addi %mul3A_17, %add3A_18 : i32
    "tpu.region"() ({
      %run_scoped3A = tpu.sem_alloc : memref<!tpu.dma_semaphore, #tpu.memory_space<semaphore_mem>>
      %dma_start3A_177 = arith.constant 0 : i32
      %dma_start3A_178 = tpu.memref_slice %arg13[%add3A_19, %dma_start3A_177] : memref<10240x64xf32, #tpu.memory_space<vmem_shared>> -> memref<128x64xf32, #tpu.memory_space<vmem_shared>>
      %dma_start3A_179 = arith.constant 0 : i32
      %dma_start3A_180 = tpu.memref_slice %arg13[%add3A_19, %dma_start3A_179] : memref<10240x64xf32, #tpu.memory_space<vmem_shared>> -> memref<128x64xf32, #tpu.memory_space<vmem_shared>>
      tpu.enqueue_dma source(%arg12 : memref<128x64xf32, #tpu.memory_space<vmem>>) target(%dma_start3A_180 : memref<128x64xf32, #tpu.memory_space<vmem_shared>>) target_semaphore(%run_scoped3A : memref<!tpu.dma_semaphore, #tpu.memory_space<semaphore_mem>>)
      %dma_wait3A_181 = arith.constant 0 : i32
      %dma_wait3A_182 = tpu.memref_slice %arg13[%add3A_19, %dma_wait3A_181] : memref<10240x64xf32, #tpu.memory_space<vmem_shared>> -> memref<128x64xf32, #tpu.memory_space<vmem_shared>>
      %dma_wait3A_183 = arith.constant 0 : i32
      %dma_wait3A_184 = tpu.memref_slice %arg13[%add3A_19, %dma_wait3A_183] : memref<10240x64xf32, #tpu.memory_space<vmem_shared>> -> memref<128x64xf32, #tpu.memory_space<vmem_shared>>
      tpu.wait_dma2 semaphore(%run_scoped3A : memref<!tpu.dma_semaphore, #tpu.memory_space<semaphore_mem>>) src(%arg12 : memref<128x64xf32, #tpu.memory_space<vmem>>) dst(%dma_wait3A_184 : memref<128x64xf32, #tpu.memory_space<vmem_shared>>)
      tpu.yield
    }) : () -> ()
    %mul3A_20 = arith.constant 640 : i32
    %mul3A_21 = arith.muli %arg1, %mul3A_20 : i32
    %add3A_22 = arith.constant 512 : i32
    %add3A_23 = arith.addi %mul3A_21, %add3A_22 : i32
    "tpu.region"() ({
      %run_scoped3A = tpu.sem_alloc : memref<!tpu.dma_semaphore, #tpu.memory_space<semaphore_mem>>
      %dma_start3A_177 = arith.constant 0 : i32
      %dma_start3A_178 = tpu.memref_slice %arg13[%add3A_23, %dma_start3A_177] : memref<10240x64xf32, #tpu.memory_space<vmem_shared>> -> memref<128x64xf32, #tpu.memory_space<vmem_shared>>
      %dma_start3A_179 = arith.constant 0 : i32
      %dma_start3A_180 = tpu.memref_slice %arg13[%add3A_23, %dma_start3A_179] : memref<10240x64xf32, #tpu.memory_space<vmem_shared>> -> memref<128x64xf32, #tpu.memory_space<vmem_shared>>
      tpu.enqueue_dma source(%arg12 : memref<128x64xf32, #tpu.memory_space<vmem>>) target(%dma_start3A_180 : memref<128x64xf32, #tpu.memory_space<vmem_shared>>) target_semaphore(%run_scoped3A : memref<!tpu.dma_semaphore, #tpu.memory_space<semaphore_mem>>)
      %dma_wait3A_181 = arith.constant 0 : i32
      %dma_wait3A_182 = tpu.memref_slice %arg13[%add3A_23, %dma_wait3A_181] : memref<10240x64xf32, #tpu.memory_space<vmem_shared>> -> memref<128x64xf32, #tpu.memory_space<vmem_shared>>
      %dma_wait3A_183 = arith.constant 0 : i32
      %dma_wait3A_184 = tpu.memref_slice %arg13[%add3A_23, %dma_wait3A_183] : memref<10240x64xf32, #tpu.memory_space<vmem_shared>> -> memref<128x64xf32, #tpu.memory_space<vmem_shared>>
      tpu.wait_dma2 semaphore(%run_scoped3A : memref<!tpu.dma_semaphore, #tpu.memory_space<semaphore_mem>>) src(%arg12 : memref<128x64xf32, #tpu.memory_space<vmem>>) dst(%dma_wait3A_184 : memref<128x64xf32, #tpu.memory_space<vmem_shared>>)
      tpu.yield
    }) : () -> ()
    "tpu.region"() ({
      %run_scoped3A = tpu.sem_alloc : memref<!tpu.dma_semaphore, #tpu.memory_space<semaphore_mem>>
      %dma_start3A_177 = arith.constant 0 : i32
      %dma_start3A_178 = arith.constant 0 : i32
      %dma_start3A_179 = tpu.memref_slice %arg3[%arg1, %dma_start3A_177, %dma_start3A_178] : memref<16x160x128xi32, #tpu.memory_space<hbm>> -> memref<1x160x128xi32, #tpu.memory_space<hbm>>
      %dma_start3A_180 = tpu.memref_squeeze %dma_start3A_179 : memref<1x160x128xi32, #tpu.memory_space<hbm>> -> memref<160x128xi32, #tpu.memory_space<hbm>>
      %dma_start3A_181 = arith.constant 0 : i32
      %dma_start3A_182 = arith.constant 0 : i32
      %dma_start3A_183 = tpu.memref_slice %arg3[%arg1, %dma_start3A_181, %dma_start3A_182] : memref<16x160x128xi32, #tpu.memory_space<hbm>> -> memref<1x160x128xi32, #tpu.memory_space<hbm>>
      %dma_start3A_184 = tpu.memref_squeeze %dma_start3A_183 : memref<1x160x128xi32, #tpu.memory_space<hbm>> -> memref<160x128xi32, #tpu.memory_space<hbm>>
      tpu.enqueue_dma source(%dma_start3A_184 : memref<160x128xi32, #tpu.memory_space<hbm>>) target(%arg6 : memref<160x128xi32, #tpu.memory_space<vmem>>) target_semaphore(%run_scoped3A : memref<!tpu.dma_semaphore, #tpu.memory_space<semaphore_mem>>)
      %dma_wait3A_185 = arith.constant 0 : i32
      %dma_wait3A_186 = arith.constant 0 : i32
      %dma_wait3A_187 = tpu.memref_slice %arg3[%arg1, %dma_wait3A_185, %dma_wait3A_186] : memref<16x160x128xi32, #tpu.memory_space<hbm>> -> memref<1x160x128xi32, #tpu.memory_space<hbm>>
      %dma_wait3A_188 = tpu.memref_squeeze %dma_wait3A_187 : memref<1x160x128xi32, #tpu.memory_space<hbm>> -> memref<160x128xi32, #tpu.memory_space<hbm>>
      %dma_wait3A_189 = arith.constant 0 : i32
      %dma_wait3A_190 = arith.constant 0 : i32
      %dma_wait3A_191 = tpu.memref_slice %arg3[%arg1, %dma_wait3A_189, %dma_wait3A_190] : memref<16x160x128xi32, #tpu.memory_space<hbm>> -> memref<1x160x128xi32, #tpu.memory_space<hbm>>
      %dma_wait3A_192 = tpu.memref_squeeze %dma_wait3A_191 : memref<1x160x128xi32, #tpu.memory_space<hbm>> -> memref<160x128xi32, #tpu.memory_space<hbm>>
      tpu.wait_dma2 semaphore(%run_scoped3A : memref<!tpu.dma_semaphore, #tpu.memory_space<semaphore_mem>>) src(%dma_wait3A_192 : memref<160x128xi32, #tpu.memory_space<hbm>>) dst(%arg6 : memref<160x128xi32, #tpu.memory_space<vmem>>)
      tpu.yield
    }) : () -> ()
    "tpu.region"() ({
      %run_scoped3A = tpu.sem_alloc : memref<!tpu.dma_semaphore, #tpu.memory_space<semaphore_mem>>
      %dma_start3A_177 = arith.constant 0 : i32
      %dma_start3A_178 = arith.constant 0 : i32
      %dma_start3A_179 = tpu.memref_slice %arg4[%arg1, %dma_start3A_177, %dma_start3A_178] : memref<16x160x128xi32, #tpu.memory_space<hbm>> -> memref<1x160x128xi32, #tpu.memory_space<hbm>>
      %dma_start3A_180 = tpu.memref_squeeze %dma_start3A_179 : memref<1x160x128xi32, #tpu.memory_space<hbm>> -> memref<160x128xi32, #tpu.memory_space<hbm>>
      %dma_start3A_181 = arith.constant 0 : i32
      %dma_start3A_182 = arith.constant 0 : i32
      %dma_start3A_183 = tpu.memref_slice %arg4[%arg1, %dma_start3A_181, %dma_start3A_182] : memref<16x160x128xi32, #tpu.memory_space<hbm>> -> memref<1x160x128xi32, #tpu.memory_space<hbm>>
      %dma_start3A_184 = tpu.memref_squeeze %dma_start3A_183 : memref<1x160x128xi32, #tpu.memory_space<hbm>> -> memref<160x128xi32, #tpu.memory_space<hbm>>
      tpu.enqueue_dma source(%dma_start3A_184 : memref<160x128xi32, #tpu.memory_space<hbm>>) target(%arg7 : memref<160x128xi32, #tpu.memory_space<vmem>>) target_semaphore(%run_scoped3A : memref<!tpu.dma_semaphore, #tpu.memory_space<semaphore_mem>>)
      %dma_wait3A_185 = arith.constant 0 : i32
      %dma_wait3A_186 = arith.constant 0 : i32
      %dma_wait3A_187 = tpu.memref_slice %arg4[%arg1, %dma_wait3A_185, %dma_wait3A_186] : memref<16x160x128xi32, #tpu.memory_space<hbm>> -> memref<1x160x128xi32, #tpu.memory_space<hbm>>
      %dma_wait3A_188 = tpu.memref_squeeze %dma_wait3A_187 : memref<1x160x128xi32, #tpu.memory_space<hbm>> -> memref<160x128xi32, #tpu.memory_space<hbm>>
      %dma_wait3A_189 = arith.constant 0 : i32
      %dma_wait3A_190 = arith.constant 0 : i32
      %dma_wait3A_191 = tpu.memref_slice %arg4[%arg1, %dma_wait3A_189, %dma_wait3A_190] : memref<16x160x128xi32, #tpu.memory_space<hbm>> -> memref<1x160x128xi32, #tpu.memory_space<hbm>>
      %dma_wait3A_192 = tpu.memref_squeeze %dma_wait3A_191 : memref<1x160x128xi32, #tpu.memory_space<hbm>> -> memref<160x128xi32, #tpu.memory_space<hbm>>
      tpu.wait_dma2 semaphore(%run_scoped3A : memref<!tpu.dma_semaphore, #tpu.memory_space<semaphore_mem>>) src(%dma_wait3A_192 : memref<160x128xi32, #tpu.memory_space<hbm>>) dst(%arg7 : memref<160x128xi32, #tpu.memory_space<vmem>>)
      tpu.yield
    }) : () -> ()
    %barrier3A = arith.constant 0 : index
    tpu.barrier barrier_id(%barrier3A)
    %dma_start3A = arith.constant 0 : i32
    %dma_start3A_24 = arith.constant 0 : i32
    %dma_start3A_25 = tpu.memref_slice %arg6[%dma_start3A, %dma_start3A_24] : memref<160x128xi32, #tpu.memory_space<vmem>> -> memref<1x128xi32, #tpu.memory_space<vmem>>
    %dma_start3A_26 = tpu.memref_squeeze %dma_start3A_25 : memref<1x128xi32, #tpu.memory_space<vmem>> -> memref<128xi32, #tpu.memory_space<vmem>>
    %dma_start3A_27 = arith.constant 0 : i32
    %dma_start3A_28 = arith.constant 0 : i32
    %dma_start3A_29 = tpu.memref_slice %arg2[%arg0, %dma_start3A_27, %dma_start3A_28] : memref<2x10000x64xf32, #tpu.memory_space<hbm>> -> memref<1x10000x64xf32, #tpu.memory_space<hbm>>
    %dma_start3A_30 = tpu.memref_squeeze %dma_start3A_29 : memref<1x10000x64xf32, #tpu.memory_space<hbm>> -> memref<10000x64xf32, #tpu.memory_space<hbm>>
    %dma_start3A_31 = arith.constant 0 : i32
    %dma_start3A_32 = arith.constant 0 : i32
    %dma_start3A_33 = tpu.memref_slice %dma_start3A_30[%dma_start3A_31, %dma_start3A_32] : memref<10000x64xf32, #tpu.memory_space<hbm>> -> memref<10000x64xf32, #tpu.memory_space<hbm>>
    tpu.enqueue_indirect_dma source(%dma_start3A_33 : memref<10000x64xf32, #tpu.memory_space<hbm>>) target(%arg8 : memref<128x64xf32, #tpu.memory_space<vmem>>) offsets(%dma_start3A_26 : memref<128xi32, #tpu.memory_space<vmem>>) semaphore(%arg14 : memref<!tpu.dma_semaphore, #tpu.memory_space<semaphore_mem>>)
    %dma_start3A_34 = arith.constant 1 : i32
    %dma_start3A_35 = arith.constant 0 : i32
    %dma_start3A_36 = tpu.memref_slice %arg6[%dma_start3A_34, %dma_start3A_35] : memref<160x128xi32, #tpu.memory_space<vmem>> -> memref<1x128xi32, #tpu.memory_space<vmem>>
    %dma_start3A_37 = tpu.memref_squeeze %dma_start3A_36 : memref<1x128xi32, #tpu.memory_space<vmem>> -> memref<128xi32, #tpu.memory_space<vmem>>
    %dma_start3A_38 = arith.constant 0 : i32
    %dma_start3A_39 = arith.constant 0 : i32
    %dma_start3A_40 = tpu.memref_slice %arg2[%arg0, %dma_start3A_38, %dma_start3A_39] : memref<2x10000x64xf32, #tpu.memory_space<hbm>> -> memref<1x10000x64xf32, #tpu.memory_space<hbm>>
    %dma_start3A_41 = tpu.memref_squeeze %dma_start3A_40 : memref<1x10000x64xf32, #tpu.memory_space<hbm>> -> memref<10000x64xf32, #tpu.memory_space<hbm>>
    %dma_start3A_42 = arith.constant 0 : i32
    %dma_start3A_43 = arith.constant 0 : i32
    %dma_start3A_44 = tpu.memref_slice %dma_start3A_41[%dma_start3A_42, %dma_start3A_43] : memref<10000x64xf32, #tpu.memory_space<hbm>> -> memref<10000x64xf32, #tpu.memory_space<hbm>>
    tpu.enqueue_indirect_dma source(%dma_start3A_44 : memref<10000x64xf32, #tpu.memory_space<hbm>>) target(%arg9 : memref<128x64xf32, #tpu.memory_space<vmem>>) offsets(%dma_start3A_37 : memref<128xi32, #tpu.memory_space<vmem>>) semaphore(%arg15 : memref<!tpu.dma_semaphore, #tpu.memory_space<semaphore_mem>>)
    %dma_start3A_45 = arith.constant 2 : i32
    %dma_start3A_46 = arith.constant 0 : i32
    %dma_start3A_47 = tpu.memref_slice %arg6[%dma_start3A_45, %dma_start3A_46] : memref<160x128xi32, #tpu.memory_space<vmem>> -> memref<1x128xi32, #tpu.memory_space<vmem>>
    %dma_start3A_48 = tpu.memref_squeeze %dma_start3A_47 : memref<1x128xi32, #tpu.memory_space<vmem>> -> memref<128xi32, #tpu.memory_space<vmem>>
    %dma_start3A_49 = arith.constant 0 : i32
    %dma_start3A_50 = arith.constant 0 : i32
    %dma_start3A_51 = tpu.memref_slice %arg2[%arg0, %dma_start3A_49, %dma_start3A_50] : memref<2x10000x64xf32, #tpu.memory_space<hbm>> -> memref<1x10000x64xf32, #tpu.memory_space<hbm>>
    %dma_start3A_52 = tpu.memref_squeeze %dma_start3A_51 : memref<1x10000x64xf32, #tpu.memory_space<hbm>> -> memref<10000x64xf32, #tpu.memory_space<hbm>>
    %dma_start3A_53 = arith.constant 0 : i32
    %dma_start3A_54 = arith.constant 0 : i32
    %dma_start3A_55 = tpu.memref_slice %dma_start3A_52[%dma_start3A_53, %dma_start3A_54] : memref<10000x64xf32, #tpu.memory_space<hbm>> -> memref<10000x64xf32, #tpu.memory_space<hbm>>
    tpu.enqueue_indirect_dma source(%dma_start3A_55 : memref<10000x64xf32, #tpu.memory_space<hbm>>) target(%arg10 : memref<128x64xf32, #tpu.memory_space<vmem>>) offsets(%dma_start3A_48 : memref<128xi32, #tpu.memory_space<vmem>>) semaphore(%arg16 : memref<!tpu.dma_semaphore, #tpu.memory_space<semaphore_mem>>)
    %dma_wait3A = arith.constant 0 : i32
    %dma_wait3A_56 = arith.constant 0 : i32
    %dma_wait3A_57 = tpu.memref_slice %arg6[%dma_wait3A, %dma_wait3A_56] : memref<160x128xi32, #tpu.memory_space<vmem>> -> memref<1x128xi32, #tpu.memory_space<vmem>>
    %dma_wait3A_58 = tpu.memref_squeeze %dma_wait3A_57 : memref<1x128xi32, #tpu.memory_space<vmem>> -> memref<128xi32, #tpu.memory_space<vmem>>
    %dma_wait3A_59 = arith.constant 0 : i32
    %dma_wait3A_60 = arith.constant 0 : i32
    %dma_wait3A_61 = tpu.memref_slice %arg2[%arg0, %dma_wait3A_59, %dma_wait3A_60] : memref<2x10000x64xf32, #tpu.memory_space<hbm>> -> memref<1x10000x64xf32, #tpu.memory_space<hbm>>
    %dma_wait3A_62 = tpu.memref_squeeze %dma_wait3A_61 : memref<1x10000x64xf32, #tpu.memory_space<hbm>> -> memref<10000x64xf32, #tpu.memory_space<hbm>>
    %dma_wait3A_63 = arith.constant 0 : i32
    %dma_wait3A_64 = arith.constant 0 : i32
    %dma_wait3A_65 = tpu.memref_slice %dma_wait3A_62[%dma_wait3A_63, %dma_wait3A_64] : memref<10000x64xf32, #tpu.memory_space<hbm>> -> memref<10000x64xf32, #tpu.memory_space<hbm>>
    tpu.wait_indirect_dma semaphore(%arg14 : memref<!tpu.dma_semaphore, #tpu.memory_space<semaphore_mem>>) src(%dma_wait3A_65 : memref<10000x64xf32, #tpu.memory_space<hbm>>) dst(%arg8 : memref<128x64xf32, #tpu.memory_space<vmem>>)
    %dma_start3A_66 = arith.constant 0 : i32
    %dma_start3A_67 = arith.constant 0 : i32
    %dma_start3A_68 = tpu.memref_slice %arg7[%dma_start3A_66, %dma_start3A_67] : memref<160x128xi32, #tpu.memory_space<vmem>> -> memref<1x128xi32, #tpu.memory_space<vmem>>
    %dma_start3A_69 = tpu.memref_squeeze %dma_start3A_68 : memref<1x128xi32, #tpu.memory_space<vmem>> -> memref<128xi32, #tpu.memory_space<vmem>>
    %dma_start3A_70 = arith.constant 0 : i32
    %dma_start3A_71 = arith.constant 0 : i32
    %dma_start3A_72 = tpu.memref_slice %arg13[%dma_start3A_70, %dma_start3A_71] : memref<10240x64xf32, #tpu.memory_space<vmem_shared>> -> memref<10240x64xf32, #tpu.memory_space<vmem_shared>>
    tpu.enqueue_indirect_dma source(%arg8 : memref<128x64xf32, #tpu.memory_space<vmem>>) target(%dma_start3A_72 : memref<10240x64xf32, #tpu.memory_space<vmem_shared>>) offsets(%dma_start3A_69 : memref<128xi32, #tpu.memory_space<vmem>>) semaphore(%arg14 : memref<!tpu.dma_semaphore, #tpu.memory_space<semaphore_mem>>) {add = true}
    %dma_start3A_73 = arith.constant 3 : i32
    %dma_start3A_74 = arith.constant 0 : i32
    %dma_start3A_75 = tpu.memref_slice %arg6[%dma_start3A_73, %dma_start3A_74] : memref<160x128xi32, #tpu.memory_space<vmem>> -> memref<1x128xi32, #tpu.memory_space<vmem>>
    %dma_start3A_76 = tpu.memref_squeeze %dma_start3A_75 : memref<1x128xi32, #tpu.memory_space<vmem>> -> memref<128xi32, #tpu.memory_space<vmem>>
    %dma_start3A_77 = arith.constant 0 : i32
    %dma_start3A_78 = arith.constant 0 : i32
    %dma_start3A_79 = tpu.memref_slice %arg2[%arg0, %dma_start3A_77, %dma_start3A_78] : memref<2x10000x64xf32, #tpu.memory_space<hbm>> -> memref<1x10000x64xf32, #tpu.memory_space<hbm>>
    %dma_start3A_80 = tpu.memref_squeeze %dma_start3A_79 : memref<1x10000x64xf32, #tpu.memory_space<hbm>> -> memref<10000x64xf32, #tpu.memory_space<hbm>>
    %dma_start3A_81 = arith.constant 0 : i32
    %dma_start3A_82 = arith.constant 0 : i32
    %dma_start3A_83 = tpu.memref_slice %dma_start3A_80[%dma_start3A_81, %dma_start3A_82] : memref<10000x64xf32, #tpu.memory_space<hbm>> -> memref<10000x64xf32, #tpu.memory_space<hbm>>
    tpu.enqueue_indirect_dma source(%dma_start3A_83 : memref<10000x64xf32, #tpu.memory_space<hbm>>) target(%arg11 : memref<128x64xf32, #tpu.memory_space<vmem>>) offsets(%dma_start3A_76 : memref<128xi32, #tpu.memory_space<vmem>>) semaphore(%arg17 : memref<!tpu.dma_semaphore, #tpu.memory_space<semaphore_mem>>)
    %dma_wait3A_84 = arith.constant 0 : i32
    %dma_wait3A_85 = arith.constant 0 : i32
    %dma_wait3A_86 = tpu.memref_slice %arg6[%dma_wait3A_84, %dma_wait3A_85] : memref<160x128xi32, #tpu.memory_space<vmem>> -> memref<1x128xi32, #tpu.memory_space<vmem>>
    %dma_wait3A_87 = tpu.memref_squeeze %dma_wait3A_86 : memref<1x128xi32, #tpu.memory_space<vmem>> -> memref<128xi32, #tpu.memory_space<vmem>>
    %dma_wait3A_88 = arith.constant 0 : i32
    %dma_wait3A_89 = arith.constant 0 : i32
    %dma_wait3A_90 = tpu.memref_slice %arg2[%arg0, %dma_wait3A_88, %dma_wait3A_89] : memref<2x10000x64xf32, #tpu.memory_space<hbm>> -> memref<1x10000x64xf32, #tpu.memory_space<hbm>>
    %dma_wait3A_91 = tpu.memref_squeeze %dma_wait3A_90 : memref<1x10000x64xf32, #tpu.memory_space<hbm>> -> memref<10000x64xf32, #tpu.memory_space<hbm>>
    %dma_wait3A_92 = arith.constant 0 : i32
    %dma_wait3A_93 = arith.constant 0 : i32
    %dma_wait3A_94 = tpu.memref_slice %dma_wait3A_91[%dma_wait3A_92, %dma_wait3A_93] : memref<10000x64xf32, #tpu.memory_space<hbm>> -> memref<10000x64xf32, #tpu.memory_space<hbm>>
    tpu.wait_indirect_dma semaphore(%arg15 : memref<!tpu.dma_semaphore, #tpu.memory_space<semaphore_mem>>) src(%dma_wait3A_94 : memref<10000x64xf32, #tpu.memory_space<hbm>>) dst(%arg9 : memref<128x64xf32, #tpu.memory_space<vmem>>)
    %dma_start3A_95 = arith.constant 1 : i32
    %dma_start3A_96 = arith.constant 0 : i32
    %dma_start3A_97 = tpu.memref_slice %arg7[%dma_start3A_95, %dma_start3A_96] : memref<160x128xi32, #tpu.memory_space<vmem>> -> memref<1x128xi32, #tpu.memory_space<vmem>>
    %dma_start3A_98 = tpu.memref_squeeze %dma_start3A_97 : memref<1x128xi32, #tpu.memory_space<vmem>> -> memref<128xi32, #tpu.memory_space<vmem>>
    %dma_start3A_99 = arith.constant 0 : i32
    %dma_start3A_100 = arith.constant 0 : i32
    %dma_start3A_101 = tpu.memref_slice %arg13[%dma_start3A_99, %dma_start3A_100] : memref<10240x64xf32, #tpu.memory_space<vmem_shared>> -> memref<10240x64xf32, #tpu.memory_space<vmem_shared>>
    tpu.enqueue_indirect_dma source(%arg9 : memref<128x64xf32, #tpu.memory_space<vmem>>) target(%dma_start3A_101 : memref<10240x64xf32, #tpu.memory_space<vmem_shared>>) offsets(%dma_start3A_98 : memref<128xi32, #tpu.memory_space<vmem>>) semaphore(%arg15 : memref<!tpu.dma_semaphore, #tpu.memory_space<semaphore_mem>>) {add = true}
    %scan3A_102 = arith.constant 0 : i32
    %scan3A_103 = arith.constant 0 : i32
    %scan3A_104 = arith.constant 39 : i32
    %scan3A_105 = arith.addi %scan3A_103, %scan3A_104 : i32
    %scan3A_106 = arith.constant 1 : i32
    scf.for %scan3A_177 = %scan3A_103 to %scan3A_105 step %scan3A_106  : i32 {
      %mul3A_178 = arith.constant 4 : i32
      %mul3A_179 = arith.muli %mul3A_178, %scan3A_177 : i32
      %add3A_180 = arith.constant 2 : i32
      %add3A_181 = arith.addi %mul3A_179, %add3A_180 : i32
      %add3A_182 = arith.constant 0 : i32
      %add3A_183 = arith.addi %add3A_181, %add3A_182 : i32
      %dma_wait3A_184 = arith.constant 0 : i32
      %dma_wait3A_185 = arith.constant 0 : i32
      %dma_wait3A_186 = tpu.memref_slice %arg7[%dma_wait3A_184, %dma_wait3A_185] : memref<160x128xi32, #tpu.memory_space<vmem>> -> memref<1x128xi32, #tpu.memory_space<vmem>>
      %dma_wait3A_187 = tpu.memref_squeeze %dma_wait3A_186 : memref<1x128xi32, #tpu.memory_space<vmem>> -> memref<128xi32, #tpu.memory_space<vmem>>
      %dma_wait3A_188 = arith.constant 0 : i32
      %dma_wait3A_189 = arith.constant 0 : i32
      %dma_wait3A_190 = tpu.memref_slice %arg13[%dma_wait3A_188, %dma_wait3A_189] : memref<10240x64xf32, #tpu.memory_space<vmem_shared>> -> memref<10240x64xf32, #tpu.memory_space<vmem_shared>>
      tpu.wait_indirect_dma semaphore(%arg14 : memref<!tpu.dma_semaphore, #tpu.memory_space<semaphore_mem>>) src(%arg8 : memref<128x64xf32, #tpu.memory_space<vmem>>) dst(%dma_wait3A_190 : memref<10240x64xf32, #tpu.memory_space<vmem_shared>>)
      %add3A_191 = arith.constant 2 : i32
      %add3A_192 = arith.addi %add3A_183, %add3A_191 : i32
      %dma_start3A_193 = arith.constant 0 : i32
      %dma_start3A_194 = tpu.memref_slice %arg6[%add3A_192, %dma_start3A_193] : memref<160x128xi32, #tpu.memory_space<vmem>> -> memref<1x128xi32, #tpu.memory_space<vmem>>
      %dma_start3A_195 = tpu.memref_squeeze %dma_start3A_194 : memref<1x128xi32, #tpu.memory_space<vmem>> -> memref<128xi32, #tpu.memory_space<vmem>>
      %dma_start3A_196 = arith.constant 0 : i32
      %dma_start3A_197 = arith.constant 0 : i32
      %dma_start3A_198 = tpu.memref_slice %arg2[%arg0, %dma_start3A_196, %dma_start3A_197] : memref<2x10000x64xf32, #tpu.memory_space<hbm>> -> memref<1x10000x64xf32, #tpu.memory_space<hbm>>
      %dma_start3A_199 = tpu.memref_squeeze %dma_start3A_198 : memref<1x10000x64xf32, #tpu.memory_space<hbm>> -> memref<10000x64xf32, #tpu.memory_space<hbm>>
      %dma_start3A_200 = arith.constant 0 : i32
      %dma_start3A_201 = arith.constant 0 : i32
      %dma_start3A_202 = tpu.memref_slice %dma_start3A_199[%dma_start3A_200, %dma_start3A_201] : memref<10000x64xf32, #tpu.memory_space<hbm>> -> memref<10000x64xf32, #tpu.memory_space<hbm>>
      tpu.enqueue_indirect_dma source(%dma_start3A_202 : memref<10000x64xf32, #tpu.memory_space<hbm>>) target(%arg8 : memref<128x64xf32, #tpu.memory_space<vmem>>) offsets(%dma_start3A_195 : memref<128xi32, #tpu.memory_space<vmem>>) semaphore(%arg14 : memref<!tpu.dma_semaphore, #tpu.memory_space<semaphore_mem>>)
      %dma_wait3A_203 = arith.constant 0 : i32
      %dma_wait3A_204 = arith.constant 0 : i32
      %dma_wait3A_205 = tpu.memref_slice %arg6[%dma_wait3A_203, %dma_wait3A_204] : memref<160x128xi32, #tpu.memory_space<vmem>> -> memref<1x128xi32, #tpu.memory_space<vmem>>
      %dma_wait3A_206 = tpu.memref_squeeze %dma_wait3A_205 : memref<1x128xi32, #tpu.memory_space<vmem>> -> memref<128xi32, #tpu.memory_space<vmem>>
      %dma_wait3A_207 = arith.constant 0 : i32
      %dma_wait3A_208 = arith.constant 0 : i32
      %dma_wait3A_209 = tpu.memref_slice %arg2[%arg0, %dma_wait3A_207, %dma_wait3A_208] : memref<2x10000x64xf32, #tpu.memory_space<hbm>> -> memref<1x10000x64xf32, #tpu.memory_space<hbm>>
      %dma_wait3A_210 = tpu.memref_squeeze %dma_wait3A_209 : memref<1x10000x64xf32, #tpu.memory_space<hbm>> -> memref<10000x64xf32, #tpu.memory_space<hbm>>
      %dma_wait3A_211 = arith.constant 0 : i32
      %dma_wait3A_212 = arith.constant 0 : i32
      %dma_wait3A_213 = tpu.memref_slice %dma_wait3A_210[%dma_wait3A_211, %dma_wait3A_212] : memref<10000x64xf32, #tpu.memory_space<hbm>> -> memref<10000x64xf32, #tpu.memory_space<hbm>>
      tpu.wait_indirect_dma semaphore(%arg16 : memref<!tpu.dma_semaphore, #tpu.memory_space<semaphore_mem>>) src(%dma_wait3A_213 : memref<10000x64xf32, #tpu.memory_space<hbm>>) dst(%arg10 : memref<128x64xf32, #tpu.memory_space<vmem>>)
      %dma_start3A_214 = arith.constant 0 : i32
      %dma_start3A_215 = tpu.memref_slice %arg7[%add3A_183, %dma_start3A_214] : memref<160x128xi32, #tpu.memory_space<vmem>> -> memref<1x128xi32, #tpu.memory_space<vmem>>
      %dma_start3A_216 = tpu.memref_squeeze %dma_start3A_215 : memref<1x128xi32, #tpu.memory_space<vmem>> -> memref<128xi32, #tpu.memory_space<vmem>>
      %dma_start3A_217 = arith.constant 0 : i32
      %dma_start3A_218 = arith.constant 0 : i32
      %dma_start3A_219 = tpu.memref_slice %arg13[%dma_start3A_217, %dma_start3A_218] : memref<10240x64xf32, #tpu.memory_space<vmem_shared>> -> memref<10240x64xf32, #tpu.memory_space<vmem_shared>>
      tpu.enqueue_indirect_dma source(%arg10 : memref<128x64xf32, #tpu.memory_space<vmem>>) target(%dma_start3A_219 : memref<10240x64xf32, #tpu.memory_space<vmem_shared>>) offsets(%dma_start3A_216 : memref<128xi32, #tpu.memory_space<vmem>>) semaphore(%arg16 : memref<!tpu.dma_semaphore, #tpu.memory_space<semaphore_mem>>) {add = true}
      %add3A_220 = arith.constant 1 : i32
      %add3A_221 = arith.addi %add3A_181, %add3A_220 : i32
      %dma_wait3A_222 = arith.constant 0 : i32
      %dma_wait3A_223 = arith.constant 0 : i32
      %dma_wait3A_224 = tpu.memref_slice %arg7[%dma_wait3A_222, %dma_wait3A_223] : memref<160x128xi32, #tpu.memory_space<vmem>> -> memref<1x128xi32, #tpu.memory_space<vmem>>
      %dma_wait3A_225 = tpu.memref_squeeze %dma_wait3A_224 : memref<1x128xi32, #tpu.memory_space<vmem>> -> memref<128xi32, #tpu.memory_space<vmem>>
      %dma_wait3A_226 = arith.constant 0 : i32
      %dma_wait3A_227 = arith.constant 0 : i32
      %dma_wait3A_228 = tpu.memref_slice %arg13[%dma_wait3A_226, %dma_wait3A_227] : memref<10240x64xf32, #tpu.memory_space<vmem_shared>> -> memref<10240x64xf32, #tpu.memory_space<vmem_shared>>
      tpu.wait_indirect_dma semaphore(%arg15 : memref<!tpu.dma_semaphore, #tpu.memory_space<semaphore_mem>>) src(%arg9 : memref<128x64xf32, #tpu.memory_space<vmem>>) dst(%dma_wait3A_228 : memref<10240x64xf32, #tpu.memory_space<vmem_shared>>)
      %add3A_229 = arith.constant 2 : i32
      %add3A_230 = arith.addi %add3A_221, %add3A_229 : i32
      %dma_start3A_231 = arith.constant 0 : i32
      %dma_start3A_232 = tpu.memref_slice %arg6[%add3A_230, %dma_start3A_231] : memref<160x128xi32, #tpu.memory_space<vmem>> -> memref<1x128xi32, #tpu.memory_space<vmem>>
      %dma_start3A_233 = tpu.memref_squeeze %dma_start3A_232 : memref<1x128xi32, #tpu.memory_space<vmem>> -> memref<128xi32, #tpu.memory_space<vmem>>
      %dma_start3A_234 = arith.constant 0 : i32
      %dma_start3A_235 = arith.constant 0 : i32
      %dma_start3A_236 = tpu.memref_slice %arg2[%arg0, %dma_start3A_234, %dma_start3A_235] : memref<2x10000x64xf32, #tpu.memory_space<hbm>> -> memref<1x10000x64xf32, #tpu.memory_space<hbm>>
      %dma_start3A_237 = tpu.memref_squeeze %dma_start3A_236 : memref<1x10000x64xf32, #tpu.memory_space<hbm>> -> memref<10000x64xf32, #tpu.memory_space<hbm>>
      %dma_start3A_238 = arith.constant 0 : i32
      %dma_start3A_239 = arith.constant 0 : i32
      %dma_start3A_240 = tpu.memref_slice %dma_start3A_237[%dma_start3A_238, %dma_start3A_239] : memref<10000x64xf32, #tpu.memory_space<hbm>> -> memref<10000x64xf32, #tpu.memory_space<hbm>>
      tpu.enqueue_indirect_dma source(%dma_start3A_240 : memref<10000x64xf32, #tpu.memory_space<hbm>>) target(%arg9 : memref<128x64xf32, #tpu.memory_space<vmem>>) offsets(%dma_start3A_233 : memref<128xi32, #tpu.memory_space<vmem>>) semaphore(%arg15 : memref<!tpu.dma_semaphore, #tpu.memory_space<semaphore_mem>>)
      %dma_wait3A_241 = arith.constant 0 : i32
      %dma_wait3A_242 = arith.constant 0 : i32
      %dma_wait3A_243 = tpu.memref_slice %arg6[%dma_wait3A_241, %dma_wait3A_242] : memref<160x128xi32, #tpu.memory_space<vmem>> -> memref<1x128xi32, #tpu.memory_space<vmem>>
      %dma_wait3A_244 = tpu.memref_squeeze %dma_wait3A_243 : memref<1x128xi32, #tpu.memory_space<vmem>> -> memref<128xi32, #tpu.memory_space<vmem>>
      %dma_wait3A_245 = arith.constant 0 : i32
      %dma_wait3A_246 = arith.constant 0 : i32
      %dma_wait3A_247 = tpu.memref_slice %arg2[%arg0, %dma_wait3A_245, %dma_wait3A_246] : memref<2x10000x64xf32, #tpu.memory_space<hbm>> -> memref<1x10000x64xf32, #tpu.memory_space<hbm>>
      %dma_wait3A_248 = tpu.memref_squeeze %dma_wait3A_247 : memref<1x10000x64xf32, #tpu.memory_space<hbm>> -> memref<10000x64xf32, #tpu.memory_space<hbm>>
      %dma_wait3A_249 = arith.constant 0 : i32
      %dma_wait3A_250 = arith.constant 0 : i32
      %dma_wait3A_251 = tpu.memref_slice %dma_wait3A_248[%dma_wait3A_249, %dma_wait3A_250] : memref<10000x64xf32, #tpu.memory_space<hbm>> -> memref<10000x64xf32, #tpu.memory_space<hbm>>
      tpu.wait_indirect_dma semaphore(%arg17 : memref<!tpu.dma_semaphore, #tpu.memory_space<semaphore_mem>>) src(%dma_wait3A_251 : memref<10000x64xf32, #tpu.memory_space<hbm>>) dst(%arg11 : memref<128x64xf32, #tpu.memory_space<vmem>>)
      %dma_start3A_252 = arith.constant 0 : i32
      %dma_start3A_253 = tpu.memref_slice %arg7[%add3A_221, %dma_start3A_252] : memref<160x128xi32, #tpu.memory_space<vmem>> -> memref<1x128xi32, #tpu.memory_space<vmem>>
      %dma_start3A_254 = tpu.memref_squeeze %dma_start3A_253 : memref<1x128xi32, #tpu.memory_space<vmem>> -> memref<128xi32, #tpu.memory_space<vmem>>
      %dma_start3A_255 = arith.constant 0 : i32
      %dma_start3A_256 = arith.constant 0 : i32
      %dma_start3A_257 = tpu.memref_slice %arg13[%dma_start3A_255, %dma_start3A_256] : memref<10240x64xf32, #tpu.memory_space<vmem_shared>> -> memref<10240x64xf32, #tpu.memory_space<vmem_shared>>
      tpu.enqueue_indirect_dma source(%arg11 : memref<128x64xf32, #tpu.memory_space<vmem>>) target(%dma_start3A_257 : memref<10240x64xf32, #tpu.memory_space<vmem_shared>>) offsets(%dma_start3A_254 : memref<128xi32, #tpu.memory_space<vmem>>) semaphore(%arg17 : memref<!tpu.dma_semaphore, #tpu.memory_space<semaphore_mem>>) {add = true}
      %add3A_258 = arith.constant 2 : i32
      %add3A_259 = arith.addi %add3A_181, %add3A_258 : i32
      %dma_wait3A_260 = arith.constant 0 : i32
      %dma_wait3A_261 = arith.constant 0 : i32
      %dma_wait3A_262 = tpu.memref_slice %arg7[%dma_wait3A_260, %dma_wait3A_261] : memref<160x128xi32, #tpu.memory_space<vmem>> -> memref<1x128xi32, #tpu.memory_space<vmem>>
      %dma_wait3A_263 = tpu.memref_squeeze %dma_wait3A_262 : memref<1x128xi32, #tpu.memory_space<vmem>> -> memref<128xi32, #tpu.memory_space<vmem>>
      %dma_wait3A_264 = arith.constant 0 : i32
      %dma_wait3A_265 = arith.constant 0 : i32
      %dma_wait3A_266 = tpu.memref_slice %arg13[%dma_wait3A_264, %dma_wait3A_265] : memref<10240x64xf32, #tpu.memory_space<vmem_shared>> -> memref<10240x64xf32, #tpu.memory_space<vmem_shared>>
      tpu.wait_indirect_dma semaphore(%arg16 : memref<!tpu.dma_semaphore, #tpu.memory_space<semaphore_mem>>) src(%arg10 : memref<128x64xf32, #tpu.memory_space<vmem>>) dst(%dma_wait3A_266 : memref<10240x64xf32, #tpu.memory_space<vmem_shared>>)
      %add3A_267 = arith.constant 2 : i32
      %add3A_268 = arith.addi %add3A_259, %add3A_267 : i32
      %dma_start3A_269 = arith.constant 0 : i32
      %dma_start3A_270 = tpu.memref_slice %arg6[%add3A_268, %dma_start3A_269] : memref<160x128xi32, #tpu.memory_space<vmem>> -> memref<1x128xi32, #tpu.memory_space<vmem>>
      %dma_start3A_271 = tpu.memref_squeeze %dma_start3A_270 : memref<1x128xi32, #tpu.memory_space<vmem>> -> memref<128xi32, #tpu.memory_space<vmem>>
      %dma_start3A_272 = arith.constant 0 : i32
      %dma_start3A_273 = arith.constant 0 : i32
      %dma_start3A_274 = tpu.memref_slice %arg2[%arg0, %dma_start3A_272, %dma_start3A_273] : memref<2x10000x64xf32, #tpu.memory_space<hbm>> -> memref<1x10000x64xf32, #tpu.memory_space<hbm>>
      %dma_start3A_275 = tpu.memref_squeeze %dma_start3A_274 : memref<1x10000x64xf32, #tpu.memory_space<hbm>> -> memref<10000x64xf32, #tpu.memory_space<hbm>>
      %dma_start3A_276 = arith.constant 0 : i32
      %dma_start3A_277 = arith.constant 0 : i32
      %dma_start3A_278 = tpu.memref_slice %dma_start3A_275[%dma_start3A_276, %dma_start3A_277] : memref<10000x64xf32, #tpu.memory_space<hbm>> -> memref<10000x64xf32, #tpu.memory_space<hbm>>
      tpu.enqueue_indirect_dma source(%dma_start3A_278 : memref<10000x64xf32, #tpu.memory_space<hbm>>) target(%arg10 : memref<128x64xf32, #tpu.memory_space<vmem>>) offsets(%dma_start3A_271 : memref<128xi32, #tpu.memory_space<vmem>>) semaphore(%arg16 : memref<!tpu.dma_semaphore, #tpu.memory_space<semaphore_mem>>)
      %dma_wait3A_279 = arith.constant 0 : i32
      %dma_wait3A_280 = arith.constant 0 : i32
      %dma_wait3A_281 = tpu.memref_slice %arg6[%dma_wait3A_279, %dma_wait3A_280] : memref<160x128xi32, #tpu.memory_space<vmem>> -> memref<1x128xi32, #tpu.memory_space<vmem>>
      %dma_wait3A_282 = tpu.memref_squeeze %dma_wait3A_281 : memref<1x128xi32, #tpu.memory_space<vmem>> -> memref<128xi32, #tpu.memory_space<vmem>>
      %dma_wait3A_283 = arith.constant 0 : i32
      %dma_wait3A_284 = arith.constant 0 : i32
      %dma_wait3A_285 = tpu.memref_slice %arg2[%arg0, %dma_wait3A_283, %dma_wait3A_284] : memref<2x10000x64xf32, #tpu.memory_space<hbm>> -> memref<1x10000x64xf32, #tpu.memory_space<hbm>>
      %dma_wait3A_286 = tpu.memref_squeeze %dma_wait3A_285 : memref<1x10000x64xf32, #tpu.memory_space<hbm>> -> memref<10000x64xf32, #tpu.memory_space<hbm>>
      %dma_wait3A_287 = arith.constant 0 : i32
      %dma_wait3A_288 = arith.constant 0 : i32
      %dma_wait3A_289 = tpu.memref_slice %dma_wait3A_286[%dma_wait3A_287, %dma_wait3A_288] : memref<10000x64xf32, #tpu.memory_space<hbm>> -> memref<10000x64xf32, #tpu.memory_space<hbm>>
      tpu.wait_indirect_dma semaphore(%arg14 : memref<!tpu.dma_semaphore, #tpu.memory_space<semaphore_mem>>) src(%dma_wait3A_289 : memref<10000x64xf32, #tpu.memory_space<hbm>>) dst(%arg8 : memref<128x64xf32, #tpu.memory_space<vmem>>)
      %dma_start3A_290 = arith.constant 0 : i32
      %dma_start3A_291 = tpu.memref_slice %arg7[%add3A_259, %dma_start3A_290] : memref<160x128xi32, #tpu.memory_space<vmem>> -> memref<1x128xi32, #tpu.memory_space<vmem>>
      %dma_start3A_292 = tpu.memref_squeeze %dma_start3A_291 : memref<1x128xi32, #tpu.memory_space<vmem>> -> memref<128xi32, #tpu.memory_space<vmem>>
      %dma_start3A_293 = arith.constant 0 : i32
      %dma_start3A_294 = arith.constant 0 : i32
      %dma_start3A_295 = tpu.memref_slice %arg13[%dma_start3A_293, %dma_start3A_294] : memref<10240x64xf32, #tpu.memory_space<vmem_shared>> -> memref<10240x64xf32, #tpu.memory_space<vmem_shared>>
      tpu.enqueue_indirect_dma source(%arg8 : memref<128x64xf32, #tpu.memory_space<vmem>>) target(%dma_start3A_295 : memref<10240x64xf32, #tpu.memory_space<vmem_shared>>) offsets(%dma_start3A_292 : memref<128xi32, #tpu.memory_space<vmem>>) semaphore(%arg14 : memref<!tpu.dma_semaphore, #tpu.memory_space<semaphore_mem>>) {add = true}
      %add3A_296 = arith.constant 3 : i32
      %add3A_297 = arith.addi %add3A_181, %add3A_296 : i32
      %dma_wait3A_298 = arith.constant 0 : i32
      %dma_wait3A_299 = arith.constant 0 : i32
      %dma_wait3A_300 = tpu.memref_slice %arg7[%dma_wait3A_298, %dma_wait3A_299] : memref<160x128xi32, #tpu.memory_space<vmem>> -> memref<1x128xi32, #tpu.memory_space<vmem>>
      %dma_wait3A_301 = tpu.memref_squeeze %dma_wait3A_300 : memref<1x128xi32, #tpu.memory_space<vmem>> -> memref<128xi32, #tpu.memory_space<vmem>>
      %dma_wait3A_302 = arith.constant 0 : i32
      %dma_wait3A_303 = arith.constant 0 : i32
      %dma_wait3A_304 = tpu.memref_slice %arg13[%dma_wait3A_302, %dma_wait3A_303] : memref<10240x64xf32, #tpu.memory_space<vmem_shared>> -> memref<10240x64xf32, #tpu.memory_space<vmem_shared>>
      tpu.wait_indirect_dma semaphore(%arg17 : memref<!tpu.dma_semaphore, #tpu.memory_space<semaphore_mem>>) src(%arg11 : memref<128x64xf32, #tpu.memory_space<vmem>>) dst(%dma_wait3A_304 : memref<10240x64xf32, #tpu.memory_space<vmem_shared>>)
      %add3A_305 = arith.constant 2 : i32
      %add3A_306 = arith.addi %add3A_297, %add3A_305 : i32
      %dma_start3A_307 = arith.constant 0 : i32
      %dma_start3A_308 = tpu.memref_slice %arg6[%add3A_306, %dma_start3A_307] : memref<160x128xi32, #tpu.memory_space<vmem>> -> memref<1x128xi32, #tpu.memory_space<vmem>>
      %dma_start3A_309 = tpu.memref_squeeze %dma_start3A_308 : memref<1x128xi32, #tpu.memory_space<vmem>> -> memref<128xi32, #tpu.memory_space<vmem>>
      %dma_start3A_310 = arith.constant 0 : i32
      %dma_start3A_311 = arith.constant 0 : i32
      %dma_start3A_312 = tpu.memref_slice %arg2[%arg0, %dma_start3A_310, %dma_start3A_311] : memref<2x10000x64xf32, #tpu.memory_space<hbm>> -> memref<1x10000x64xf32, #tpu.memory_space<hbm>>
      %dma_start3A_313 = tpu.memref_squeeze %dma_start3A_312 : memref<1x10000x64xf32, #tpu.memory_space<hbm>> -> memref<10000x64xf32, #tpu.memory_space<hbm>>
      %dma_start3A_314 = arith.constant 0 : i32
      %dma_start3A_315 = arith.constant 0 : i32
      %dma_start3A_316 = tpu.memref_slice %dma_start3A_313[%dma_start3A_314, %dma_start3A_315] : memref<10000x64xf32, #tpu.memory_space<hbm>> -> memref<10000x64xf32, #tpu.memory_space<hbm>>
      tpu.enqueue_indirect_dma source(%dma_start3A_316 : memref<10000x64xf32, #tpu.memory_space<hbm>>) target(%arg11 : memref<128x64xf32, #tpu.memory_space<vmem>>) offsets(%dma_start3A_309 : memref<128xi32, #tpu.memory_space<vmem>>) semaphore(%arg17 : memref<!tpu.dma_semaphore, #tpu.memory_space<semaphore_mem>>)
      %dma_wait3A_317 = arith.constant 0 : i32
      %dma_wait3A_318 = arith.constant 0 : i32
      %dma_wait3A_319 = tpu.memref_slice %arg6[%dma_wait3A_317, %dma_wait3A_318] : memref<160x128xi32, #tpu.memory_space<vmem>> -> memref<1x128xi32, #tpu.memory_space<vmem>>
      %dma_wait3A_320 = tpu.memref_squeeze %dma_wait3A_319 : memref<1x128xi32, #tpu.memory_space<vmem>> -> memref<128xi32, #tpu.memory_space<vmem>>
      %dma_wait3A_321 = arith.constant 0 : i32
      %dma_wait3A_322 = arith.constant 0 : i32
      %dma_wait3A_323 = tpu.memref_slice %arg2[%arg0, %dma_wait3A_321, %dma_wait3A_322] : memref<2x10000x64xf32, #tpu.memory_space<hbm>> -> memref<1x10000x64xf32, #tpu.memory_space<hbm>>
      %dma_wait3A_324 = tpu.memref_squeeze %dma_wait3A_323 : memref<1x10000x64xf32, #tpu.memory_space<hbm>> -> memref<10000x64xf32, #tpu.memory_space<hbm>>
      %dma_wait3A_325 = arith.constant 0 : i32
      %dma_wait3A_326 = arith.constant 0 : i32
      %dma_wait3A_327 = tpu.memref_slice %dma_wait3A_324[%dma_wait3A_325, %dma_wait3A_326] : memref<10000x64xf32, #tpu.memory_space<hbm>> -> memref<10000x64xf32, #tpu.memory_space<hbm>>
      tpu.wait_indirect_dma semaphore(%arg15 : memref<!tpu.dma_semaphore, #tpu.memory_space<semaphore_mem>>) src(%dma_wait3A_327 : memref<10000x64xf32, #tpu.memory_space<hbm>>) dst(%arg9 : memref<128x64xf32, #tpu.memory_space<vmem>>)
      %dma_start3A_328 = arith.constant 0 : i32
      %dma_start3A_329 = tpu.memref_slice %arg7[%add3A_297, %dma_start3A_328] : memref<160x128xi32, #tpu.memory_space<vmem>> -> memref<1x128xi32, #tpu.memory_space<vmem>>
      %dma_start3A_330 = tpu.memref_squeeze %dma_start3A_329 : memref<1x128xi32, #tpu.memory_space<vmem>> -> memref<128xi32, #tpu.memory_space<vmem>>
      %dma_start3A_331 = arith.constant 0 : i32
      %dma_start3A_332 = arith.constant 0 : i32
      %dma_start3A_333 = tpu.memref_slice %arg13[%dma_start3A_331, %dma_start3A_332] : memref<10240x64xf32, #tpu.memory_space<vmem_shared>> -> memref<10240x64xf32, #tpu.memory_space<vmem_shared>>
      tpu.enqueue_indirect_dma source(%arg9 : memref<128x64xf32, #tpu.memory_space<vmem>>) target(%dma_start3A_333 : memref<10240x64xf32, #tpu.memory_space<vmem_shared>>) offsets(%dma_start3A_330 : memref<128xi32, #tpu.memory_space<vmem>>) semaphore(%arg15 : memref<!tpu.dma_semaphore, #tpu.memory_space<semaphore_mem>>) {add = true}
    }
    %scan3A_107 = arith.constant 39 : i32
    %dma_wait3A_108 = arith.constant 0 : i32
    %dma_wait3A_109 = arith.constant 0 : i32
    %dma_wait3A_110 = tpu.memref_slice %arg7[%dma_wait3A_108, %dma_wait3A_109] : memref<160x128xi32, #tpu.memory_space<vmem>> -> memref<1x128xi32, #tpu.memory_space<vmem>>
    %dma_wait3A_111 = tpu.memref_squeeze %dma_wait3A_110 : memref<1x128xi32, #tpu.memory_space<vmem>> -> memref<128xi32, #tpu.memory_space<vmem>>
    %dma_wait3A_112 = arith.constant 0 : i32
    %dma_wait3A_113 = arith.constant 0 : i32
    %dma_wait3A_114 = tpu.memref_slice %arg13[%dma_wait3A_112, %dma_wait3A_113] : memref<10240x64xf32, #tpu.memory_space<vmem_shared>> -> memref<10240x64xf32, #tpu.memory_space<vmem_shared>>
    tpu.wait_indirect_dma semaphore(%arg14 : memref<!tpu.dma_semaphore, #tpu.memory_space<semaphore_mem>>) src(%arg8 : memref<128x64xf32, #tpu.memory_space<vmem>>) dst(%dma_wait3A_114 : memref<10240x64xf32, #tpu.memory_space<vmem_shared>>)
    %dma_wait3A_115 = arith.constant 0 : i32
    %dma_wait3A_116 = arith.constant 0 : i32
    %dma_wait3A_117 = tpu.memref_slice %arg6[%dma_wait3A_115, %dma_wait3A_116] : memref<160x128xi32, #tpu.memory_space<vmem>> -> memref<1x128xi32, #tpu.memory_space<vmem>>
    %dma_wait3A_118 = tpu.memref_squeeze %dma_wait3A_117 : memref<1x128xi32, #tpu.memory_space<vmem>> -> memref<128xi32, #tpu.memory_space<vmem>>
    %dma_wait3A_119 = arith.constant 0 : i32
    %dma_wait3A_120 = arith.constant 0 : i32
    %dma_wait3A_121 = tpu.memref_slice %arg2[%arg0, %dma_wait3A_119, %dma_wait3A_120] : memref<2x10000x64xf32, #tpu.memory_space<hbm>> -> memref<1x10000x64xf32, #tpu.memory_space<hbm>>
    %dma_wait3A_122 = tpu.memref_squeeze %dma_wait3A_121 : memref<1x10000x64xf32, #tpu.memory_space<hbm>> -> memref<10000x64xf32, #tpu.memory_space<hbm>>
    %dma_wait3A_123 = arith.constant 0 : i32
    %dma_wait3A_124 = arith.constant 0 : i32
    %dma_wait3A_125 = tpu.memref_slice %dma_wait3A_122[%dma_wait3A_123, %dma_wait3A_124] : memref<10000x64xf32, #tpu.memory_space<hbm>> -> memref<10000x64xf32, #tpu.memory_space<hbm>>
    tpu.wait_indirect_dma semaphore(%arg16 : memref<!tpu.dma_semaphore, #tpu.memory_space<semaphore_mem>>) src(%dma_wait3A_125 : memref<10000x64xf32, #tpu.memory_space<hbm>>) dst(%arg10 : memref<128x64xf32, #tpu.memory_space<vmem>>)
    %dma_start3A_126 = arith.constant 158 : i32
    %dma_start3A_127 = arith.constant 0 : i32
    %dma_start3A_128 = tpu.memref_slice %arg7[%dma_start3A_126, %dma_start3A_127] : memref<160x128xi32, #tpu.memory_space<vmem>> -> memref<1x128xi32, #tpu.memory_space<vmem>>
    %dma_start3A_129 = tpu.memref_squeeze %dma_start3A_128 : memref<1x128xi32, #tpu.memory_space<vmem>> -> memref<128xi32, #tpu.memory_space<vmem>>
    %dma_start3A_130 = arith.constant 0 : i32
    %dma_start3A_131 = arith.constant 0 : i32
    %dma_start3A_132 = tpu.memref_slice %arg13[%dma_start3A_130, %dma_start3A_131] : memref<10240x64xf32, #tpu.memory_space<vmem_shared>> -> memref<10240x64xf32, #tpu.memory_space<vmem_shared>>
    tpu.enqueue_indirect_dma source(%arg10 : memref<128x64xf32, #tpu.memory_space<vmem>>) target(%dma_start3A_132 : memref<10240x64xf32, #tpu.memory_space<vmem_shared>>) offsets(%dma_start3A_129 : memref<128xi32, #tpu.memory_space<vmem>>) semaphore(%arg16 : memref<!tpu.dma_semaphore, #tpu.memory_space<semaphore_mem>>) {add = true}
    %dma_wait3A_133 = arith.constant 0 : i32
    %dma_wait3A_134 = arith.constant 0 : i32
    %dma_wait3A_135 = tpu.memref_slice %arg7[%dma_wait3A_133, %dma_wait3A_134] : memref<160x128xi32, #tpu.memory_space<vmem>> -> memref<1x128xi32, #tpu.memory_space<vmem>>
    %dma_wait3A_136 = tpu.memref_squeeze %dma_wait3A_135 : memref<1x128xi32, #tpu.memory_space<vmem>> -> memref<128xi32, #tpu.memory_space<vmem>>
    %dma_wait3A_137 = arith.constant 0 : i32
    %dma_wait3A_138 = arith.constant 0 : i32
    %dma_wait3A_139 = tpu.memref_slice %arg13[%dma_wait3A_137, %dma_wait3A_138] : memref<10240x64xf32, #tpu.memory_space<vmem_shared>> -> memref<10240x64xf32, #tpu.memory_space<vmem_shared>>
    tpu.wait_indirect_dma semaphore(%arg15 : memref<!tpu.dma_semaphore, #tpu.memory_space<semaphore_mem>>) src(%arg9 : memref<128x64xf32, #tpu.memory_space<vmem>>) dst(%dma_wait3A_139 : memref<10240x64xf32, #tpu.memory_space<vmem_shared>>)
    %dma_wait3A_140 = arith.constant 0 : i32
    %dma_wait3A_141 = arith.constant 0 : i32
    %dma_wait3A_142 = tpu.memref_slice %arg6[%dma_wait3A_140, %dma_wait3A_141] : memref<160x128xi32, #tpu.memory_space<vmem>> -> memref<1x128xi32, #tpu.memory_space<vmem>>
    %dma_wait3A_143 = tpu.memref_squeeze %dma_wait3A_142 : memref<1x128xi32, #tpu.memory_space<vmem>> -> memref<128xi32, #tpu.memory_space<vmem>>
    %dma_wait3A_144 = arith.constant 0 : i32
    %dma_wait3A_145 = arith.constant 0 : i32
    %dma_wait3A_146 = tpu.memref_slice %arg2[%arg0, %dma_wait3A_144, %dma_wait3A_145] : memref<2x10000x64xf32, #tpu.memory_space<hbm>> -> memref<1x10000x64xf32, #tpu.memory_space<hbm>>
    %dma_wait3A_147 = tpu.memref_squeeze %dma_wait3A_146 : memref<1x10000x64xf32, #tpu.memory_space<hbm>> -> memref<10000x64xf32, #tpu.memory_space<hbm>>
    %dma_wait3A_148 = arith.constant 0 : i32
    %dma_wait3A_149 = arith.constant 0 : i32
    %dma_wait3A_150 = tpu.memref_slice %dma_wait3A_147[%dma_wait3A_148, %dma_wait3A_149] : memref<10000x64xf32, #tpu.memory_space<hbm>> -> memref<10000x64xf32, #tpu.memory_space<hbm>>
    tpu.wait_indirect_dma semaphore(%arg17 : memref<!tpu.dma_semaphore, #tpu.memory_space<semaphore_mem>>) src(%dma_wait3A_150 : memref<10000x64xf32, #tpu.memory_space<hbm>>) dst(%arg11 : memref<128x64xf32, #tpu.memory_space<vmem>>)
    %dma_start3A_151 = arith.constant 159 : i32
    %dma_start3A_152 = arith.constant 0 : i32
    %dma_start3A_153 = tpu.memref_slice %arg7[%dma_start3A_151, %dma_start3A_152] : memref<160x128xi32, #tpu.memory_space<vmem>> -> memref<1x128xi32, #tpu.memory_space<vmem>>
    %dma_start3A_154 = tpu.memref_squeeze %dma_start3A_153 : memref<1x128xi32, #tpu.memory_space<vmem>> -> memref<128xi32, #tpu.memory_space<vmem>>
    %dma_start3A_155 = arith.constant 0 : i32
    %dma_start3A_156 = arith.constant 0 : i32
    %dma_start3A_157 = tpu.memref_slice %arg13[%dma_start3A_155, %dma_start3A_156] : memref<10240x64xf32, #tpu.memory_space<vmem_shared>> -> memref<10240x64xf32, #tpu.memory_space<vmem_shared>>
    tpu.enqueue_indirect_dma source(%arg11 : memref<128x64xf32, #tpu.memory_space<vmem>>) target(%dma_start3A_157 : memref<10240x64xf32, #tpu.memory_space<vmem_shared>>) offsets(%dma_start3A_154 : memref<128xi32, #tpu.memory_space<vmem>>) semaphore(%arg17 : memref<!tpu.dma_semaphore, #tpu.memory_space<semaphore_mem>>) {add = true}
    %dma_wait3A_158 = arith.constant 0 : i32
    %dma_wait3A_159 = arith.constant 0 : i32
    %dma_wait3A_160 = tpu.memref_slice %arg7[%dma_wait3A_158, %dma_wait3A_159] : memref<160x128xi32, #tpu.memory_space<vmem>> -> memref<1x128xi32, #tpu.memory_space<vmem>>
    %dma_wait3A_161 = tpu.memref_squeeze %dma_wait3A_160 : memref<1x128xi32, #tpu.memory_space<vmem>> -> memref<128xi32, #tpu.memory_space<vmem>>
    %dma_wait3A_162 = arith.constant 0 : i32
    %dma_wait3A_163 = arith.constant 0 : i32
    %dma_wait3A_164 = tpu.memref_slice %arg13[%dma_wait3A_162, %dma_wait3A_163] : memref<10240x64xf32, #tpu.memory_space<vmem_shared>> -> memref<10240x64xf32, #tpu.memory_space<vmem_shared>>
    tpu.wait_indirect_dma semaphore(%arg16 : memref<!tpu.dma_semaphore, #tpu.memory_space<semaphore_mem>>) src(%arg10 : memref<128x64xf32, #tpu.memory_space<vmem>>) dst(%dma_wait3A_164 : memref<10240x64xf32, #tpu.memory_space<vmem_shared>>)
    %dma_wait3A_165 = arith.constant 0 : i32
    %dma_wait3A_166 = arith.constant 0 : i32
    %dma_wait3A_167 = tpu.memref_slice %arg7[%dma_wait3A_165, %dma_wait3A_166] : memref<160x128xi32, #tpu.memory_space<vmem>> -> memref<1x128xi32, #tpu.memory_space<vmem>>
    %dma_wait3A_168 = tpu.memref_squeeze %dma_wait3A_167 : memref<1x128xi32, #tpu.memory_space<vmem>> -> memref<128xi32, #tpu.memory_space<vmem>>
    %dma_wait3A_169 = arith.constant 0 : i32
    %dma_wait3A_170 = arith.constant 0 : i32
    %dma_wait3A_171 = tpu.memref_slice %arg13[%dma_wait3A_169, %dma_wait3A_170] : memref<10240x64xf32, #tpu.memory_space<vmem_shared>> -> memref<10240x64xf32, #tpu.memory_space<vmem_shared>>
    tpu.wait_indirect_dma semaphore(%arg17 : memref<!tpu.dma_semaphore, #tpu.memory_space<semaphore_mem>>) src(%arg11 : memref<128x64xf32, #tpu.memory_space<vmem>>) dst(%dma_wait3A_171 : memref<10240x64xf32, #tpu.memory_space<vmem_shared>>)
    %barrier3A_172 = arith.constant 0 : index
    tpu.barrier barrier_id(%barrier3A_172)
    %mul3A_173 = arith.constant 640 : i32
    %mul3A_174 = arith.muli %arg1, %mul3A_173 : i32
    %mul3A_175 = arith.constant 640 : i32
    %mul3A_176 = arith.muli %arg1, %mul3A_175 : i32
    "tpu.region"() ({
      %run_scoped3A = tpu.sem_alloc : memref<!tpu.dma_semaphore, #tpu.memory_space<semaphore_mem>>
      %dma_start3A_177 = arith.constant 0 : i32
      %dma_start3A_178 = tpu.memref_slice %arg5[%arg0, %mul3A_176, %dma_start3A_177] : memref<2x10240x64xf32, #tpu.memory_space<hbm>> -> memref<1x640x64xf32, #tpu.memory_space<hbm>>
      %dma_start3A_179 = tpu.memref_squeeze %dma_start3A_178 : memref<1x640x64xf32, #tpu.memory_space<hbm>> -> memref<640x64xf32, #tpu.memory_space<hbm>>
      %dma_start3A_180 = arith.constant 0 : i32
      %dma_start3A_181 = tpu.memref_slice %arg13[%mul3A_174, %dma_start3A_180] : memref<10240x64xf32, #tpu.memory_space<vmem_shared>> -> memref<640x64xf32, #tpu.memory_space<vmem_shared>>
      tpu.enqueue_dma source(%dma_start3A_181 : memref<640x64xf32, #tpu.memory_space<vmem_shared>>) target(%dma_start3A_179 : memref<640x64xf32, #tpu.memory_space<hbm>>) target_semaphore(%run_scoped3A : memref<!tpu.dma_semaphore, #tpu.memory_space<semaphore_mem>>)
      %dma_wait3A_182 = arith.constant 0 : i32
      %dma_wait3A_183 = tpu.memref_slice %arg5[%arg0, %mul3A_176, %dma_wait3A_182] : memref<2x10240x64xf32, #tpu.memory_space<hbm>> -> memref<1x640x64xf32, #tpu.memory_space<hbm>>
      %dma_wait3A_184 = tpu.memref_squeeze %dma_wait3A_183 : memref<1x640x64xf32, #tpu.memory_space<hbm>> -> memref<640x64xf32, #tpu.memory_space<hbm>>
      %dma_wait3A_185 = arith.constant 0 : i32
      %dma_wait3A_186 = tpu.memref_slice %arg13[%mul3A_174, %dma_wait3A_185] : memref<10240x64xf32, #tpu.memory_space<vmem_shared>> -> memref<640x64xf32, #tpu.memory_space<vmem_shared>>
      tpu.wait_dma2 semaphore(%run_scoped3A : memref<!tpu.dma_semaphore, #tpu.memory_space<semaphore_mem>>) src(%dma_wait3A_186 : memref<640x64xf32, #tpu.memory_space<vmem_shared>>) dst(%dma_wait3A_184 : memref<640x64xf32, #tpu.memory_space<hbm>>)
      tpu.yield
    }) : () -> ()
    return
  }
}

#map = affine_map<(d0, d1) -> (0, 0, 0)>
module attributes {stable_mosaic.version = 14 : i64} {
  func.func @_deg_body(%arg0: i32, %arg1: i32, %arg2: memref<16x160x128xi32, #tpu.memory_space<hbm>>, %arg3: memref<2x10240x16xf32, #tpu.memory_space<hbm>>, %arg4: memref<80x128xi32, #tpu.memory_space<vmem>>, %arg5: memref<128x16xf32, #tpu.memory_space<vmem>>, %arg6: memref<128x16xf32, #tpu.memory_space<vmem>>, %arg7: memref<10240x16xf32, #tpu.memory_space<vmem_shared>>) attributes {dimension_semantics = [#tpu.dimension_semantics<core_parallel>, #tpu.dimension_semantics<subcore_parallel>], iteration_bounds = array<i64: 2, 16>, scalar_prefetch = 0 : i64, scratch_operands = 4 : i64, tpu.core_type = #tpu.core_type<sc_vector_subcore>, window_params = [{transform_indices = #map}, {transform_indices = #map}]} {
    %broadcast_in_dim3A = arith.constant 0.000000e+00 : f32
    %broadcast_in_dim3A_0 = vector.broadcast %broadcast_in_dim3A : f32 to vector<16xf32>
    %scan3A = arith.constant 0 : i32
    %scan3A_1 = arith.constant 0 : i32
    %scan3A_2 = arith.constant 128 : i32
    %scan3A_3 = arith.addi %scan3A_1, %scan3A_2 : i32
    %scan3A_4 = arith.constant 1 : i32
    scf.for %scan3A_45 = %scan3A_1 to %scan3A_3 step %scan3A_4  : i32 {
      %swap3A = arith.index_cast %scan3A_45 : i32 to index
      %swap3A_46 = arith.constant 0 : index
      %swap3A_47 = tpu.vector_load %arg6[%swap3A, %swap3A_46] {strides = array<i32>} : memref<128x16xf32, #tpu.memory_space<vmem>>, vector<1x16xf32>,
      %swap3A_48 = vector.shape_cast %swap3A_47 : vector<1x16xf32> to vector<16xf32>
      %swap3A_49 = vector.shape_cast %broadcast_in_dim3A_0 : vector<16xf32> to vector<1x16xf32>
      tpu.vector_store %arg6[%swap3A, %swap3A_46], %swap3A_49 {strides = array<i32>} : memref<128x16xf32, #tpu.memory_space<vmem>>, vector<1x16xf32>,
    }
    %scan3A_5 = arith.constant 128 : i32
    %broadcast_in_dim3A_6 = arith.constant 1.000000e+00 : f32
    %broadcast_in_dim3A_7 = vector.broadcast %broadcast_in_dim3A_6 : f32 to vector<16xf32>
    %scan3A_8 = arith.constant 0 : i32
    %scan3A_9 = arith.constant 0 : i32
    %scan3A_10 = arith.constant 128 : i32
    %scan3A_11 = arith.addi %scan3A_9, %scan3A_10 : i32
    %scan3A_12 = arith.constant 1 : i32
    scf.for %scan3A_45 = %scan3A_9 to %scan3A_11 step %scan3A_12  : i32 {
      %swap3A = arith.index_cast %scan3A_45 : i32 to index
      %swap3A_46 = arith.constant 0 : index
      %swap3A_47 = tpu.vector_load %arg5[%swap3A, %swap3A_46] {strides = array<i32>} : memref<128x16xf32, #tpu.memory_space<vmem>>, vector<1x16xf32>,
      %swap3A_48 = vector.shape_cast %swap3A_47 : vector<1x16xf32> to vector<16xf32>
      %swap3A_49 = vector.shape_cast %broadcast_in_dim3A_7 : vector<16xf32> to vector<1x16xf32>
      tpu.vector_store %arg5[%swap3A, %swap3A_46], %swap3A_49 {strides = array<i32>} : memref<128x16xf32, #tpu.memory_space<vmem>>, vector<1x16xf32>,
    }
    %scan3A_13 = arith.constant 128 : i32
    %mul3A = arith.constant 640 : i32
    %mul3A_14 = arith.muli %arg1, %mul3A : i32
    %add3A = arith.constant 0 : i32
    %add3A_15 = arith.addi %mul3A_14, %add3A : i32
    "tpu.region"() ({
      %run_scoped3A = tpu.sem_alloc : memref<!tpu.dma_semaphore, #tpu.memory_space<semaphore_mem>>
      %dma_start3A = arith.constant 0 : i32
      %dma_start3A_45 = tpu.memref_slice %arg7[%add3A_15, %dma_start3A] : memref<10240x16xf32, #tpu.memory_space<vmem_shared>> -> memref<128x16xf32, #tpu.memory_space<vmem_shared>>
      %dma_start3A_46 = arith.constant 0 : i32
      %dma_start3A_47 = tpu.memref_slice %arg7[%add3A_15, %dma_start3A_46] : memref<10240x16xf32, #tpu.memory_space<vmem_shared>> -> memref<128x16xf32, #tpu.memory_space<vmem_shared>>
      tpu.enqueue_dma source(%arg6 : memref<128x16xf32, #tpu.memory_space<vmem>>) target(%dma_start3A_47 : memref<128x16xf32, #tpu.memory_space<vmem_shared>>) target_semaphore(%run_scoped3A : memref<!tpu.dma_semaphore, #tpu.memory_space<semaphore_mem>>)
      %dma_wait3A = arith.constant 0 : i32
      %dma_wait3A_48 = tpu.memref_slice %arg7[%add3A_15, %dma_wait3A] : memref<10240x16xf32, #tpu.memory_space<vmem_shared>> -> memref<128x16xf32, #tpu.memory_space<vmem_shared>>
      %dma_wait3A_49 = arith.constant 0 : i32
      %dma_wait3A_50 = tpu.memref_slice %arg7[%add3A_15, %dma_wait3A_49] : memref<10240x16xf32, #tpu.memory_space<vmem_shared>> -> memref<128x16xf32, #tpu.memory_space<vmem_shared>>
      tpu.wait_dma2 semaphore(%run_scoped3A : memref<!tpu.dma_semaphore, #tpu.memory_space<semaphore_mem>>) src(%arg6 : memref<128x16xf32, #tpu.memory_space<vmem>>) dst(%dma_wait3A_50 : memref<128x16xf32, #tpu.memory_space<vmem_shared>>)
      tpu.yield
    }) : () -> ()
    %mul3A_16 = arith.constant 640 : i32
    %mul3A_17 = arith.muli %arg1, %mul3A_16 : i32
    %add3A_18 = arith.constant 128 : i32
    %add3A_19 = arith.addi %mul3A_17, %add3A_18 : i32
    "tpu.region"() ({
      %run_scoped3A = tpu.sem_alloc : memref<!tpu.dma_semaphore, #tpu.memory_space<semaphore_mem>>
      %dma_start3A = arith.constant 0 : i32
      %dma_start3A_45 = tpu.memref_slice %arg7[%add3A_19, %dma_start3A] : memref<10240x16xf32, #tpu.memory_space<vmem_shared>> -> memref<128x16xf32, #tpu.memory_space<vmem_shared>>
      %dma_start3A_46 = arith.constant 0 : i32
      %dma_start3A_47 = tpu.memref_slice %arg7[%add3A_19, %dma_start3A_46] : memref<10240x16xf32, #tpu.memory_space<vmem_shared>> -> memref<128x16xf32, #tpu.memory_space<vmem_shared>>
      tpu.enqueue_dma source(%arg6 : memref<128x16xf32, #tpu.memory_space<vmem>>) target(%dma_start3A_47 : memref<128x16xf32, #tpu.memory_space<vmem_shared>>) target_semaphore(%run_scoped3A : memref<!tpu.dma_semaphore, #tpu.memory_space<semaphore_mem>>)
      %dma_wait3A = arith.constant 0 : i32
      %dma_wait3A_48 = tpu.memref_slice %arg7[%add3A_19, %dma_wait3A] : memref<10240x16xf32, #tpu.memory_space<vmem_shared>> -> memref<128x16xf32, #tpu.memory_space<vmem_shared>>
      %dma_wait3A_49 = arith.constant 0 : i32
      %dma_wait3A_50 = tpu.memref_slice %arg7[%add3A_19, %dma_wait3A_49] : memref<10240x16xf32, #tpu.memory_space<vmem_shared>> -> memref<128x16xf32, #tpu.memory_space<vmem_shared>>
      tpu.wait_dma2 semaphore(%run_scoped3A : memref<!tpu.dma_semaphore, #tpu.memory_space<semaphore_mem>>) src(%arg6 : memref<128x16xf32, #tpu.memory_space<vmem>>) dst(%dma_wait3A_50 : memref<128x16xf32, #tpu.memory_space<vmem_shared>>)
      tpu.yield
    }) : () -> ()
    %mul3A_20 = arith.constant 640 : i32
    %mul3A_21 = arith.muli %arg1, %mul3A_20 : i32
    %add3A_22 = arith.constant 256 : i32
    %add3A_23 = arith.addi %mul3A_21, %add3A_22 : i32
    "tpu.region"() ({
      %run_scoped3A = tpu.sem_alloc : memref<!tpu.dma_semaphore, #tpu.memory_space<semaphore_mem>>
      %dma_start3A = arith.constant 0 : i32
      %dma_start3A_45 = tpu.memref_slice %arg7[%add3A_23, %dma_start3A] : memref<10240x16xf32, #tpu.memory_space<vmem_shared>> -> memref<128x16xf32, #tpu.memory_space<vmem_shared>>
      %dma_start3A_46 = arith.constant 0 : i32
      %dma_start3A_47 = tpu.memref_slice %arg7[%add3A_23, %dma_start3A_46] : memref<10240x16xf32, #tpu.memory_space<vmem_shared>> -> memref<128x16xf32, #tpu.memory_space<vmem_shared>>
      tpu.enqueue_dma source(%arg6 : memref<128x16xf32, #tpu.memory_space<vmem>>) target(%dma_start3A_47 : memref<128x16xf32, #tpu.memory_space<vmem_shared>>) target_semaphore(%run_scoped3A : memref<!tpu.dma_semaphore, #tpu.memory_space<semaphore_mem>>)
      %dma_wait3A = arith.constant 0 : i32
      %dma_wait3A_48 = tpu.memref_slice %arg7[%add3A_23, %dma_wait3A] : memref<10240x16xf32, #tpu.memory_space<vmem_shared>> -> memref<128x16xf32, #tpu.memory_space<vmem_shared>>
      %dma_wait3A_49 = arith.constant 0 : i32
      %dma_wait3A_50 = tpu.memref_slice %arg7[%add3A_23, %dma_wait3A_49] : memref<10240x16xf32, #tpu.memory_space<vmem_shared>> -> memref<128x16xf32, #tpu.memory_space<vmem_shared>>
      tpu.wait_dma2 semaphore(%run_scoped3A : memref<!tpu.dma_semaphore, #tpu.memory_space<semaphore_mem>>) src(%arg6 : memref<128x16xf32, #tpu.memory_space<vmem>>) dst(%dma_wait3A_50 : memref<128x16xf32, #tpu.memory_space<vmem_shared>>)
      tpu.yield
    }) : () -> ()
    %mul3A_24 = arith.constant 640 : i32
    %mul3A_25 = arith.muli %arg1, %mul3A_24 : i32
    %add3A_26 = arith.constant 384 : i32
    %add3A_27 = arith.addi %mul3A_25, %add3A_26 : i32
    "tpu.region"() ({
      %run_scoped3A = tpu.sem_alloc : memref<!tpu.dma_semaphore, #tpu.memory_space<semaphore_mem>>
      %dma_start3A = arith.constant 0 : i32
      %dma_start3A_45 = tpu.memref_slice %arg7[%add3A_27, %dma_start3A] : memref<10240x16xf32, #tpu.memory_space<vmem_shared>> -> memref<128x16xf32, #tpu.memory_space<vmem_shared>>
      %dma_start3A_46 = arith.constant 0 : i32
      %dma_start3A_47 = tpu.memref_slice %arg7[%add3A_27, %dma_start3A_46] : memref<10240x16xf32, #tpu.memory_space<vmem_shared>> -> memref<128x16xf32, #tpu.memory_space<vmem_shared>>
      tpu.enqueue_dma source(%arg6 : memref<128x16xf32, #tpu.memory_space<vmem>>) target(%dma_start3A_47 : memref<128x16xf32, #tpu.memory_space<vmem_shared>>) target_semaphore(%run_scoped3A : memref<!tpu.dma_semaphore, #tpu.memory_space<semaphore_mem>>)
      %dma_wait3A = arith.constant 0 : i32
      %dma_wait3A_48 = tpu.memref_slice %arg7[%add3A_27, %dma_wait3A] : memref<10240x16xf32, #tpu.memory_space<vmem_shared>> -> memref<128x16xf32, #tpu.memory_space<vmem_shared>>
      %dma_wait3A_49 = arith.constant 0 : i32
      %dma_wait3A_50 = tpu.memref_slice %arg7[%add3A_27, %dma_wait3A_49] : memref<10240x16xf32, #tpu.memory_space<vmem_shared>> -> memref<128x16xf32, #tpu.memory_space<vmem_shared>>
      tpu.wait_dma2 semaphore(%run_scoped3A : memref<!tpu.dma_semaphore, #tpu.memory_space<semaphore_mem>>) src(%arg6 : memref<128x16xf32, #tpu.memory_space<vmem>>) dst(%dma_wait3A_50 : memref<128x16xf32, #tpu.memory_space<vmem_shared>>)
      tpu.yield
    }) : () -> ()
    %mul3A_28 = arith.constant 640 : i32
    %mul3A_29 = arith.muli %arg1, %mul3A_28 : i32
    %add3A_30 = arith.constant 512 : i32
    %add3A_31 = arith.addi %mul3A_29, %add3A_30 : i32
    "tpu.region"() ({
      %run_scoped3A = tpu.sem_alloc : memref<!tpu.dma_semaphore, #tpu.memory_space<semaphore_mem>>
      %dma_start3A = arith.constant 0 : i32
      %dma_start3A_45 = tpu.memref_slice %arg7[%add3A_31, %dma_start3A] : memref<10240x16xf32, #tpu.memory_space<vmem_shared>> -> memref<128x16xf32, #tpu.memory_space<vmem_shared>>
      %dma_start3A_46 = arith.constant 0 : i32
      %dma_start3A_47 = tpu.memref_slice %arg7[%add3A_31, %dma_start3A_46] : memref<10240x16xf32, #tpu.memory_space<vmem_shared>> -> memref<128x16xf32, #tpu.memory_space<vmem_shared>>
      tpu.enqueue_dma source(%arg6 : memref<128x16xf32, #tpu.memory_space<vmem>>) target(%dma_start3A_47 : memref<128x16xf32, #tpu.memory_space<vmem_shared>>) target_semaphore(%run_scoped3A : memref<!tpu.dma_semaphore, #tpu.memory_space<semaphore_mem>>)
      %dma_wait3A = arith.constant 0 : i32
      %dma_wait3A_48 = tpu.memref_slice %arg7[%add3A_31, %dma_wait3A] : memref<10240x16xf32, #tpu.memory_space<vmem_shared>> -> memref<128x16xf32, #tpu.memory_space<vmem_shared>>
      %dma_wait3A_49 = arith.constant 0 : i32
      %dma_wait3A_50 = tpu.memref_slice %arg7[%add3A_31, %dma_wait3A_49] : memref<10240x16xf32, #tpu.memory_space<vmem_shared>> -> memref<128x16xf32, #tpu.memory_space<vmem_shared>>
      tpu.wait_dma2 semaphore(%run_scoped3A : memref<!tpu.dma_semaphore, #tpu.memory_space<semaphore_mem>>) src(%arg6 : memref<128x16xf32, #tpu.memory_space<vmem>>) dst(%dma_wait3A_50 : memref<128x16xf32, #tpu.memory_space<vmem_shared>>)
      tpu.yield
    }) : () -> ()
    %mul3A_32 = arith.constant 80 : i32
    %mul3A_33 = arith.muli %arg0, %mul3A_32 : i32
    "tpu.region"() ({
      %run_scoped3A = tpu.sem_alloc : memref<!tpu.dma_semaphore, #tpu.memory_space<semaphore_mem>>
      %dma_start3A = arith.constant 0 : i32
      %dma_start3A_45 = tpu.memref_slice %arg2[%arg1, %mul3A_33, %dma_start3A] : memref<16x160x128xi32, #tpu.memory_space<hbm>> -> memref<1x80x128xi32, #tpu.memory_space<hbm>>
      %dma_start3A_46 = tpu.memref_squeeze %dma_start3A_45 : memref<1x80x128xi32, #tpu.memory_space<hbm>> -> memref<80x128xi32, #tpu.memory_space<hbm>>
      %dma_start3A_47 = arith.constant 0 : i32
      %dma_start3A_48 = tpu.memref_slice %arg2[%arg1, %mul3A_33, %dma_start3A_47] : memref<16x160x128xi32, #tpu.memory_space<hbm>> -> memref<1x80x128xi32, #tpu.memory_space<hbm>>
      %dma_start3A_49 = tpu.memref_squeeze %dma_start3A_48 : memref<1x80x128xi32, #tpu.memory_space<hbm>> -> memref<80x128xi32, #tpu.memory_space<hbm>>
      tpu.enqueue_dma source(%dma_start3A_49 : memref<80x128xi32, #tpu.memory_space<hbm>>) target(%arg4 : memref<80x128xi32, #tpu.memory_space<vmem>>) target_semaphore(%run_scoped3A : memref<!tpu.dma_semaphore, #tpu.memory_space<semaphore_mem>>)
      %dma_wait3A = arith.constant 0 : i32
      %dma_wait3A_50 = tpu.memref_slice %arg2[%arg1, %mul3A_33, %dma_wait3A] : memref<16x160x128xi32, #tpu.memory_space<hbm>> -> memref<1x80x128xi32, #tpu.memory_space<hbm>>
      %dma_wait3A_51 = tpu.memref_squeeze %dma_wait3A_50 : memref<1x80x128xi32, #tpu.memory_space<hbm>> -> memref<80x128xi32, #tpu.memory_space<hbm>>
      %dma_wait3A_52 = arith.constant 0 : i32
      %dma_wait3A_53 = tpu.memref_slice %arg2[%arg1, %mul3A_33, %dma_wait3A_52] : memref<16x160x128xi32, #tpu.memory_space<hbm>> -> memref<1x80x128xi32, #tpu.memory_space<hbm>>
      %dma_wait3A_54 = tpu.memref_squeeze %dma_wait3A_53 : memref<1x80x128xi32, #tpu.memory_space<hbm>> -> memref<80x128xi32, #tpu.memory_space<hbm>>
      tpu.wait_dma2 semaphore(%run_scoped3A : memref<!tpu.dma_semaphore, #tpu.memory_space<semaphore_mem>>) src(%dma_wait3A_54 : memref<80x128xi32, #tpu.memory_space<hbm>>) dst(%arg4 : memref<80x128xi32, #tpu.memory_space<vmem>>)
      tpu.yield
    }) : () -> ()
    %barrier3A = arith.constant 0 : index
    tpu.barrier barrier_id(%barrier3A)
    %scan3A_34 = arith.constant 0 : i32
    %scan3A_35 = arith.constant 0 : i32
    %scan3A_36 = arith.constant 80 : i32
    %scan3A_37 = arith.addi %scan3A_35, %scan3A_36 : i32
    %scan3A_38 = arith.constant 1 : i32
    scf.for %scan3A_45 = %scan3A_35 to %scan3A_37 step %scan3A_38  : i32 {
      "tpu.region"() ({
        %run_scoped3A = tpu.sem_alloc : memref<!tpu.dma_semaphore, #tpu.memory_space<semaphore_mem>>
        %dma_start3A = arith.constant 0 : i32
        %dma_start3A_46 = tpu.memref_slice %arg4[%scan3A_45, %dma_start3A] : memref<80x128xi32, #tpu.memory_space<vmem>> -> memref<1x128xi32, #tpu.memory_space<vmem>>
        %dma_start3A_47 = tpu.memref_squeeze %dma_start3A_46 : memref<1x128xi32, #tpu.memory_space<vmem>> -> memref<128xi32, #tpu.memory_space<vmem>>
        %dma_start3A_48 = arith.constant 0 : i32
        %dma_start3A_49 = arith.constant 0 : i32
        %dma_start3A_50 = tpu.memref_slice %arg7[%dma_start3A_48, %dma_start3A_49] : memref<10240x16xf32, #tpu.memory_space<vmem_shared>> -> memref<10240x16xf32, #tpu.memory_space<vmem_shared>>
        tpu.enqueue_indirect_dma source(%arg5 : memref<128x16xf32, #tpu.memory_space<vmem>>) target(%dma_start3A_50 : memref<10240x16xf32, #tpu.memory_space<vmem_shared>>) offsets(%dma_start3A_47 : memref<128xi32, #tpu.memory_space<vmem>>) semaphore(%run_scoped3A : memref<!tpu.dma_semaphore, #tpu.memory_space<semaphore_mem>>) {add = true}
        %dma_wait3A = arith.constant 0 : i32
        %dma_wait3A_51 = tpu.memref_slice %arg4[%scan3A_45, %dma_wait3A] : memref<80x128xi32, #tpu.memory_space<vmem>> -> memref<1x128xi32, #tpu.memory_space<vmem>>
        %dma_wait3A_52 = tpu.memref_squeeze %dma_wait3A_51 : memref<1x128xi32, #tpu.memory_space<vmem>> -> memref<128xi32, #tpu.memory_space<vmem>>
        %dma_wait3A_53 = arith.constant 0 : i32
        %dma_wait3A_54 = arith.constant 0 : i32
        %dma_wait3A_55 = tpu.memref_slice %arg7[%dma_wait3A_53, %dma_wait3A_54] : memref<10240x16xf32, #tpu.memory_space<vmem_shared>> -> memref<10240x16xf32, #tpu.memory_space<vmem_shared>>
        tpu.wait_indirect_dma semaphore(%run_scoped3A : memref<!tpu.dma_semaphore, #tpu.memory_space<semaphore_mem>>) src(%arg5 : memref<128x16xf32, #tpu.memory_space<vmem>>) dst(%dma_wait3A_55 : memref<10240x16xf32, #tpu.memory_space<vmem_shared>>)
        tpu.yield
      }) : () -> ()
    }
    %scan3A_39 = arith.constant 80 : i32
    %barrier3A_40 = arith.constant 0 : index
    tpu.barrier barrier_id(%barrier3A_40)
    %mul3A_41 = arith.constant 640 : i32
    %mul3A_42 = arith.muli %arg1, %mul3A_41 : i32
    %mul3A_43 = arith.constant 640 : i32
    %mul3A_44 = arith.muli %arg1, %mul3A_43 : i32
    "tpu.region"() ({
      %run_scoped3A = tpu.sem_alloc : memref<!tpu.dma_semaphore, #tpu.memory_space<semaphore_mem>>
      %dma_start3A = arith.constant 0 : i32
      %dma_start3A_45 = tpu.memref_slice %arg3[%arg0, %mul3A_44, %dma_start3A] : memref<2x10240x16xf32, #tpu.memory_space<hbm>> -> memref<1x640x16xf32, #tpu.memory_space<hbm>>
      %dma_start3A_46 = tpu.memref_squeeze %dma_start3A_45 : memref<1x640x16xf32, #tpu.memory_space<hbm>> -> memref<640x16xf32, #tpu.memory_space<hbm>>
      %dma_start3A_47 = arith.constant 0 : i32
      %dma_start3A_48 = tpu.memref_slice %arg7[%mul3A_42, %dma_start3A_47] : memref<10240x16xf32, #tpu.memory_space<vmem_shared>> -> memref<640x16xf32, #tpu.memory_space<vmem_shared>>
      tpu.enqueue_dma source(%dma_start3A_48 : memref<640x16xf32, #tpu.memory_space<vmem_shared>>) target(%dma_start3A_46 : memref<640x16xf32, #tpu.memory_space<hbm>>) target_semaphore(%run_scoped3A : memref<!tpu.dma_semaphore, #tpu.memory_space<semaphore_mem>>)
      %dma_wait3A = arith.constant 0 : i32
      %dma_wait3A_49 = tpu.memref_slice %arg3[%arg0, %mul3A_44, %dma_wait3A] : memref<2x10240x16xf32, #tpu.memory_space<hbm>> -> memref<1x640x16xf32, #tpu.memory_space<hbm>>
      %dma_wait3A_50 = tpu.memref_squeeze %dma_wait3A_49 : memref<1x640x16xf32, #tpu.memory_space<hbm>> -> memref<640x16xf32, #tpu.memory_space<hbm>>
      %dma_wait3A_51 = arith.constant 0 : i32
      %dma_wait3A_52 = tpu.memref_slice %arg7[%mul3A_42, %dma_wait3A_51] : memref<10240x16xf32, #tpu.memory_space<vmem_shared>> -> memref<640x16xf32, #tpu.memory_space<vmem_shared>>
      tpu.wait_dma2 semaphore(%run_scoped3A : memref<!tpu.dma_semaphore, #tpu.memory_space<semaphore_mem>>) src(%dma_wait3A_52 : memref<640x16xf32, #tpu.memory_space<vmem_shared>>) dst(%dma_wait3A_50 : memref<640x16xf32, #tpu.memory_space<hbm>>)
      tpu.yield
    }) : () -> ()
    return
  }
}

module attributes {stable_mosaic.version = 14 : i64} {
  func.func @_k1_body(%arg0: i32, %arg1: memref<400x128xf32, #tpu.memory_space<vmem>>, %arg2: memref<128x128xf32, #tpu.memory_space<vmem>>, %arg3: memref<128xf32, #tpu.memory_space<vmem>>, %arg4: memref<2x400x16xf32, #tpu.memory_space<vmem>>, %arg5: memref<2x400x64xf32, #tpu.memory_space<vmem>>, %arg6: memref<400x8xf32, #tpu.memory_space<vmem>>) attributes {dimension_semantics = [#tpu.dimension_semantics<arbitrary>], iteration_bounds = array<i64: 25>, scalar_prefetch = 0 : i64, scratch_operands = 0 : i64, tpu.core_type = #tpu.core_type<tc>, window_params = [{transform_indices = @transform_0, window_bounds = array<i64: 400, 128>}, {pipeline_mode = #tpu.pipeline_mode<synchronous>, transform_indices = @transform_1, window_bounds = array<i64: 128, 128>}, {pipeline_mode = #tpu.pipeline_mode<synchronous>, transform_indices = @transform_2, window_bounds = array<i64: 128>}, {transform_indices = @transform_3, window_bounds = array<i64: 2, 400, 16>}, {transform_indices = @transform_4, window_bounds = array<i64: 2, 400, 64>}, {transform_indices = @transform_5, window_bounds = array<i64: 400, 8>}]} {
    %get3A = arith.constant 0 : index
    %get3A_0 = arith.constant 0 : index
    %get3A_1 = arith.constant 0 : index
    %get3A_2 = vector.load %arg4[%get3A, %get3A_0, %get3A_1] : memref<2x400x16xf32, #tpu.memory_space<vmem>>, vector<1x400x16xf32>
    %get3A_3 = vector.shape_cast %get3A_2 : vector<1x400x16xf32> to vector<400x16xf32>
    %slice3A = vector.extract_strided_slice %get3A_3 {offsets = [0, 0], sizes = [400, 1], strides = [1, 1]} : vector<400x16xf32> to vector<400x1xf32>
    %get3A_4 = arith.constant 1 : index
    %get3A_5 = arith.constant 0 : index
    %get3A_6 = arith.constant 0 : index
    %get3A_7 = vector.load %arg4[%get3A_4, %get3A_5, %get3A_6] : memref<2x400x16xf32, #tpu.memory_space<vmem>>, vector<1x400x16xf32>
    %get3A_8 = vector.shape_cast %get3A_7 : vector<1x400x16xf32> to vector<400x16xf32>
    %slice3A_9 = vector.extract_strided_slice %get3A_8 {offsets = [0, 0], sizes = [400, 1], strides = [1, 1]} : vector<400x16xf32> to vector<400x1xf32>
    %add3A = arith.addf %slice3A, %slice3A_9 : vector<400x1xf32>
    %add3A_10 = arith.constant 1.000000e+00 : f32
    %add3A_11 = vector.broadcast %add3A_10 : f32 to vector<400x1xf32>
    %add3A_12 = arith.addf %add3A, %add3A_11 : vector<400x1xf32>
    %rsqrt3A = math.rsqrt %add3A_12 : vector<400x1xf32>
    %get3A_13 = arith.constant 0 : index
    %get3A_14 = arith.constant 0 : index
    %get3A_15 = vector.load %arg1[%get3A_13, %get3A_14] : memref<400x128xf32, #tpu.memory_space<vmem>>, vector<400x128xf32>
    %get3A_16 = arith.constant 0 : index
    %get3A_17 = arith.constant 0 : index
    %get3A_18 = vector.load %arg2[%get3A_16, %get3A_17] : memref<128x128xf32, #tpu.memory_space<vmem>>, vector<128x128xf32>
    %dot_general3A = arith.constant dense<0.000000e+00> : vector<400x128xf32>
    %dot_general3A_19 = tpu.matmul %get3A_15, %get3A_18, %dot_general3A {dimension_numbers = #tpu.dot_dimension_numbers<[1], [0], [0], [1], [0, 0, 1, 1], [], []>, transpose_lhs_hint = false} : vector<400x128xf32>, vector<128x128xf32>, vector<400x128xf32> -> vector<400x128xf32>
    %get3A_20 = arith.constant 0 : index
    %get3A_21 = vector.load %arg3[%get3A_20] : memref<128xf32, #tpu.memory_space<vmem>>, vector<128xf32>
    %broadcast_in_dim3A = vector.shape_cast %get3A_21 : vector<128xf32> to vector<1x128xf32>
    %add3A_22 = vector.broadcast %broadcast_in_dim3A : vector<1x128xf32> to vector<400x128xf32>
    %add3A_23 = arith.addf %dot_general3A_19, %add3A_22 : vector<400x128xf32>
    %mul3A = vector.broadcast %rsqrt3A : vector<400x1xf32> to vector<400x128xf32>
    %mul3A_24 = arith.mulf %add3A_23, %mul3A : vector<400x128xf32>
    %slice3A_25 = vector.extract_strided_slice %mul3A_24 {offsets = [0, 0], sizes = [400, 64], strides = [1, 1]} : vector<400x128xf32> to vector<400x64xf32>
    %slice3A_26 = vector.extract_strided_slice %mul3A_24 {offsets = [0, 64], sizes = [400, 64], strides = [1, 1]} : vector<400x128xf32> to vector<400x64xf32>
    %stack3A = vector.shape_cast %slice3A_25 : vector<400x64xf32> to vector<1x400x64xf32>
    %stack3A_27 = vector.shape_cast %slice3A_26 : vector<400x64xf32> to vector<1x400x64xf32>
    %stack3A_28 = tpu.concatenate %stack3A, %stack3A_27 in 0 : vector<1x400x64xf32>, vector<1x400x64xf32> -> vector<2x400x64xf32>
    %swap3A = arith.constant 0 : index
    %swap3A_29 = arith.constant 0 : index
    %swap3A_30 = arith.constant 0 : index
    %swap3A_31 = vector.load %arg5[%swap3A, %swap3A_29, %swap3A_30] : memref<2x400x64xf32, #tpu.memory_space<vmem>>, vector<2x400x64xf32>
    tpu.vector_store %arg5[%swap3A, %swap3A_29, %swap3A_30], %stack3A_28 {strides = array<i32>} : memref<2x400x64xf32, #tpu.memory_space<vmem>>, vector<2x400x64xf32>,
    %broadcast_in_dim3A_32 = vector.shape_cast %rsqrt3A : vector<400x1xf32> to vector<400x1xf32>
    %broadcast_in_dim3A_33 = vector.broadcast %broadcast_in_dim3A_32 : vector<400x1xf32> to vector<400x8xf32>
    %swap3A_34 = arith.constant 0 : index
    %swap3A_35 = arith.constant 0 : index
    %swap3A_36 = vector.load %arg6[%swap3A_34, %swap3A_35] : memref<400x8xf32, #tpu.memory_space<vmem>>, vector<400x8xf32>
    tpu.vector_store %arg6[%swap3A_34, %swap3A_35], %broadcast_in_dim3A_33 {strides = array<i32>} : memref<400x8xf32, #tpu.memory_space<vmem>>, vector<400x8xf32>,
    return
  }
  func.func @transform_0(%arg0: i32) -> (i32, i32) {
    %c0_i32 = arith.constant 0 : i32
    %c0_i32_0 = arith.constant 0 : i32
    return %arg0, %c0_i32 : i32, i32
  }
  func.func @transform_1(%arg0: i32) -> (i32, i32) {
    %c0_i32 = arith.constant 0 : i32
    %c0_i32_0 = arith.constant 0 : i32
    %c0_i32_1 = arith.constant 0 : i32
    return %c0_i32, %c0_i32_0 : i32, i32
  }
  func.func @transform_2(%arg0: i32) -> i32 {
    %c0_i32 = arith.constant 0 : i32
    %c0_i32_0 = arith.constant 0 : i32
    return %c0_i32 : i32
  }
  func.func @transform_3(%arg0: i32) -> (i32, i32, i32) {
    %c0_i32 = arith.constant 0 : i32
    %c0_i32_0 = arith.constant 0 : i32
    %c0_i32_1 = arith.constant 0 : i32
    return %c0_i32, %arg0, %c0_i32_0 : i32, i32, i32
  }
  func.func @transform_4(%arg0: i32) -> (i32, i32, i32) {
    %c0_i32 = arith.constant 0 : i32
    %c0_i32_0 = arith.constant 0 : i32
    %c0_i32_1 = arith.constant 0 : i32
    return %c0_i32, %arg0, %c0_i32_0 : i32, i32, i32
  }
  func.func @transform_5(%arg0: i32) -> (i32, i32) {
    %c0_i32 = arith.constant 0 : i32
    %c0_i32_0 = arith.constant 0 : i32
    return %arg0, %c0_i32 : i32, i32
  }
}

module attributes {stable_mosaic.version = 14 : i64} {
  func.func @_k2_body(%arg0: i32, %arg1: memref<1x400x64xf32, #tpu.memory_space<vmem>>, %arg2: memref<1x400x64xf32, #tpu.memory_space<vmem>>, %arg3: memref<2x400x64xf32, #tpu.memory_space<vmem>>, %arg4: memref<400x8xf32, #tpu.memory_space<vmem>>, %arg5: memref<128x128xf32, #tpu.memory_space<vmem>>, %arg6: memref<128xf32, #tpu.memory_space<vmem>>, %arg7: memref<2x400x64xf32, #tpu.memory_space<vmem>>) attributes {dimension_semantics = [#tpu.dimension_semantics<arbitrary>], iteration_bounds = array<i64: 25>, scalar_prefetch = 0 : i64, scratch_operands = 0 : i64, tpu.core_type = #tpu.core_type<tc>, window_params = [{transform_indices = @transform_0, window_bounds = array<i64: 1, 400, 64>}, {transform_indices = @transform_1, window_bounds = array<i64: 1, 400, 64>}, {transform_indices = @transform_2, window_bounds = array<i64: 2, 400, 64>}, {transform_indices = @transform_3, window_bounds = array<i64: 400, 8>}, {pipeline_mode = #tpu.pipeline_mode<synchronous>, transform_indices = @transform_4, window_bounds = array<i64: 128, 128>}, {pipeline_mode = #tpu.pipeline_mode<synchronous>, transform_indices = @transform_5, window_bounds = array<i64: 128>}, {transform_indices = @transform_6, window_bounds = array<i64: 2, 400, 64>}]} {
    %get3A = arith.constant 0 : index
    %get3A_0 = arith.constant 0 : index
    %get3A_1 = vector.load %arg4[%get3A, %get3A_0] : memref<400x8xf32, #tpu.memory_space<vmem>>, vector<400x1xf32>
    %get3A_2 = arith.constant 0 : index
    %get3A_3 = arith.constant 0 : index
    %get3A_4 = arith.constant 0 : index
    %get3A_5 = vector.load %arg1[%get3A_2, %get3A_3, %get3A_4] : memref<1x400x64xf32, #tpu.memory_space<vmem>>, vector<1x400x64xf32>
    %get3A_6 = vector.shape_cast %get3A_5 : vector<1x400x64xf32> to vector<400x64xf32>
    %get3A_7 = arith.constant 0 : index
    %get3A_8 = arith.constant 0 : index
    %get3A_9 = arith.constant 0 : index
    %get3A_10 = vector.load %arg2[%get3A_7, %get3A_8, %get3A_9] : memref<1x400x64xf32, #tpu.memory_space<vmem>>, vector<1x400x64xf32>
    %get3A_11 = vector.shape_cast %get3A_10 : vector<1x400x64xf32> to vector<400x64xf32>
    %concatenate3A = tpu.concatenate %get3A_6, %get3A_11 in 1 : vector<400x64xf32>, vector<400x64xf32> -> vector<400x128xf32>
    %get3A_12 = arith.constant 0 : index
    %get3A_13 = arith.constant 0 : index
    %get3A_14 = arith.constant 0 : index
    %get3A_15 = vector.load %arg3[%get3A_12, %get3A_13, %get3A_14] : memref<2x400x64xf32, #tpu.memory_space<vmem>>, vector<1x400x64xf32>
    %get3A_16 = vector.shape_cast %get3A_15 : vector<1x400x64xf32> to vector<400x64xf32>
    %get3A_17 = arith.constant 1 : index
    %get3A_18 = arith.constant 0 : index
    %get3A_19 = arith.constant 0 : index
    %get3A_20 = vector.load %arg3[%get3A_17, %get3A_18, %get3A_19] : memref<2x400x64xf32, #tpu.memory_space<vmem>>, vector<1x400x64xf32>
    %get3A_21 = vector.shape_cast %get3A_20 : vector<1x400x64xf32> to vector<400x64xf32>
    %concatenate3A_22 = tpu.concatenate %get3A_16, %get3A_21 in 1 : vector<400x64xf32>, vector<400x64xf32> -> vector<400x128xf32>
    %add3A = arith.addf %concatenate3A, %concatenate3A_22 : vector<400x128xf32>
    %mul3A = vector.broadcast %get3A_1 : vector<400x1xf32> to vector<400x128xf32>
    %mul3A_23 = arith.mulf %add3A, %mul3A : vector<400x128xf32>
    %max3A = arith.constant 0.000000e+00 : f32
    %max3A_24 = vector.broadcast %max3A : f32 to vector<400x128xf32>
    %max3A_25 = arith.maximumf %mul3A_23, %max3A_24 : vector<400x128xf32>
    %get3A_26 = arith.constant 0 : index
    %get3A_27 = arith.constant 0 : index
    %get3A_28 = vector.load %arg5[%get3A_26, %get3A_27] : memref<128x128xf32, #tpu.memory_space<vmem>>, vector<128x128xf32>
    %dot_general3A = arith.constant dense<0.000000e+00> : vector<400x128xf32>
    %dot_general3A_29 = tpu.matmul %max3A_25, %get3A_28, %dot_general3A {dimension_numbers = #tpu.dot_dimension_numbers<[1], [0], [0], [1], [0, 0, 1, 1], [], []>, transpose_lhs_hint = false} : vector<400x128xf32>, vector<128x128xf32>, vector<400x128xf32> -> vector<400x128xf32>
    %get3A_30 = arith.constant 0 : index
    %get3A_31 = vector.load %arg6[%get3A_30] : memref<128xf32, #tpu.memory_space<vmem>>, vector<128xf32>
    %broadcast_in_dim3A = vector.shape_cast %get3A_31 : vector<128xf32> to vector<1x128xf32>
    %add3A_32 = vector.broadcast %broadcast_in_dim3A : vector<1x128xf32> to vector<400x128xf32>
    %add3A_33 = arith.addf %dot_general3A_29, %add3A_32 : vector<400x128xf32>
    %mul3A_34 = vector.broadcast %get3A_1 : vector<400x1xf32> to vector<400x128xf32>
    %mul3A_35 = arith.mulf %add3A_33, %mul3A_34 : vector<400x128xf32>
    %slice3A = vector.extract_strided_slice %mul3A_35 {offsets = [0, 0], sizes = [400, 64], strides = [1, 1]} : vector<400x128xf32> to vector<400x64xf32>
    %slice3A_36 = vector.extract_strided_slice %mul3A_35 {offsets = [0, 64], sizes = [400, 64], strides = [1, 1]} : vector<400x128xf32> to vector<400x64xf32>
    %stack3A = vector.shape_cast %slice3A : vector<400x64xf32> to vector<1x400x64xf32>
    %stack3A_37 = vector.shape_cast %slice3A_36 : vector<400x64xf32> to vector<1x400x64xf32>
    %stack3A_38 = tpu.concatenate %stack3A, %stack3A_37 in 0 : vector<1x400x64xf32>, vector<1x400x64xf32> -> vector<2x400x64xf32>
    %swap3A = arith.constant 0 : index
    %swap3A_39 = arith.constant 0 : index
    %swap3A_40 = arith.constant 0 : index
    %swap3A_41 = vector.load %arg7[%swap3A, %swap3A_39, %swap3A_40] : memref<2x400x64xf32, #tpu.memory_space<vmem>>, vector<2x400x64xf32>
    tpu.vector_store %arg7[%swap3A, %swap3A_39, %swap3A_40], %stack3A_38 {strides = array<i32>} : memref<2x400x64xf32, #tpu.memory_space<vmem>>, vector<2x400x64xf32>,
    return
  }
  func.func @transform_0(%arg0: i32) -> (i32, i32, i32) {
    %c0_i32 = arith.constant 0 : i32
    %c0_i32_0 = arith.constant 0 : i32
    %c0_i32_1 = arith.constant 0 : i32
    return %c0_i32, %arg0, %c0_i32_0 : i32, i32, i32
  }
  func.func @transform_1(%arg0: i32) -> (i32, i32, i32) {
    %c1_i32 = arith.constant 1 : i32
    %c0_i32 = arith.constant 0 : i32
    %c0_i32_0 = arith.constant 0 : i32
    return %c1_i32, %arg0, %c0_i32 : i32, i32, i32
  }
  func.func @transform_2(%arg0: i32) -> (i32, i32, i32) {
    %c0_i32 = arith.constant 0 : i32
    %c0_i32_0 = arith.constant 0 : i32
    %c0_i32_1 = arith.constant 0 : i32
    return %c0_i32, %arg0, %c0_i32_0 : i32, i32, i32
  }
  func.func @transform_3(%arg0: i32) -> (i32, i32) {
    %c0_i32 = arith.constant 0 : i32
    %c0_i32_0 = arith.constant 0 : i32
    return %arg0, %c0_i32 : i32, i32
  }
  func.func @transform_4(%arg0: i32) -> (i32, i32) {
    %c0_i32 = arith.constant 0 : i32
    %c0_i32_0 = arith.constant 0 : i32
    %c0_i32_1 = arith.constant 0 : i32
    return %c0_i32, %c0_i32_0 : i32, i32
  }
  func.func @transform_5(%arg0: i32) -> i32 {
    %c0_i32 = arith.constant 0 : i32
    %c0_i32_0 = arith.constant 0 : i32
    return %c0_i32 : i32
  }
  func.func @transform_6(%arg0: i32) -> (i32, i32, i32) {
    %c0_i32 = arith.constant 0 : i32
    %c0_i32_0 = arith.constant 0 : i32
    %c0_i32_1 = arith.constant 0 : i32
    return %c0_i32, %arg0, %c0_i32_0 : i32, i32, i32
  }
}

module attributes {stable_mosaic.version = 14 : i64} {
  func.func @_k3_body(%arg0: i32, %arg1: memref<1x400x64xf32, #tpu.memory_space<vmem>>, %arg2: memref<1x400x64xf32, #tpu.memory_space<vmem>>, %arg3: memref<2x400x64xf32, #tpu.memory_space<vmem>>, %arg4: memref<400x8xf32, #tpu.memory_space<vmem>>, %arg5: memref<400x128xf32, #tpu.memory_space<vmem>>) attributes {dimension_semantics = [#tpu.dimension_semantics<arbitrary>], iteration_bounds = array<i64: 25>, scalar_prefetch = 0 : i64, scratch_operands = 0 : i64, tpu.core_type = #tpu.core_type<tc>, window_params = [{transform_indices = @transform_0, window_bounds = array<i64: 1, 400, 64>}, {transform_indices = @transform_1, window_bounds = array<i64: 1, 400, 64>}, {transform_indices = @transform_2, window_bounds = array<i64: 2, 400, 64>}, {transform_indices = @transform_3, window_bounds = array<i64: 400, 8>}, {transform_indices = @transform_4, window_bounds = array<i64: 400, 128>}]} {
    %get3A = arith.constant 0 : index
    %get3A_0 = arith.constant 0 : index
    %get3A_1 = vector.load %arg4[%get3A, %get3A_0] : memref<400x8xf32, #tpu.memory_space<vmem>>, vector<400x1xf32>
    %get3A_2 = arith.constant 0 : index
    %get3A_3 = arith.constant 0 : index
    %get3A_4 = arith.constant 0 : index
    %get3A_5 = vector.load %arg1[%get3A_2, %get3A_3, %get3A_4] : memref<1x400x64xf32, #tpu.memory_space<vmem>>, vector<1x400x64xf32>
    %get3A_6 = vector.shape_cast %get3A_5 : vector<1x400x64xf32> to vector<400x64xf32>
    %get3A_7 = arith.constant 0 : index
    %get3A_8 = arith.constant 0 : index
    %get3A_9 = arith.constant 0 : index
    %get3A_10 = vector.load %arg2[%get3A_7, %get3A_8, %get3A_9] : memref<1x400x64xf32, #tpu.memory_space<vmem>>, vector<1x400x64xf32>
    %get3A_11 = vector.shape_cast %get3A_10 : vector<1x400x64xf32> to vector<400x64xf32>
    %concatenate3A = tpu.concatenate %get3A_6, %get3A_11 in 1 : vector<400x64xf32>, vector<400x64xf32> -> vector<400x128xf32>
    %get3A_12 = arith.constant 0 : index
    %get3A_13 = arith.constant 0 : index
    %get3A_14 = arith.constant 0 : index
    %get3A_15 = vector.load %arg3[%get3A_12, %get3A_13, %get3A_14] : memref<2x400x64xf32, #tpu.memory_space<vmem>>, vector<1x400x64xf32>
    %get3A_16 = vector.shape_cast %get3A_15 : vector<1x400x64xf32> to vector<400x64xf32>
    %get3A_17 = arith.constant 1 : index
    %get3A_18 = arith.constant 0 : index
    %get3A_19 = arith.constant 0 : index
    %get3A_20 = vector.load %arg3[%get3A_17, %get3A_18, %get3A_19] : memref<2x400x64xf32, #tpu.memory_space<vmem>>, vector<1x400x64xf32>
    %get3A_21 = vector.shape_cast %get3A_20 : vector<1x400x64xf32> to vector<400x64xf32>
    %concatenate3A_22 = tpu.concatenate %get3A_16, %get3A_21 in 1 : vector<400x64xf32>, vector<400x64xf32> -> vector<400x128xf32>
    %add3A = arith.addf %concatenate3A, %concatenate3A_22 : vector<400x128xf32>
    %mul3A = vector.broadcast %get3A_1 : vector<400x1xf32> to vector<400x128xf32>
    %mul3A_23 = arith.mulf %add3A, %mul3A : vector<400x128xf32>
    %swap3A = arith.constant 0 : index
    %swap3A_24 = arith.constant 0 : index
    %swap3A_25 = vector.load %arg5[%swap3A, %swap3A_24] : memref<400x128xf32, #tpu.memory_space<vmem>>, vector<400x128xf32>
    tpu.vector_store %arg5[%swap3A, %swap3A_24], %mul3A_23 {strides = array<i32>} : memref<400x128xf32, #tpu.memory_space<vmem>>, vector<400x128xf32>,
    return
  }
  func.func @transform_0(%arg0: i32) -> (i32, i32, i32) {
    %c0_i32 = arith.constant 0 : i32
    %c0_i32_0 = arith.constant 0 : i32
    %c0_i32_1 = arith.constant 0 : i32
    return %c0_i32, %arg0, %c0_i32_0 : i32, i32, i32
  }
  func.func @transform_1(%arg0: i32) -> (i32, i32, i32) {
    %c1_i32 = arith.constant 1 : i32
    %c0_i32 = arith.constant 0 : i32
    %c0_i32_0 = arith.constant 0 : i32
    return %c1_i32, %arg0, %c0_i32 : i32, i32, i32
  }
  func.func @transform_2(%arg0: i32) -> (i32, i32, i32) {
    %c0_i32 = arith.constant 0 : i32
    %c0_i32_0 = arith.constant 0 : i32
    %c0_i32_1 = arith.constant 0 : i32
    return %c0_i32, %arg0, %c0_i32_0 : i32, i32, i32
  }
  func.func @transform_3(%arg0: i32) -> (i32, i32) {
    %c0_i32 = arith.constant 0 : i32
    %c0_i32_0 = arith.constant 0 : i32
    return %arg0, %c0_i32 : i32, i32
  }
  func.func @transform_4(%arg0: i32) -> (i32, i32) {
    %c0_i32 = arith.constant 0 : i32
    %c0_i32_0 = arith.constant 0 : i32
    return %arg0, %c0_i32 : i32, i32
  }
}

</mosaic_0001>

<sc_bundles>
// kernel: kernel.11.cloned.1.call-start
scs
__scs_entry_jumppad:
0x0: {  	(pc) =	sbr.rel $0x88, $3  }
0x1: {  	(tag) =	ssettag $0x0;
	lr =	simm.s32 $0x1  }
0x2: {  	[smem:$0x3F9B] =	sst lr;
	_ =	strace $0xD0000000  }
0x3: {  	_ = 	snop  }
0x4: {  	_ = 	snop  }
0x5: {  	_ = 	snop  }
0x6: {  	_ = 	snop  }
0x7: {  	_ = 	snop  }
__scs_overlays_trampoline_lowered:
0x8: {  	[smem:$0x3FAA] =	sst s0  }
0x9: {  	[smem:$0x3FAB] =	sst s1  }
0xa: {  	[smem:$0x3FAC] =	sst s2  }
0xb: {  	[smem:$0x3FAD] =	sst s3  }
0xc: {  	[smem:$0x3FAE] =	sst s4  }
0xd: {  	[smem:$0x3FAF] =	sst s5  }
0xe: {  	[smem:$0x3FB0] =	sst s6  }
0xf: {  	[smem:$0x3FB1] =	sst s7  }
0x10: {  	[smem:$0x3FB2] =	sst s8  }
0x11: {  	[smem:$0x3FB3] =	sst s9;
	s0 =	simm.s32 @!p0 $0x0  }
0x12: {  	s1 =	sld [smem:$0x3F99];
	s0 =	simm.s32 @p0 $0x1  }
0x13: {  	[smem:$0x3FB4] =	sst s0;
	s0 =	simm.s32 @!p1 $0x0  }
0x14: {  	s2 =	sld [smem:$0x3F98];
	s0 =	simm.s32 @p1 $0x1  }
0x15: {  	[smem:$0x3FB5] =	sst s0;
	s0 =	simm.s32 @!p2 $0x0  }
0x16: {  	s3 =	sld [smem:$0x3FDB];
	s0 =	simm.s32 @p2 $0x1  }
0x17: {  	s4 =	simm.s32 $0x1BF5;
	[smem:$0x3FB7] =	sst s0  }
0x18: {  	s0 =	sld [smem:$0x3F9A];
	_ =	swait.ge [sflag:s4], $0x0  }
0x19: {  	s7 =	sld [smem:$0x3F9B]  }
0x1a: {  	s8 =	sadd.s32 $0xFFFFE003, lr  }
0x1b: {  	s9 =	sadd.s32 $0xFFFFFEF7, lr;
	s5 =	simm.s32 $0xFFFFFFFF;
	p2 =	slt.u32 s8, $0xFFFFF086  }
0x1c: {  	p1 =	slt.u32 s9, $0xF7A;
	s5 =	simm.s32 @!p2 $0x0  }
0x1d: {  	s5 =	simm.s32 @p1 $0x1;
	p0 =	seq.s32 s7, s2  }
0x1e: {  	s7 =	smul.u32 @!p0 $0xF7A, s2;
	p2 =	seq.s32 @!p0 s5, $0x0  }
0x1f: {  	s9 =	smul.u32 $0xF7A, s1;
	s8 =	simm.s32 @!p0 $0x1BF5;
	p2 =	por !p2, p0  }
0x20: {  	[sflag:s8] =	ssyncset.s32 @!p0 $0xFFFFF086;
	s6 =	sadd.s32 @!p0 s3, s7;
	s7 =	simm.s32 @!p0 $0x108  }
0x21: {  	s3 =	sadd.s32 s3, s9;
	s6 =	sadd.s32 @!p0 $0x88, s6;
	s7 =	simm.s32 @p2 $0x1082  }
0x22: {  	[simem:s7], [sflag:s8] =	dma.local @!p0 [hbm:s6], $0xF7A  }
0x23: {  	s9 =	sor.u32 $0xD0000000, s2;
	s6 =	simm.s32 $0x108;
	_ =	swait.ge @!p0 [sflag:s8], $0x0  }
0x24: {  	s3 =	sadd.s32 $0x88, s3;
	s6 =	simm.s32 @!p1 $0x1082;
	[sflag:s4] =	ssyncset.s32 $0xFFFFF086  }
0x25: {  	[simem:s6], [sflag:s4] =	dma.local [hbm:s3], $0xF7A  }
0x26: {  	[smem:$0x3F9B] =	sst s1;
	(tag) =	ssettag s2;
	_ =	strace s9  }
0x27: {  	s1 =	sld [smem:$0x3FAB]  }
0x28: {  	s2 =	sld [smem:$0x3FAC]  }
0x29: {  	s4 =	sld [smem:$0x3FAE]  }
0x2a: {  	p0 =	seq.s32 s5, $0x0;
	s5 =	sld [smem:$0x3FAF]  }
0x2b: {  	s6 =	sld [smem:$0x3FB0]  }
0x2c: {  	s7 =	sld [smem:$0x3FB1]  }
0x2d: {  	s3 =	simm.s32 $0x108;
	s8 =	sld [smem:$0x3FB2]  }
0x2e: {  	s3 =	simm.s32 @!p0 $0x1082;
	s9 =	sld [smem:$0x3FB3]  }
0x2f: {  	lr =	sadd.s32 s0, s3;
	s0 =	sld [smem:$0x3FAA]  }
0x30: {  	s3 =	sld [smem:$0x3FAD]  }
0x31: {  	[smem:$0x3FB6] =	sst s10  }
0x32: {  	s10 =	sld [smem:$0x3FB4];
	_ =	sdelay $0x3  }
0x33: {  	p0 =	seq.s32 s10, $0x1;
	s10 =	sld [smem:$0x3FB6];
	_ =	sdelay $0x3  }
0x34: {  	[smem:$0x3FB6] =	sst s10  }
0x35: {  	s10 =	sld [smem:$0x3FB5];
	_ =	sdelay $0x3  }
0x36: {  	p1 =	seq.s32 s10, $0x1;
	s10 =	sld [smem:$0x3FB6];
	_ =	sdelay $0x3  }
0x37: {  	[smem:$0x3FB6] =	sst s10  }
0x38: {  	s10 =	sld [smem:$0x3FB7]  }
0x39: {  	_ = 	snop;
	(pc) =	sbr.ind lr, $3  }
0x3a: {  	_ = 	snop  }
0x3b: {  	_ = 	snop  }
0x3c: {  	p2 =	seq.s32 s10, $0x1;
	s10 =	sld [smem:$0x3FB6]  }
0x3d: {  	_ =	shalt  }
0x3e: {  	_ =	shalt  }
0x3f: {  	_ =	shalt  }
0x40: {  	_ =	shalt  }
0x41: {  	_ =	shalt  }
0x42: {  	_ =	shalt  }
0x43: {  	_ =	shalt  }
0x44: {  	_ =	shalt  }
0x45: {  	_ =	shalt  }
0x46: {  	_ =	shalt  }
0x47: {  	_ =	shalt  }
0x48: {  	_ =	shalt  }
0x49: {  	_ =	shalt  }
0x4a: {  	_ =	shalt  }
0x4b: {  	_ =	shalt  }
0x4c: {  	_ =	shalt  }
0x4d: {  	_ =	shalt  }
0x4e: {  	_ =	shalt  }
0x4f: {  	_ =	shalt  }
0x50: {  	_ =	shalt  }
0x51: {  	_ =	shalt  }
0x52: {  	_ =	shalt  }
0x53: {  	_ =	shalt  }
0x54: {  	_ =	shalt  }
0x55: {  	_ =	shalt  }
0x56: {  	_ =	shalt  }
0x57: {  	_ =	shalt  }
0x58: {  	_ =	shalt  }
0x59: {  	_ =	shalt  }
0x5a: {  	_ =	shalt  }
0x5b: {  	_ =	shalt  }
0x5c: {  	_ =	shalt  }
0x5d: {  	_ =	shalt  }
0x5e: {  	_ =	shalt  }
0x5f: {  	_ =	shalt  }
0x60: {  	_ =	shalt  }
0x61: {  	_ =	shalt  }
0x62: {  	_ =	shalt  }
0x63: {  	_ =	shalt  }
0x64: {  	_ =	shalt  }
0x65: {  	_ =	shalt  }
0x66: {  	_ =	shalt  }
0x67: {  	_ =	shalt  }
0x68: {  	_ =	shalt  }
0x69: {  	_ =	shalt  }
0x6a: {  	_ =	shalt  }
0x6b: {  	_ =	shalt  }
0x6c: {  	_ =	shalt  }
0x6d: {  	_ =	shalt  }
0x6e: {  	_ =	shalt  }
0x6f: {  	_ =	shalt  }
0x70: {  	_ =	shalt  }
0x71: {  	_ =	shalt  }
0x72: {  	_ =	shalt  }
0x73: {  	_ =	shalt  }
0x74: {  	_ =	shalt  }
0x75: {  	_ =	shalt  }
0x76: {  	_ =	shalt  }
0x77: {  	_ =	shalt  }
0x78: {  	_ =	shalt  }
0x79: {  	_ =	shalt  }
0x7a: {  	_ =	shalt  }
0x7b: {  	_ =	shalt  }
0x7c: {  	_ =	shalt  }
0x7d: {  	_ =	shalt  }
0x7e: {  	_ =	shalt  }
0x7f: {  	_ =	shalt  }
0x80: {  	_ =	shalt  }
0x81: {  	_ =	shalt  }
0x82: {  	_ =	shalt  }
0x83: {  	_ =	shalt  }
0x84: {  	_ =	shalt  }
0x85: {  	_ =	shalt  }
0x86: {  	_ =	shalt  }
0x87: {  	_ =	shalt  }
.Lfunc_end0:
.L_simem_size_0:
called_computation.1_lowered:
.L_overlay_start_0:
0x88: {  	s2 =	sld [smem:$0x3FD9]  }
0x89: {  	s3 =	sld [smem:$0x3FFE];
	_ =	sdelay $0x1  }
0x8a: {  	s1 =	srdreg.scid  }
0x8b: {  	s0 =	sand.u32 $0x1, s1  }
0x8c: {  	s17 =	sshll.u32 s0, $0xA;
	s2 =	sadd.s32 s3, s2  }
0x8d: {  	s2 =	sadd.s32 s2, s17  }
0x8e: {  	[smem:$0x3FC2] =	sst s2  }
0x8f: {  	_ = 	snop  }
0x90: {  	s2 =	sld [smem:$0x3FD0];
	(tm) =	ssettm $0x1  }
0x91: {  	s18 =	sld [smem:$0x3FFB];
	_ =	sdelay $0x3  }
0x92: {  	_ =	strace s18  }
0x93: {  	s3 =	sld [smem:$0x3FFC];
	_ =	sdelay $0x3  }
0x94: {  	_ =	strace s3  }
0x95: {  	s3 =	sld [smem:$0x3FFD];
	_ =	sdelay $0x3  }
0x96: {  	_ =	strace s3  }
0x97: {  	_ =	strace $0x8FFFFFFF  }
0x98: {  	s19 =	sld [smem:$0x3FDB];
	_ =	sdelay $0x1  }
0x99: {  	s4 =	simm.s32 $_scs_section_size  }
0x9a: {  	s5 =	simm.s32 $_size__tile_overlayer_lowered;
	s6 =	simm.s32 $_tile_overlayer_lowered  }
0x9b: {  	s22 =	simm.s32 $0x1BFF;
	s21 =	sshll.u32 s6, $0x1;
	s3 =	sadd.s32 s4, s19  }
0x9c: {  	s7 =	simm.s32 $0x0;
	s20 =	sshll.u32 s5, $0x1;
	s5 =	sadd.s32 s21, s3  }
0x9d: {  	[timem:s7], [sflag:s22] =	dma.local [hbm:s5], s20  }
0x9e: {  	_ =	swait.ge [sflag:s22], s20  }
0x9f: {  	s4 =	ssub.s32 $0x0, s20;
	[sflag:s22] =	ssyncset.done $0x0  }
0xa0: {  	[sflag:s22] =	ssyncadd.s32 s4;
	_ =	sdelay $0x1  }
0xa1: {  	s23 =	simm.s32 $0x1B8B  }
0xa2: {  	_ =	swait.ge [sflag:s23], $0x1  }
0xa3: {  	[sflag:s23] =	ssyncset.done $0x0  }
0xa4: {  	s25 =	simm.s32 $0x1B8E;
	s24 =	sld [smem:$0x3FFE];
	[sflag:s23] =	ssyncadd.s32 $0xFFFFFFFF  }
0xa5: {  	s26 =	simm.s32 $execute0_lowered;
	[smem:$0x3FD2] =	sst s25  }
0xa6: {  	s5 =	sshll.u32 s26, $0x1;
	_ =	strace $0x80000049;
	[dreg:$0x1] =	wrdreg $0xFFFFFFFF  }
0xa7: {  	s28 =	simm.s32 $_size_execute0_lowered;
	s3 =	sadd.s32 s3, s5;
	[dreg:$0x0] =	wrdreg $0x0  }
0xa8: {  	s5 =	sshll.u32 s28, $0x1;
	[dreg:$0x2] =	wrdreg s3  }
0xa9: {  	[dreg:$0x3] =	wrdreg s5  }
0xaa: {  	[dreg:$0x4] =	wrdreg $0xC0  }
0xab: {  	_ =	task [dreg:s7], $0x5FFFF  }
0xac: {  	[dreg:$0x1] =	wrdreg $0xFFFFFFFF  }
0xad: {  	[dreg:$0x0] =	wrdreg $0x60  }
0xae: {  	[dreg:$0x2] =	wrdreg s2  }
0xaf: {  	[dreg:$0x3] =	wrdreg s24  }
0xb0: {  	[dreg:$0x4] =	wrdreg $0x140000  }
0xb1: {  	[dreg:$0x5] =	wrdreg $0x9  }
0xb2: {  	_ =	task.clear_ibuf [dreg:s7], $0x6FFFF;
	_ =	strace $0x90000049  }
0xb3: {  	s29 =	simm.s32 $0x9;
	_ =	strace $0x8000004B  }
0xb4: {  	_ =	swait.ge [sflag:s29], $0x1  }
0xb5: {  	[sflag:s29] =	ssyncadd.s32 $0xFFFFFFFF  }
0xb6: {  	_ =	strace $0x9000004B  }
0xb7: {  	_ =	sfence  }
0xb8: {  	s30 =	sld [smem:$0x0];
	_ =	sdelay $0x2  }
0xb9: {  	s31 =	sshll.u32 s1, $0xD;
	s1 =	sshrl.u32 s1, $0x2  }
0xba: {  	s3 =	sand.u32 $0x4000, s31;
	s1 =	sadd.s32 s1, s30  }
0xbb: {  	s0 =	sor.u32 s3, s0;
	s1 =	sshll.u32 s1, $0x11  }
0xbc: {  	s0 =	sor.u32 s1, s0  }
0xbd: {  	s0 =	sadd.s32 $0x8F2B, s0  }
0xbe: {  	[sflag:s0] =	ssyncadd.remote.s32 $0x1  }
0xbf: {  	_ =	sfence.sel $0xFFFF  }
0xc0: {  	[dreg:$0x0] =	wrdreg $0xFFFFFFFF;
	(pc) =	sbr.abs _section_cstart, $3  }
0xc1: {  	[dreg:$0x1] =	wrdreg $0xFFFFFFFF  }
0xc2: {  	_ =	task.clear_ibuf [dreg:s7], $0x2FFFF;
	_ =	strace $0x9FFFFFFF  }
0xc3: {  	(tm) =	ssettm $0x7FFFFFFF  }
tec
execute0_lowered:
.L_overlay_start_1:
0x0: {  	(tag) =	ssettag $0x1  }
0x1: {  	s0 =	rddreg [dreg:$0x0]  }
0x2: {  	s1 =	rddreg [dreg:$0x1]  }
0x3: {  	s8 =	stileid.u32;
	s3 =	srdreg.scid  }
0x4: {  	s2 =	rddreg [dreg:$0x2];
	s14 =	simm.s32 $0x12000;
	s15 =	simm.s32 $0x5  }
0x5: {  	s16 =	simm.s32 $0x5000;
	s17 =	simm.s32 $0x80;
	s18 =	simm.s32 $0xA000  }
0x6: {  	s19 =	simm.s32 $0xC000;
	s21 =	simm.s32 $0xE000;
	s22 =	simm.s32 $0x1  }
0x7: {  	s23 =	simm.s32 $0x180;
	s24 =	simm.s32 $0x10000;
	s4 =	smul.u32 $0xA000, s8  }
0x8: {  	s28 =	simm.s32 $0x3;
	s29 =	simm.s32 $0x4;
	s6 =	smul.u32 $0xA00, s8  }
0x9: {  	s30 =	simm.s32 $0x9F00;
	s7 =	sand.u32 $0x1, s3;
	s8 =	smul.u32 $0x28000, s8  }
0xa: {  	s31 =	simm.s32 $0x9F80;
	s3 =	simm.s32 $0x0;
	s5 =	smul.u32 $0xA0000, s7  }
0xb: {  	[smem:$0x7FF] =	sst s3;
	s25 =	ssub.s32 $0x2, s7;
	s11 =	smul.u32 $0x13880, s7  }
0xc: {  	_ =	strace $0x8000004A;
	s10 =	sadd.s32 s6, s1;
	s26 =	sshrl.u32 s25, $0x1  }
0xd: {  	s8 =	sshrl.u32 s8, $0x2;
	s5 =	sadd.s32 s4, s5;
	s13 =	ssub.s32 s25, s26  }
0xe: {  	s4 =	sadd.s32 s4, s2;
	s8 =	sadd.s32 s8, s2;
	s9 =	sadd.s32 $0xB800, s10  }
0xf: {  	s10 =	sadd.s32 $0x1800, s10;
	s11 =	sadd.s32 s0, s11;
	s25 =	simm.s32 $0x2  }
0x10: {  	s26 =	simm.s32 $0x5080;
	s5 =	sshrl.u32 s5, $0x3;
	s6 =	sadd.s32 $0x4000, s8  }
0x11: {  	s7 =	sadd.s32 $0x6000, s8;
	s13 =	smax.u32 s13, $0x1;
	s1 =	sadd.s32 s5, s1  }
0x12: {  	v0 =	vimm.f32 $0.0e+00;
	s5 =	sadd.s32 $0x2000, s8;
	s8 =	sadd.s32 $0x8000, s8;
	s12 =	sadd.s32 $0x63A00, s1  }
.LBB2_1:
0x13: {  	s1 =	simm.s32 $0x100;
	s0 =	simm.s32 $0x0  }
.LBB2_2:
0x14: {  	p0 =	sne.s32 s1, $0x7F00;
	[tilespmem:s0+$0x12030] =	vst v0;
	s20 =	smov.u32 s1;
	s1 =	sadd.s32 $0x100, s1  }
.Ltmp0:
0x15: {  	[tilespmem:s0+$0x12020] =	vst v0;
	(pc) =	sbr.rel @p0 .LBB2_2-.Ltmp0, $3  }
0x16: {  	[tilespmem:s0+$0x12000] =	vst v0  }
0x17: {  	[tilespmem:s0+$0x12010] =	vst v0;
	_ =	sdelay $0x1  }
0x18: {  	s0 =	sshra.s32 s20, $0x2  }
0x19: {  	[tilespmem:s0+$0x12030] =	vst v0  }
0x1a: {  	[tilespmem:s0+$0x12020] =	vst v0  }
0x1b: {  	[tilespmem:s0+$0x12000] =	vst v0  }
0x1c: {  	[tilespmem:s0+$0x12010] =	vst v0  }
0x1d: {  	[spmem:s4] =	stream.linear.scatter [tilespmem:s14], [sflag:$0x5], $0x2000, $0x38;
	[tilespmem:$0x1E000] =	vst v63  }
0x1e: {  	_ =	swait.ge [sflag:s15], $0x2000  }
0x1f: {  	[sflag:s15] =	ssyncset.done $0x0  }
0x20: {  	[sflag:s15] =	ssyncadd.s32 $0xFFFFE000  }
0x21: {  	[spmem:s5] =	stream.linear.scatter [tilespmem:s14], [sflag:$0x5], $0x2000, $0x38;
	[tilespmem:$0x1E000] =	vst v63  }
0x22: {  	_ =	swait.ge [sflag:s15], $0x2000  }
0x23: {  	[sflag:s15] =	ssyncset.done $0x0  }
0x24: {  	[sflag:s15] =	ssyncadd.s32 $0xFFFFE000  }
0x25: {  	[spmem:s6] =	stream.linear.scatter [tilespmem:s14], [sflag:$0x5], $0x2000, $0x38;
	[tilespmem:$0x1E000] =	vst v63  }
0x26: {  	_ =	swait.ge [sflag:s15], $0x2000  }
0x27: {  	[sflag:s15] =	ssyncset.done $0x0  }
0x28: {  	[sflag:s15] =	ssyncadd.s32 $0xFFFFE000  }
0x29: {  	[spmem:s7] =	stream.linear.scatter [tilespmem:s14], [sflag:$0x5], $0x2000, $0x38;
	[tilespmem:$0x1E000] =	vst v63  }
0x2a: {  	_ =	swait.ge [sflag:s15], $0x2000  }
0x2b: {  	[sflag:s15] =	ssyncset.done $0x0  }
0x2c: {  	[sflag:s15] =	ssyncadd.s32 $0xFFFFE000  }
0x2d: {  	[spmem:s8] =	stream.linear.scatter [tilespmem:s14], [sflag:$0x5], $0x2000, $0x38;
	[tilespmem:$0x1E000] =	vst v63  }
0x2e: {  	_ =	swait.ge [sflag:s15], $0x2000  }
0x2f: {  	[sflag:s15] =	ssyncset.done $0x0  }
0x30: {  	s20 =	simm.s32 $0x0;
	[sflag:s15] =	ssyncadd.s32 $0xFFFFE000  }
0x31: {  	[tilespmem:s20], [sflag:$0x5] =	stream.linear.gather [hbm4b:s9+s20], $0x5000, $0x38;
	[tilespmem:$0x1E000] =	vst v63  }
0x32: {  	_ =	swait.ge [sflag:s15], $0x5000  }
0x33: {  	[sflag:s15] =	ssyncset.done $0x0  }
0x34: {  	[sflag:s15] =	ssyncadd.s32 $0xFFFFB000  }
0x35: {  	[tilespmem:s16], [sflag:$0x5] =	stream.linear.gather [hbm4b:s10+s20], $0x5000, $0x38;
	[tilespmem:$0x1E000] =	vst v63  }
0x36: {  	_ =	swait.ge [sflag:s15], $0x5000  }
0x37: {  	[sflag:s15] =	ssyncset.done $0x0  }
0x38: {  	[sflag:s15] =	ssyncadd.s32 $0xFFFFB000  }
0x39: {  	[bflag:$0x0] =	sbarrier.arrive $0xFFFF  }
0x3a: {  	[tilespmem:s18], [sflag:$0x1] =	stream.indirect.gather [hbm4b:s11+s17], $0x40, s20, s17, $0xb8;
	[tilespmem:$0x1E000] =	vst v63  }
0x3b: {  	_ = 	snop  }
0x3c: {  	[tilespmem:s19], [sflag:$0x2] =	stream.indirect.gather [hbm4b:s11+s17], $0x40, s17, s17, $0xb8;
	[tilespmem:$0x1E000] =	vst v63  }
0x3d: {  	s1 =	simm.s32 $0x100  }
0x3e: {  	[tilespmem:s21], [sflag:$0x3] =	stream.indirect.gather [hbm4b:s11+s17], $0x40, s1, s17, $0xb8;
	[tilespmem:$0x1E000] =	vst v63  }
0x3f: {  	_ =	swait.ge [sflag:s22], $0x2000  }
0x40: {  	[sflag:s22] =	ssyncset.done $0x0  }
0x41: {  	[sflag:s22] =	ssyncadd.s32 $0xFFFFE000  }
0x42: {  	[spmem:s2] =	stream.indirect.scatter.add.f32 [tilespmem:s18], [sflag:$0x1], $0x40, s16, s17, $0xb8;
	[tilespmem:$0x1E000] =	vst v63  }
0x43: {  	_ = 	snop  }
0x44: {  	[tilespmem:s24], [sflag:$0x4] =	stream.indirect.gather [hbm4b:s11+s17], $0x40, s23, s17, $0xb8;
	[tilespmem:$0x1E000] =	vst v63  }
0x45: {  	_ =	swait.ge [sflag:s25], $0x2000  }
0x46: {  	[sflag:s25] =	ssyncset.done $0x0  }
0x47: {  	[sflag:s25] =	ssyncadd.s32 $0xFFFFE000  }
0x48: {  	[spmem:s2] =	stream.indirect.scatter.add.f32 [tilespmem:s19], [sflag:$0x2], $0x40, s26, s17, $0xb8;
	[tilespmem:$0x1E000] =	vst v63  }
0x49: {  	_ =	swait.ge [sflag:s22], $0x2000  }
0x4a: {  	[sflag:s22] =	ssyncset.done $0x0  }
0x4b: {  	s20 =	simm.s32 $0x200;
	[sflag:s22] =	ssyncadd.s32 $0xFFFFE000  }
0x4c: {  	[tilespmem:s18], [sflag:$0x1] =	stream.indirect.gather [hbm4b:s11+s17], $0x40, s20, s17, $0xb8;
	[tilespmem:$0x1E000] =	vst v63  }
0x4d: {  	_ =	swait.ge [sflag:s28], $0x2000  }
0x4e: {  	[sflag:s28] =	ssyncset.done $0x0  }
0x4f: {  	s1 =	simm.s32 $0x5100;
	[sflag:s28] =	ssyncadd.s32 $0xFFFFE000  }
0x50: {  	[spmem:s2] =	stream.indirect.scatter.add.f32 [tilespmem:s21], [sflag:$0x3], $0x40, s1, s17, $0xb8;
	[tilespmem:$0x1E000] =	vst v63  }
0x51: {  	_ =	swait.ge [sflag:s25], $0x2000  }
0x52: {  	[sflag:s25] =	ssyncset.done $0x0  }
0x53: {  	s20 =	simm.s32 $0x280;
	[sflag:s25] =	ssyncadd.s32 $0xFFFFE000  }
0x54: {  	[tilespmem:s19], [sflag:$0x2] =	stream.indirect.gather [hbm4b:s11+s17], $0x40, s20, s17, $0xb8;
	[tilespmem:$0x1E000] =	vst v63  }
0x55: {  	_ =	swait.ge [sflag:s29], $0x2000  }
0x56: {  	[sflag:s29] =	ssyncset.done $0x0  }
0x57: {  	s1 =	simm.s32 $0x5180;
	[sflag:s29] =	ssyncadd.s32 $0xFFFFE000  }
0x58: {  	[spmem:s2] =	stream.indirect.scatter.add.f32 [tilespmem:s24], [sflag:$0x4], $0x40, s1, s17, $0xb8;
	[tilespmem:$0x1E000] =	vst v63  }
0x59: {  	_ =	swait.ge [sflag:s28], $0x2000  }
0x5a: {  	[sflag:s28] =	ssyncset.done $0x0  }
0x5b: {  	s20 =	simm.s32 $0x300;
	[sflag:s28] =	ssyncadd.s32 $0xFFFFE000  }
0x5c: {  	[tilespmem:s21], [sflag:$0x3] =	stream.indirect.gather [hbm4b:s11+s17], $0x40, s20, s17, $0xb8;
	[tilespmem:$0x1E000] =	vst v63  }
0x5d: {  	_ =	swait.ge [sflag:s22], $0x2000  }
0x5e: {  	[sflag:s22] =	ssyncset.done $0x0  }
0x5f: {  	s1 =	simm.s32 $0x5200;
	[sflag:s22] =	ssyncadd.s32 $0xFFFFE000  }
0x60: {  	[spmem:s2] =	stream.indirect.scatter.add.f32 [tilespmem:s18], [sflag:$0x1], $0x40, s1, s17, $0xb8;
	[tilespmem:$0x1E000] =	vst v63  }
0x61: {  	_ =	swait.ge [sflag:s29], $0x2000  }
0x62: {  	[sflag:s29] =	ssyncset.done $0x0  }
0x63: {  	s20 =	simm.s32 $0x380;
	[sflag:s29] =	ssyncadd.s32 $0xFFFFE000  }
0x64: {  	[tilespmem:s24], [sflag:$0x4] =	stream.indirect.gather [hbm4b:s11+s17], $0x40, s20, s17, $0xb8;
	[tilespmem:$0x1E000] =	vst v63  }
0x65: {  	_ =	swait.ge [sflag:s25], $0x2000  }
0x66: {  	[sflag:s25] =	ssyncset.done $0x0  }
0x67: {  	s0 =	simm.s32 $0x5280;
	s1 =	simm.s32 $0x800;
	[sflag:s25] =	ssyncadd.s32 $0xFFFFE000  }
.LBB2_4:
0x68: {  	[spmem:s2] =	stream.indirect.scatter.add.f32 [tilespmem:s19], [sflag:$0x2], $0x40, s0, s17, $0xb8;
	[tilespmem:$0x1E000] =	vst v63  }
0x69: {  	s0 =	smov.u32 s1  }
0x6a: {  	p0 =	sne.s32 s1, $0x13000;
	s1 =	sadd.s32 $0x800, s1;
	_ =	swait.ge [sflag:s22], $0x2000  }
0x6b: {  	s0 =	sshra.s32 s0, $0x2;
	[sflag:s22] =	ssyncset.done $0x0  }
0x6c: {  	s20 =	sadd.s32 $0x200, s0;
	[sflag:s22] =	ssyncadd.s32 $0xFFFFE000  }
0x6d: {  	[tilespmem:s18], [sflag:$0x1] =	stream.indirect.gather [hbm4b:s11+s17], $0x40, s20, s17, $0xb8;
	[tilespmem:$0x1E000] =	vst v63  }
0x6e: {  	_ =	swait.ge [sflag:s28], $0x2000  }
0x6f: {  	[sflag:s28] =	ssyncset.done $0x0  }
0x70: {  	s20 =	sadd.s32 $0x5100, s0;
	[sflag:s28] =	ssyncadd.s32 $0xFFFFE000  }
0x71: {  	[spmem:s2] =	stream.indirect.scatter.add.f32 [tilespmem:s21], [sflag:$0x3], $0x40, s20, s17, $0xb8;
	[tilespmem:$0x1E000] =	vst v63  }
0x72: {  	_ =	swait.ge [sflag:s25], $0x2000  }
0x73: {  	[sflag:s25] =	ssyncset.done $0x0  }
0x74: {  	s20 =	sadd.s32 $0x280, s0;
	[sflag:s25] =	ssyncadd.s32 $0xFFFFE000  }
0x75: {  	[tilespmem:s19], [sflag:$0x2] =	stream.indirect.gather [hbm4b:s11+s17], $0x40, s20, s17, $0xb8;
	[tilespmem:$0x1E000] =	vst v63  }
0x76: {  	_ =	swait.ge [sflag:s29], $0x2000  }
0x77: {  	[sflag:s29] =	ssyncset.done $0x0  }
0x78: {  	s20 =	sadd.s32 $0x5180, s0;
	[sflag:s29] =	ssyncadd.s32 $0xFFFFE000  }
0x79: {  	[spmem:s2] =	stream.indirect.scatter.add.f32 [tilespmem:s24], [sflag:$0x4], $0x40, s20, s17, $0xb8;
	[tilespmem:$0x1E000] =	vst v63  }
0x7a: {  	_ =	swait.ge [sflag:s28], $0x2000  }
0x7b: {  	[sflag:s28] =	ssyncset.done $0x0  }
0x7c: {  	s20 =	sadd.s32 $0x300, s0;
	[sflag:s28] =	ssyncadd.s32 $0xFFFFE000  }
0x7d: {  	[tilespmem:s21], [sflag:$0x3] =	stream.indirect.gather [hbm4b:s11+s17], $0x40, s20, s17, $0xb8;
	[tilespmem:$0x1E000] =	vst v63  }
0x7e: {  	_ =	swait.ge [sflag:s22], $0x2000  }
0x7f: {  	[sflag:s22] =	ssyncset.done $0x0  }
0x80: {  	s20 =	sadd.s32 $0x5200, s0;
	[sflag:s22] =	ssyncadd.s32 $0xFFFFE000  }
0x81: {  	[spmem:s2] =	stream.indirect.scatter.add.f32 [tilespmem:s18], [sflag:$0x1], $0x40, s20, s17, $0xb8;
	[tilespmem:$0x1E000] =	vst v63  }
0x82: {  	_ =	swait.ge [sflag:s29], $0x2000  }
0x83: {  	[sflag:s29] =	ssyncset.done $0x0  }
.Ltmp1:
0x84: {  	s20 =	sadd.s32 $0x380, s0;
	[sflag:s29] =	ssyncadd.s32 $0xFFFFE000;
	(pc) =	sbr.rel @p0 .LBB2_4-.Ltmp1, $4  }
0x85: {  	[tilespmem:s24], [sflag:$0x4] =	stream.indirect.gather [hbm4b:s11+s17], $0x40, s20, s17, $0xb8;
	[tilespmem:$0x1E000] =	vst v63  }
0x86: {  	_ =	swait.ge [sflag:s25], $0x2000  }
0x87: {  	[sflag:s25] =	ssyncset.done $0x0  }
0x88: {  	s0 =	sadd.s32 $0x5280, s0;
	[sflag:s25] =	ssyncadd.s32 $0xFFFFE000  }
0x89: {  	[spmem:s2] =	stream.indirect.scatter.add.f32 [tilespmem:s19], [sflag:$0x2], $0x40, s0, s17, $0xb8;
	[tilespmem:$0x1E000] =	vst v63  }
0x8a: {  	_ =	swait.ge [sflag:s22], $0x2000  }
0x8b: {  	[sflag:s22] =	ssyncset.done $0x0  }
0x8c: {  	[sflag:s22] =	ssyncadd.s32 $0xFFFFE000  }
0x8d: {  	_ =	swait.ge [sflag:s28], $0x2000  }
0x8e: {  	[sflag:s28] =	ssyncset.done $0x0  }
0x8f: {  	[sflag:s28] =	ssyncadd.s32 $0xFFFFE000  }
0x90: {  	[spmem:s2] =	stream.indirect.scatter.add.f32 [tilespmem:s21], [sflag:$0x3], $0x40, s30, s17, $0xb8;
	[tilespmem:$0x1E000] =	vst v63  }
0x91: {  	_ =	swait.ge [sflag:s25], $0x2000  }
0x92: {  	[sflag:s25] =	ssyncset.done $0x0  }
0x93: {  	[sflag:s25] =	ssyncadd.s32 $0xFFFFE000  }
0x94: {  	_ =	swait.ge [sflag:s29], $0x2000  }
0x95: {  	[sflag:s29] =	ssyncset.done $0x0  }
0x96: {  	[sflag:s29] =	ssyncadd.s32 $0xFFFFE000  }
0x97: {  	[spmem:s2] =	stream.indirect.scatter.add.f32 [tilespmem:s24], [sflag:$0x4], $0x40, s31, s17, $0xb8;
	[tilespmem:$0x1E000] =	vst v63  }
0x98: {  	_ =	swait.ge [sflag:s28], $0x2000  }
0x99: {  	[sflag:s28] =	ssyncset.done $0x0  }
0x9a: {  	[sflag:s28] =	ssyncadd.s32 $0xFFFFE000  }
0x9b: {  	s20 =	stileid.u32;
	_ =	swait.ge [sflag:s29], $0x2000  }
0x9c: {  	s1 =	sshrl.u32 s4, $0x3;
	s3 =	sadd.s32 $0x1, s3;
	[sflag:s29] =	ssyncset.done $0x0  }
0x9d: {  	s0 =	sshll.u32 s20, $0x6;
	p0 =	sne.s32 s3, s13;
	[sflag:s29] =	ssyncadd.s32 $0xFFFFE000  }
.Ltmp2:
0x9e: {  	s0 =	sor.u32 $0x1C05, s0;
	[bflag:$0x0] =	sbarrier.arrive $0xFFFF;
	(pc) =	sbr.rel @p0 .LBB2_1-.Ltmp2, $4  }
0x9f: {  	[hbm:s12], [sflag:s0] =	dma.local [spmem:s1], $0x1400  }
0xa0: {  	_ =	swait.ge [sflag:s15], $0x1400  }
0xa1: {  	[sflag:s15] =	ssyncset.done $0x0  }
0xa2: {  	[sflag:s15] =	ssyncadd.s32 $0xFFFFEC00  }
0xa3: {  	_ =	sfence.sel $0x180000  }
0xa4: {  	[bflag:$0x0] =	sbarrier.arrive $0xFFFF  }
0xa5: {  	_ =	strace $0x9000004A  }
0xa6: {  	s0 =	stileid.u32;
	[bflag:$0x2] =	sbarrier.arrive $0xFFFF  }
0xa7: {  	p0 =	sne.s32 s0, $0x0;
	s0 =	rddreg [dreg:$0x3]  }
0xa8: {  	s0 =	sadd.s32 @!p0 $0x100000, s0  }
0xa9: {  	[sflag:s0] =	ssyncadd.tile.s32 @!p0 $0x1;
	_ =	shalt  }
.Lfunc_end2:
_tile_overlayer_lowered:
.L_overlay_start_2:
0xaa: {  	(tag) =	ssettag $0x2  }
0xab: {  	s0 =	rddreg [dreg:$0x0];
	s2 =	stileid.u32  }
0xac: {  	s1 =	rddreg [dreg:$0x1];
	p0 =	sne.s32 s2, $0x0  }
0xad: {  	s3 =	rddreg [dreg:$0x2];
	[bflag:$0x3] =	sbarrier.arrive $0xFFFF;
	s2 =	simm.s32 @!p0 $0x1C05  }
0xae: {  	[timem:s3], [sflag:s2] =	dma.local @!p0 [hbm:s0], s1  }
0xaf: {  	s0 =	simm.s32 @!p0 $0x5  }
0xb0: {  	_ =	swait.ge @!p0 [sflag:s0], s1  }
0xb1: {  	s1 =	ssub.s32 @!p0 $0x0, s1;
	[sflag:s0] =	ssyncset.done @!p0 $0x0  }
0xb2: {  	[sflag:s0] =	ssyncadd.s32 @!p0 s1  }
0xb3: {  	[bflag:$0x3] =	sbarrier.arrive $0xFFFF  }
0xb4: {  	_ =	shalt  }

// kernel: kernel.14.cloned.1.call-start
scs
__scs_entry_jumppad:
0x0: {  	(pc) =	sbr.rel $0x88, $3  }
0x1: {  	(tag) =	ssettag $0x0;
	lr =	simm.s32 $0x1  }
0x2: {  	[smem:$0x3F9B] =	sst lr;
	_ =	strace $0xD0000000  }
0x3: {  	_ = 	snop  }
0x4: {  	_ = 	snop  }
0x5: {  	_ = 	snop  }
0x6: {  	_ = 	snop  }
0x7: {  	_ = 	snop  }
__scs_overlays_trampoline_lowered:
0x8: {  	[smem:$0x3FAA] =	sst s0  }
0x9: {  	[smem:$0x3FAB] =	sst s1  }
0xa: {  	[smem:$0x3FAC] =	sst s2  }
0xb: {  	[smem:$0x3FAD] =	sst s3  }
0xc: {  	[smem:$0x3FAE] =	sst s4  }
0xd: {  	[smem:$0x3FAF] =	sst s5  }
0xe: {  	[smem:$0x3FB0] =	sst s6  }
0xf: {  	[smem:$0x3FB1] =	sst s7  }
0x10: {  	[smem:$0x3FB2] =	sst s8  }
0x11: {  	[smem:$0x3FB3] =	sst s9;
	s0 =	simm.s32 @!p0 $0x0  }
0x12: {  	s1 =	sld [smem:$0x3F99];
	s0 =	simm.s32 @p0 $0x1  }
0x13: {  	[smem:$0x3FB4] =	sst s0;
	s0 =	simm.s32 @!p1 $0x0  }
0x14: {  	s2 =	sld [smem:$0x3F98];
	s0 =	simm.s32 @p1 $0x1  }
0x15: {  	[smem:$0x3FB5] =	sst s0;
	s0 =	simm.s32 @!p2 $0x0  }
0x16: {  	s3 =	sld [smem:$0x3FDB];
	s0 =	simm.s32 @p2 $0x1  }
0x17: {  	s4 =	simm.s32 $0x1BF5;
	[smem:$0x3FB7] =	sst s0  }
0x18: {  	s0 =	sld [smem:$0x3F9A];
	_ =	swait.ge [sflag:s4], $0x0  }
0x19: {  	s7 =	sld [smem:$0x3F9B]  }
0x1a: {  	s8 =	sadd.s32 $0xFFFFE003, lr  }
0x1b: {  	s9 =	sadd.s32 $0xFFFFFEF7, lr;
	s5 =	simm.s32 $0xFFFFFFFF;
	p2 =	slt.u32 s8, $0xFFFFF086  }
0x1c: {  	p1 =	slt.u32 s9, $0xF7A;
	s5 =	simm.s32 @!p2 $0x0  }
0x1d: {  	s5 =	simm.s32 @p1 $0x1;
	p0 =	seq.s32 s7, s2  }
0x1e: {  	s7 =	smul.u32 @!p0 $0xF7A, s2;
	p2 =	seq.s32 @!p0 s5, $0x0  }
0x1f: {  	s9 =	smul.u32 $0xF7A, s1;
	s8 =	simm.s32 @!p0 $0x1BF5;
	p2 =	por !p2, p0  }
0x20: {  	[sflag:s8] =	ssyncset.s32 @!p0 $0xFFFFF086;
	s6 =	sadd.s32 @!p0 s3, s7;
	s7 =	simm.s32 @!p0 $0x108  }
0x21: {  	s3 =	sadd.s32 s3, s9;
	s6 =	sadd.s32 @!p0 $0x88, s6;
	s7 =	simm.s32 @p2 $0x1082  }
0x22: {  	[simem:s7], [sflag:s8] =	dma.local @!p0 [hbm:s6], $0xF7A  }
0x23: {  	s9 =	sor.u32 $0xD0000000, s2;
	s6 =	simm.s32 $0x108;
	_ =	swait.ge @!p0 [sflag:s8], $0x0  }
0x24: {  	s3 =	sadd.s32 $0x88, s3;
	s6 =	simm.s32 @!p1 $0x1082;
	[sflag:s4] =	ssyncset.s32 $0xFFFFF086  }
0x25: {  	[simem:s6], [sflag:s4] =	dma.local [hbm:s3], $0xF7A  }
0x26: {  	[smem:$0x3F9B] =	sst s1;
	(tag) =	ssettag s2;
	_ =	strace s9  }
0x27: {  	s1 =	sld [smem:$0x3FAB]  }
0x28: {  	s2 =	sld [smem:$0x3FAC]  }
0x29: {  	s4 =	sld [smem:$0x3FAE]  }
0x2a: {  	p0 =	seq.s32 s5, $0x0;
	s5 =	sld [smem:$0x3FAF]  }
0x2b: {  	s6 =	sld [smem:$0x3FB0]  }
0x2c: {  	s7 =	sld [smem:$0x3FB1]  }
0x2d: {  	s3 =	simm.s32 $0x108;
	s8 =	sld [smem:$0x3FB2]  }
0x2e: {  	s3 =	simm.s32 @!p0 $0x1082;
	s9 =	sld [smem:$0x3FB3]  }
0x2f: {  	lr =	sadd.s32 s0, s3;
	s0 =	sld [smem:$0x3FAA]  }
0x30: {  	s3 =	sld [smem:$0x3FAD]  }
0x31: {  	[smem:$0x3FB6] =	sst s10  }
0x32: {  	s10 =	sld [smem:$0x3FB4];
	_ =	sdelay $0x3  }
0x33: {  	p0 =	seq.s32 s10, $0x1;
	s10 =	sld [smem:$0x3FB6];
	_ =	sdelay $0x3  }
0x34: {  	[smem:$0x3FB6] =	sst s10  }
0x35: {  	s10 =	sld [smem:$0x3FB5];
	_ =	sdelay $0x3  }
0x36: {  	p1 =	seq.s32 s10, $0x1;
	s10 =	sld [smem:$0x3FB6];
	_ =	sdelay $0x3  }
0x37: {  	[smem:$0x3FB6] =	sst s10  }
0x38: {  	s10 =	sld [smem:$0x3FB7]  }
0x39: {  	_ = 	snop;
	(pc) =	sbr.ind lr, $3  }
0x3a: {  	_ = 	snop  }
0x3b: {  	_ = 	snop  }
0x3c: {  	p2 =	seq.s32 s10, $0x1;
	s10 =	sld [smem:$0x3FB6]  }
0x3d: {  	_ =	shalt  }
0x3e: {  	_ =	shalt  }
0x3f: {  	_ =	shalt  }
0x40: {  	_ =	shalt  }
0x41: {  	_ =	shalt  }
0x42: {  	_ =	shalt  }
0x43: {  	_ =	shalt  }
0x44: {  	_ =	shalt  }
0x45: {  	_ =	shalt  }
0x46: {  	_ =	shalt  }
0x47: {  	_ =	shalt  }
0x48: {  	_ =	shalt  }
0x49: {  	_ =	shalt  }
0x4a: {  	_ =	shalt  }
0x4b: {  	_ =	shalt  }
0x4c: {  	_ =	shalt  }
0x4d: {  	_ =	shalt  }
0x4e: {  	_ =	shalt  }
0x4f: {  	_ =	shalt  }
0x50: {  	_ =	shalt  }
0x51: {  	_ =	shalt  }
0x52: {  	_ =	shalt  }
0x53: {  	_ =	shalt  }
0x54: {  	_ =	shalt  }
0x55: {  	_ =	shalt  }
0x56: {  	_ =	shalt  }
0x57: {  	_ =	shalt  }
0x58: {  	_ =	shalt  }
0x59: {  	_ =	shalt  }
0x5a: {  	_ =	shalt  }
0x5b: {  	_ =	shalt  }
0x5c: {  	_ =	shalt  }
0x5d: {  	_ =	shalt  }
0x5e: {  	_ =	shalt  }
0x5f: {  	_ =	shalt  }
0x60: {  	_ =	shalt  }
0x61: {  	_ =	shalt  }
0x62: {  	_ =	shalt  }
0x63: {  	_ =	shalt  }
0x64: {  	_ =	shalt  }
0x65: {  	_ =	shalt  }
0x66: {  	_ =	shalt  }
0x67: {  	_ =	shalt  }
0x68: {  	_ =	shalt  }
0x69: {  	_ =	shalt  }
0x6a: {  	_ =	shalt  }
0x6b: {  	_ =	shalt  }
0x6c: {  	_ =	shalt  }
0x6d: {  	_ =	shalt  }
0x6e: {  	_ =	shalt  }
0x6f: {  	_ =	shalt  }
0x70: {  	_ =	shalt  }
0x71: {  	_ =	shalt  }
0x72: {  	_ =	shalt  }
0x73: {  	_ =	shalt  }
0x74: {  	_ =	shalt  }
0x75: {  	_ =	shalt  }
0x76: {  	_ =	shalt  }
0x77: {  	_ =	shalt  }
0x78: {  	_ =	shalt  }
0x79: {  	_ =	shalt  }
0x7a: {  	_ =	shalt  }
0x7b: {  	_ =	shalt  }
0x7c: {  	_ =	shalt  }
0x7d: {  	_ =	shalt  }
0x7e: {  	_ =	shalt  }
0x7f: {  	_ =	shalt  }
0x80: {  	_ =	shalt  }
0x81: {  	_ =	shalt  }
0x82: {  	_ =	shalt  }
0x83: {  	_ =	shalt  }
0x84: {  	_ =	shalt  }
0x85: {  	_ =	shalt  }
0x86: {  	_ =	shalt  }
0x87: {  	_ =	shalt  }
.Lfunc_end0:
.L_simem_size_0:
called_computation.2_lowered:
.L_overlay_start_0:
0x88: {  	s2 =	sld [smem:$0x3FD9]  }
0x89: {  	s3 =	sld [smem:$0x3FFE];
	_ =	sdelay $0x1  }
0x8a: {  	s1 =	srdreg.scid  }
0x8b: {  	s0 =	sand.u32 $0x1, s1  }
0x8c: {  	s17 =	sshll.u32 s0, $0xA;
	s2 =	sadd.s32 s3, s2  }
0x8d: {  	s2 =	sadd.s32 s2, s17  }
0x8e: {  	[smem:$0x3FC2] =	sst s2  }
0x8f: {  	_ = 	snop  }
0x90: {  	s2 =	sld [smem:$0x3FD0];
	(tm) =	ssettm $0x1  }
0x91: {  	s18 =	sld [smem:$0x3FFB];
	_ =	sdelay $0x3  }
0x92: {  	_ =	strace s18  }
0x93: {  	s3 =	sld [smem:$0x3FFC];
	_ =	sdelay $0x3  }
0x94: {  	_ =	strace s3  }
0x95: {  	s3 =	sld [smem:$0x3FFD];
	_ =	sdelay $0x3  }
0x96: {  	_ =	strace s3  }
0x97: {  	_ =	strace $0x8FFFFFFF  }
0x98: {  	s19 =	sld [smem:$0x3FDB];
	_ =	sdelay $0x1  }
0x99: {  	s4 =	simm.s32 $_scs_section_size  }
0x9a: {  	s5 =	simm.s32 $_size__tile_overlayer_lowered;
	s6 =	simm.s32 $_tile_overlayer_lowered  }
0x9b: {  	s22 =	simm.s32 $0x1BFF;
	s21 =	sshll.u32 s6, $0x1;
	s3 =	sadd.s32 s4, s19  }
0x9c: {  	s7 =	simm.s32 $0x0;
	s20 =	sshll.u32 s5, $0x1;
	s5 =	sadd.s32 s21, s3  }
0x9d: {  	[timem:s7], [sflag:s22] =	dma.local [hbm:s5], s20  }
0x9e: {  	_ =	swait.ge [sflag:s22], s20  }
0x9f: {  	s4 =	ssub.s32 $0x0, s20;
	[sflag:s22] =	ssyncset.done $0x0  }
0xa0: {  	[sflag:s22] =	ssyncadd.s32 s4;
	_ =	sdelay $0x1  }
0xa1: {  	s23 =	simm.s32 $0x1B8B  }
0xa2: {  	_ =	swait.ge [sflag:s23], $0x1  }
0xa3: {  	[sflag:s23] =	ssyncset.done $0x0  }
0xa4: {  	s25 =	simm.s32 $0x1B8E;
	s24 =	sld [smem:$0x3FFE];
	[sflag:s23] =	ssyncadd.s32 $0xFFFFFFFF  }
0xa5: {  	s26 =	simm.s32 $execute0_lowered;
	[smem:$0x3FD2] =	sst s25  }
0xa6: {  	s5 =	sshll.u32 s26, $0x1;
	_ =	strace $0x8000004C;
	[dreg:$0x1] =	wrdreg $0xFFFFFFFF  }
0xa7: {  	s28 =	simm.s32 $_size_execute0_lowered;
	s3 =	sadd.s32 s3, s5;
	[dreg:$0x0] =	wrdreg $0x0  }
0xa8: {  	s5 =	sshll.u32 s28, $0x1;
	[dreg:$0x2] =	wrdreg s3  }
0xa9: {  	[dreg:$0x3] =	wrdreg s5  }
0xaa: {  	[dreg:$0x4] =	wrdreg $0xC0  }
0xab: {  	_ =	task [dreg:s7], $0x5FFFF  }
0xac: {  	[dreg:$0x1] =	wrdreg $0xFFFFFFFF  }
0xad: {  	[dreg:$0x0] =	wrdreg $0x60  }
0xae: {  	[dreg:$0x2] =	wrdreg s2  }
0xaf: {  	[dreg:$0x3] =	wrdreg s24  }
0xb0: {  	[dreg:$0x4] =	wrdreg $0x140000  }
0xb1: {  	[dreg:$0x5] =	wrdreg $0x9  }
0xb2: {  	_ =	task.clear_ibuf [dreg:s7], $0x6FFFF;
	_ =	strace $0x9000004C  }
0xb3: {  	s29 =	simm.s32 $0x9;
	_ =	strace $0x8000004E  }
0xb4: {  	_ =	swait.ge [sflag:s29], $0x1  }
0xb5: {  	[sflag:s29] =	ssyncadd.s32 $0xFFFFFFFF  }
0xb6: {  	_ =	strace $0x9000004E  }
0xb7: {  	_ =	sfence  }
0xb8: {  	s30 =	sld [smem:$0x0];
	_ =	sdelay $0x2  }
0xb9: {  	s31 =	sshll.u32 s1, $0xD;
	s1 =	sshrl.u32 s1, $0x2  }
0xba: {  	s3 =	sand.u32 $0x4000, s31;
	s1 =	sadd.s32 s1, s30  }
0xbb: {  	s0 =	sor.u32 s3, s0;
	s1 =	sshll.u32 s1, $0x11  }
0xbc: {  	s0 =	sor.u32 s1, s0  }
0xbd: {  	s0 =	sadd.s32 $0x8F2B, s0  }
0xbe: {  	[sflag:s0] =	ssyncadd.remote.s32 $0x1  }
0xbf: {  	_ =	sfence.sel $0xFFFF  }
0xc0: {  	[dreg:$0x0] =	wrdreg $0xFFFFFFFF;
	(pc) =	sbr.abs _section_cstart, $3  }
0xc1: {  	[dreg:$0x1] =	wrdreg $0xFFFFFFFF  }
0xc2: {  	_ =	task.clear_ibuf [dreg:s7], $0x2FFFF;
	_ =	strace $0x9FFFFFFF  }
0xc3: {  	(tm) =	ssettm $0x7FFFFFFF  }
tec
execute0_lowered:
.L_overlay_start_1:
0x0: {  	(tag) =	ssettag $0x1  }
0x1: {  	s0 =	rddreg [dreg:$0x0]  }
0x2: {  	s1 =	rddreg [dreg:$0x1]  }
0x3: {  	s8 =	stileid.u32;
	s3 =	srdreg.scid  }
0x4: {  	s2 =	rddreg [dreg:$0x2];
	s14 =	simm.s32 $0x12000;
	s15 =	simm.s32 $0x5  }
0x5: {  	s16 =	simm.s32 $0x5000;
	s17 =	simm.s32 $0x80;
	s18 =	simm.s32 $0xA000  }
0x6: {  	s19 =	simm.s32 $0xC000;
	s21 =	simm.s32 $0xE000;
	s22 =	simm.s32 $0x1  }
0x7: {  	s23 =	simm.s32 $0x180;
	s24 =	simm.s32 $0x10000;
	s4 =	smul.u32 $0xA000, s8  }
0x8: {  	s28 =	simm.s32 $0x3;
	s29 =	simm.s32 $0x4;
	s6 =	smul.u32 $0xA00, s8  }
0x9: {  	s30 =	simm.s32 $0x9F00;
	s7 =	sand.u32 $0x1, s3;
	s8 =	smul.u32 $0x28000, s8  }
0xa: {  	s31 =	simm.s32 $0x9F80;
	s3 =	simm.s32 $0x0;
	s5 =	smul.u32 $0xA0000, s7  }
0xb: {  	[smem:$0x7FF] =	sst s3;
	s25 =	ssub.s32 $0x2, s7;
	s11 =	smul.u32 $0x13880, s7  }
0xc: {  	_ =	strace $0x8000004D;
	s10 =	sadd.s32 s6, s1;
	s26 =	sshrl.u32 s25, $0x1  }
0xd: {  	s8 =	sshrl.u32 s8, $0x2;
	s5 =	sadd.s32 s4, s5;
	s13 =	ssub.s32 s25, s26  }
0xe: {  	s4 =	sadd.s32 s4, s2;
	s8 =	sadd.s32 s8, s2;
	s9 =	sadd.s32 $0xB800, s10  }
0xf: {  	s10 =	sadd.s32 $0x1800, s10;
	s11 =	sadd.s32 s0, s11;
	s25 =	simm.s32 $0x2  }
0x10: {  	s26 =	simm.s32 $0x5080;
	s5 =	sshrl.u32 s5, $0x3;
	s6 =	sadd.s32 $0x4000, s8  }
0x11: {  	s7 =	sadd.s32 $0x6000, s8;
	s13 =	smax.u32 s13, $0x1;
	s1 =	sadd.s32 s5, s1  }
0x12: {  	v0 =	vimm.f32 $0.0e+00;
	s5 =	sadd.s32 $0x2000, s8;
	s8 =	sadd.s32 $0x8000, s8;
	s12 =	sadd.s32 $0x15800, s1  }
.LBB2_1:
0x13: {  	s1 =	simm.s32 $0x100;
	s0 =	simm.s32 $0x0  }
.LBB2_2:
0x14: {  	p0 =	sne.s32 s1, $0x7F00;
	[tilespmem:s0+$0x12030] =	vst v0;
	s20 =	smov.u32 s1;
	s1 =	sadd.s32 $0x100, s1  }
.Ltmp0:
0x15: {  	[tilespmem:s0+$0x12020] =	vst v0;
	(pc) =	sbr.rel @p0 .LBB2_2-.Ltmp0, $3  }
0x16: {  	[tilespmem:s0+$0x12000] =	vst v0  }
0x17: {  	[tilespmem:s0+$0x12010] =	vst v0;
	_ =	sdelay $0x1  }
0x18: {  	s0 =	sshra.s32 s20, $0x2  }
0x19: {  	[tilespmem:s0+$0x12030] =	vst v0  }
0x1a: {  	[tilespmem:s0+$0x12020] =	vst v0  }
0x1b: {  	[tilespmem:s0+$0x12000] =	vst v0  }
0x1c: {  	[tilespmem:s0+$0x12010] =	vst v0  }
0x1d: {  	[spmem:s4] =	stream.linear.scatter [tilespmem:s14], [sflag:$0x5], $0x2000, $0x38;
	[tilespmem:$0x1E000] =	vst v63  }
0x1e: {  	_ =	swait.ge [sflag:s15], $0x2000  }
0x1f: {  	[sflag:s15] =	ssyncset.done $0x0  }
0x20: {  	[sflag:s15] =	ssyncadd.s32 $0xFFFFE000  }
0x21: {  	[spmem:s5] =	stream.linear.scatter [tilespmem:s14], [sflag:$0x5], $0x2000, $0x38;
	[tilespmem:$0x1E000] =	vst v63  }
0x22: {  	_ =	swait.ge [sflag:s15], $0x2000  }
0x23: {  	[sflag:s15] =	ssyncset.done $0x0  }
0x24: {  	[sflag:s15] =	ssyncadd.s32 $0xFFFFE000  }
0x25: {  	[spmem:s6] =	stream.linear.scatter [tilespmem:s14], [sflag:$0x5], $0x2000, $0x38;
	[tilespmem:$0x1E000] =	vst v63  }
0x26: {  	_ =	swait.ge [sflag:s15], $0x2000  }
0x27: {  	[sflag:s15] =	ssyncset.done $0x0  }
0x28: {  	[sflag:s15] =	ssyncadd.s32 $0xFFFFE000  }
0x29: {  	[spmem:s7] =	stream.linear.scatter [tilespmem:s14], [sflag:$0x5], $0x2000, $0x38;
	[tilespmem:$0x1E000] =	vst v63  }
0x2a: {  	_ =	swait.ge [sflag:s15], $0x2000  }
0x2b: {  	[sflag:s15] =	ssyncset.done $0x0  }
0x2c: {  	[sflag:s15] =	ssyncadd.s32 $0xFFFFE000  }
0x2d: {  	[spmem:s8] =	stream.linear.scatter [tilespmem:s14], [sflag:$0x5], $0x2000, $0x38;
	[tilespmem:$0x1E000] =	vst v63  }
0x2e: {  	_ =	swait.ge [sflag:s15], $0x2000  }
0x2f: {  	[sflag:s15] =	ssyncset.done $0x0  }
0x30: {  	s20 =	simm.s32 $0x0;
	[sflag:s15] =	ssyncadd.s32 $0xFFFFE000  }
0x31: {  	[tilespmem:s20], [sflag:$0x5] =	stream.linear.gather [hbm4b:s9+s20], $0x5000, $0x38;
	[tilespmem:$0x1E000] =	vst v63  }
0x32: {  	_ =	swait.ge [sflag:s15], $0x5000  }
0x33: {  	[sflag:s15] =	ssyncset.done $0x0  }
0x34: {  	[sflag:s15] =	ssyncadd.s32 $0xFFFFB000  }
0x35: {  	[tilespmem:s16], [sflag:$0x5] =	stream.linear.gather [hbm4b:s10+s20], $0x5000, $0x38;
	[tilespmem:$0x1E000] =	vst v63  }
0x36: {  	_ =	swait.ge [sflag:s15], $0x5000  }
0x37: {  	[sflag:s15] =	ssyncset.done $0x0  }
0x38: {  	[sflag:s15] =	ssyncadd.s32 $0xFFFFB000  }
0x39: {  	[bflag:$0x0] =	sbarrier.arrive $0xFFFF  }
0x3a: {  	[tilespmem:s18], [sflag:$0x1] =	stream.indirect.gather [hbm4b:s11+s17], $0x40, s20, s17, $0xb8;
	[tilespmem:$0x1E000] =	vst v63  }
0x3b: {  	_ = 	snop  }
0x3c: {  	[tilespmem:s19], [sflag:$0x2] =	stream.indirect.gather [hbm4b:s11+s17], $0x40, s17, s17, $0xb8;
	[tilespmem:$0x1E000] =	vst v63  }
0x3d: {  	s1 =	simm.s32 $0x100  }
0x3e: {  	[tilespmem:s21], [sflag:$0x3] =	stream.indirect.gather [hbm4b:s11+s17], $0x40, s1, s17, $0xb8;
	[tilespmem:$0x1E000] =	vst v63  }
0x3f: {  	_ =	swait.ge [sflag:s22], $0x2000  }
0x40: {  	[sflag:s22] =	ssyncset.done $0x0  }
0x41: {  	[sflag:s22] =	ssyncadd.s32 $0xFFFFE000  }
0x42: {  	[spmem:s2] =	stream.indirect.scatter.add.f32 [tilespmem:s18], [sflag:$0x1], $0x40, s16, s17, $0xb8;
	[tilespmem:$0x1E000] =	vst v63  }
0x43: {  	_ = 	snop  }
0x44: {  	[tilespmem:s24], [sflag:$0x4] =	stream.indirect.gather [hbm4b:s11+s17], $0x40, s23, s17, $0xb8;
	[tilespmem:$0x1E000] =	vst v63  }
0x45: {  	_ =	swait.ge [sflag:s25], $0x2000  }
0x46: {  	[sflag:s25] =	ssyncset.done $0x0  }
0x47: {  	[sflag:s25] =	ssyncadd.s32 $0xFFFFE000  }
0x48: {  	[spmem:s2] =	stream.indirect.scatter.add.f32 [tilespmem:s19], [sflag:$0x2], $0x40, s26, s17, $0xb8;
	[tilespmem:$0x1E000] =	vst v63  }
0x49: {  	_ =	swait.ge [sflag:s22], $0x2000  }
0x4a: {  	[sflag:s22] =	ssyncset.done $0x0  }
0x4b: {  	s20 =	simm.s32 $0x200;
	[sflag:s22] =	ssyncadd.s32 $0xFFFFE000  }
0x4c: {  	[tilespmem:s18], [sflag:$0x1] =	stream.indirect.gather [hbm4b:s11+s17], $0x40, s20, s17, $0xb8;
	[tilespmem:$0x1E000] =	vst v63  }
0x4d: {  	_ =	swait.ge [sflag:s28], $0x2000  }
0x4e: {  	[sflag:s28] =	ssyncset.done $0x0  }
0x4f: {  	s1 =	simm.s32 $0x5100;
	[sflag:s28] =	ssyncadd.s32 $0xFFFFE000  }
0x50: {  	[spmem:s2] =	stream.indirect.scatter.add.f32 [tilespmem:s21], [sflag:$0x3], $0x40, s1, s17, $0xb8;
	[tilespmem:$0x1E000] =	vst v63  }
0x51: {  	_ =	swait.ge [sflag:s25], $0x2000  }
0x52: {  	[sflag:s25] =	ssyncset.done $0x0  }
0x53: {  	s20 =	simm.s32 $0x280;
	[sflag:s25] =	ssyncadd.s32 $0xFFFFE000  }
0x54: {  	[tilespmem:s19], [sflag:$0x2] =	stream.indirect.gather [hbm4b:s11+s17], $0x40, s20, s17, $0xb8;
	[tilespmem:$0x1E000] =	vst v63  }
0x55: {  	_ =	swait.ge [sflag:s29], $0x2000  }
0x56: {  	[sflag:s29] =	ssyncset.done $0x0  }
0x57: {  	s1 =	simm.s32 $0x5180;
	[sflag:s29] =	ssyncadd.s32 $0xFFFFE000  }
0x58: {  	[spmem:s2] =	stream.indirect.scatter.add.f32 [tilespmem:s24], [sflag:$0x4], $0x40, s1, s17, $0xb8;
	[tilespmem:$0x1E000] =	vst v63  }
0x59: {  	_ =	swait.ge [sflag:s28], $0x2000  }
0x5a: {  	[sflag:s28] =	ssyncset.done $0x0  }
0x5b: {  	s20 =	simm.s32 $0x300;
	[sflag:s28] =	ssyncadd.s32 $0xFFFFE000  }
0x5c: {  	[tilespmem:s21], [sflag:$0x3] =	stream.indirect.gather [hbm4b:s11+s17], $0x40, s20, s17, $0xb8;
	[tilespmem:$0x1E000] =	vst v63  }
0x5d: {  	_ =	swait.ge [sflag:s22], $0x2000  }
0x5e: {  	[sflag:s22] =	ssyncset.done $0x0  }
0x5f: {  	s1 =	simm.s32 $0x5200;
	[sflag:s22] =	ssyncadd.s32 $0xFFFFE000  }
0x60: {  	[spmem:s2] =	stream.indirect.scatter.add.f32 [tilespmem:s18], [sflag:$0x1], $0x40, s1, s17, $0xb8;
	[tilespmem:$0x1E000] =	vst v63  }
0x61: {  	_ =	swait.ge [sflag:s29], $0x2000  }
0x62: {  	[sflag:s29] =	ssyncset.done $0x0  }
0x63: {  	s20 =	simm.s32 $0x380;
	[sflag:s29] =	ssyncadd.s32 $0xFFFFE000  }
0x64: {  	[tilespmem:s24], [sflag:$0x4] =	stream.indirect.gather [hbm4b:s11+s17], $0x40, s20, s17, $0xb8;
	[tilespmem:$0x1E000] =	vst v63  }
0x65: {  	_ =	swait.ge [sflag:s25], $0x2000  }
0x66: {  	[sflag:s25] =	ssyncset.done $0x0  }
0x67: {  	s0 =	simm.s32 $0x5280;
	s1 =	simm.s32 $0x800;
	[sflag:s25] =	ssyncadd.s32 $0xFFFFE000  }
.LBB2_4:
0x68: {  	[spmem:s2] =	stream.indirect.scatter.add.f32 [tilespmem:s19], [sflag:$0x2], $0x40, s0, s17, $0xb8;
	[tilespmem:$0x1E000] =	vst v63  }
0x69: {  	s0 =	smov.u32 s1  }
0x6a: {  	p0 =	sne.s32 s1, $0x13000;
	s1 =	sadd.s32 $0x800, s1;
	_ =	swait.ge [sflag:s22], $0x2000  }
0x6b: {  	s0 =	sshra.s32 s0, $0x2;
	[sflag:s22] =	ssyncset.done $0x0  }
0x6c: {  	s20 =	sadd.s32 $0x200, s0;
	[sflag:s22] =	ssyncadd.s32 $0xFFFFE000  }
0x6d: {  	[tilespmem:s18], [sflag:$0x1] =	stream.indirect.gather [hbm4b:s11+s17], $0x40, s20, s17, $0xb8;
	[tilespmem:$0x1E000] =	vst v63  }
0x6e: {  	_ =	swait.ge [sflag:s28], $0x2000  }
0x6f: {  	[sflag:s28] =	ssyncset.done $0x0  }
0x70: {  	s20 =	sadd.s32 $0x5100, s0;
	[sflag:s28] =	ssyncadd.s32 $0xFFFFE000  }
0x71: {  	[spmem:s2] =	stream.indirect.scatter.add.f32 [tilespmem:s21], [sflag:$0x3], $0x40, s20, s17, $0xb8;
	[tilespmem:$0x1E000] =	vst v63  }
0x72: {  	_ =	swait.ge [sflag:s25], $0x2000  }
0x73: {  	[sflag:s25] =	ssyncset.done $0x0  }
0x74: {  	s20 =	sadd.s32 $0x280, s0;
	[sflag:s25] =	ssyncadd.s32 $0xFFFFE000  }
0x75: {  	[tilespmem:s19], [sflag:$0x2] =	stream.indirect.gather [hbm4b:s11+s17], $0x40, s20, s17, $0xb8;
	[tilespmem:$0x1E000] =	vst v63  }
0x76: {  	_ =	swait.ge [sflag:s29], $0x2000  }
0x77: {  	[sflag:s29] =	ssyncset.done $0x0  }
0x78: {  	s20 =	sadd.s32 $0x5180, s0;
	[sflag:s29] =	ssyncadd.s32 $0xFFFFE000  }
0x79: {  	[spmem:s2] =	stream.indirect.scatter.add.f32 [tilespmem:s24], [sflag:$0x4], $0x40, s20, s17, $0xb8;
	[tilespmem:$0x1E000] =	vst v63  }
0x7a: {  	_ =	swait.ge [sflag:s28], $0x2000  }
0x7b: {  	[sflag:s28] =	ssyncset.done $0x0  }
0x7c: {  	s20 =	sadd.s32 $0x300, s0;
	[sflag:s28] =	ssyncadd.s32 $0xFFFFE000  }
0x7d: {  	[tilespmem:s21], [sflag:$0x3] =	stream.indirect.gather [hbm4b:s11+s17], $0x40, s20, s17, $0xb8;
	[tilespmem:$0x1E000] =	vst v63  }
0x7e: {  	_ =	swait.ge [sflag:s22], $0x2000  }
0x7f: {  	[sflag:s22] =	ssyncset.done $0x0  }
0x80: {  	s20 =	sadd.s32 $0x5200, s0;
	[sflag:s22] =	ssyncadd.s32 $0xFFFFE000  }
0x81: {  	[spmem:s2] =	stream.indirect.scatter.add.f32 [tilespmem:s18], [sflag:$0x1], $0x40, s20, s17, $0xb8;
	[tilespmem:$0x1E000] =	vst v63  }
0x82: {  	_ =	swait.ge [sflag:s29], $0x2000  }
0x83: {  	[sflag:s29] =	ssyncset.done $0x0  }
.Ltmp1:
0x84: {  	s20 =	sadd.s32 $0x380, s0;
	[sflag:s29] =	ssyncadd.s32 $0xFFFFE000;
	(pc) =	sbr.rel @p0 .LBB2_4-.Ltmp1, $4  }
0x85: {  	[tilespmem:s24], [sflag:$0x4] =	stream.indirect.gather [hbm4b:s11+s17], $0x40, s20, s17, $0xb8;
	[tilespmem:$0x1E000] =	vst v63  }
0x86: {  	_ =	swait.ge [sflag:s25], $0x2000  }
0x87: {  	[sflag:s25] =	ssyncset.done $0x0  }
0x88: {  	s0 =	sadd.s32 $0x5280, s0;
	[sflag:s25] =	ssyncadd.s32 $0xFFFFE000  }
0x89: {  	[spmem:s2] =	stream.indirect.scatter.add.f32 [tilespmem:s19], [sflag:$0x2], $0x40, s0, s17, $0xb8;
	[tilespmem:$0x1E000] =	vst v63  }
0x8a: {  	_ =	swait.ge [sflag:s22], $0x2000  }
0x8b: {  	[sflag:s22] =	ssyncset.done $0x0  }
0x8c: {  	[sflag:s22] =	ssyncadd.s32 $0xFFFFE000  }
0x8d: {  	_ =	swait.ge [sflag:s28], $0x2000  }
0x8e: {  	[sflag:s28] =	ssyncset.done $0x0  }
0x8f: {  	[sflag:s28] =	ssyncadd.s32 $0xFFFFE000  }
0x90: {  	[spmem:s2] =	stream.indirect.scatter.add.f32 [tilespmem:s21], [sflag:$0x3], $0x40, s30, s17, $0xb8;
	[tilespmem:$0x1E000] =	vst v63  }
0x91: {  	_ =	swait.ge [sflag:s25], $0x2000  }
0x92: {  	[sflag:s25] =	ssyncset.done $0x0  }
0x93: {  	[sflag:s25] =	ssyncadd.s32 $0xFFFFE000  }
0x94: {  	_ =	swait.ge [sflag:s29], $0x2000  }
0x95: {  	[sflag:s29] =	ssyncset.done $0x0  }
0x96: {  	[sflag:s29] =	ssyncadd.s32 $0xFFFFE000  }
0x97: {  	[spmem:s2] =	stream.indirect.scatter.add.f32 [tilespmem:s24], [sflag:$0x4], $0x40, s31, s17, $0xb8;
	[tilespmem:$0x1E000] =	vst v63  }
0x98: {  	_ =	swait.ge [sflag:s28], $0x2000  }
0x99: {  	[sflag:s28] =	ssyncset.done $0x0  }
0x9a: {  	[sflag:s28] =	ssyncadd.s32 $0xFFFFE000  }
0x9b: {  	s20 =	stileid.u32;
	_ =	swait.ge [sflag:s29], $0x2000  }
0x9c: {  	s1 =	sshrl.u32 s4, $0x3;
	s3 =	sadd.s32 $0x1, s3;
	[sflag:s29] =	ssyncset.done $0x0  }
0x9d: {  	s0 =	sshll.u32 s20, $0x6;
	p0 =	sne.s32 s3, s13;
	[sflag:s29] =	ssyncadd.s32 $0xFFFFE000  }
.Ltmp2:
0x9e: {  	s0 =	sor.u32 $0x1C05, s0;
	[bflag:$0x0] =	sbarrier.arrive $0xFFFF;
	(pc) =	sbr.rel @p0 .LBB2_1-.Ltmp2, $4  }
0x9f: {  	[hbm:s12], [sflag:s0] =	dma.local [spmem:s1], $0x1400  }
0xa0: {  	_ =	swait.ge [sflag:s15], $0x1400  }
0xa1: {  	[sflag:s15] =	ssyncset.done $0x0  }
0xa2: {  	[sflag:s15] =	ssyncadd.s32 $0xFFFFEC00  }
0xa3: {  	_ =	sfence.sel $0x180000  }
0xa4: {  	[bflag:$0x0] =	sbarrier.arrive $0xFFFF  }
0xa5: {  	_ =	strace $0x9000004D  }
0xa6: {  	s0 =	stileid.u32;
	[bflag:$0x2] =	sbarrier.arrive $0xFFFF  }
0xa7: {  	p0 =	sne.s32 s0, $0x0;
	s0 =	rddreg [dreg:$0x3]  }
0xa8: {  	s0 =	sadd.s32 @!p0 $0x100000, s0  }
0xa9: {  	[sflag:s0] =	ssyncadd.tile.s32 @!p0 $0x1;
	_ =	shalt  }
.Lfunc_end2:
_tile_overlayer_lowered:
.L_overlay_start_2:
0xaa: {  	(tag) =	ssettag $0x2  }
0xab: {  	s0 =	rddreg [dreg:$0x0];
	s2 =	stileid.u32  }
0xac: {  	s1 =	rddreg [dreg:$0x1];
	p0 =	sne.s32 s2, $0x0  }
0xad: {  	s3 =	rddreg [dreg:$0x2];
	[bflag:$0x3] =	sbarrier.arrive $0xFFFF;
	s2 =	simm.s32 @!p0 $0x1C05  }
0xae: {  	[timem:s3], [sflag:s2] =	dma.local @!p0 [hbm:s0], s1  }
0xaf: {  	s0 =	simm.s32 @!p0 $0x5  }
0xb0: {  	_ =	swait.ge @!p0 [sflag:s0], s1  }
0xb1: {  	s1 =	ssub.s32 @!p0 $0x0, s1;
	[sflag:s0] =	ssyncset.done @!p0 $0x0  }
0xb2: {  	[sflag:s0] =	ssyncadd.s32 @!p0 s1  }
0xb3: {  	[bflag:$0x3] =	sbarrier.arrive $0xFFFF  }
0xb4: {  	_ =	shalt  }

// kernel: kernel.8.cloned.1.call-start
scs
__scs_entry_jumppad:
0x0: {  	(pc) =	sbr.rel $0x88, $3  }
0x1: {  	(tag) =	ssettag $0x0;
	lr =	simm.s32 $0x1  }
0x2: {  	[smem:$0x3F9B] =	sst lr;
	_ =	strace $0xD0000000  }
0x3: {  	_ = 	snop  }
0x4: {  	_ = 	snop  }
0x5: {  	_ = 	snop  }
0x6: {  	_ = 	snop  }
0x7: {  	_ = 	snop  }
__scs_overlays_trampoline_lowered:
0x8: {  	[smem:$0x3FAA] =	sst s0  }
0x9: {  	[smem:$0x3FAB] =	sst s1  }
0xa: {  	[smem:$0x3FAC] =	sst s2  }
0xb: {  	[smem:$0x3FAD] =	sst s3  }
0xc: {  	[smem:$0x3FAE] =	sst s4  }
0xd: {  	[smem:$0x3FAF] =	sst s5  }
0xe: {  	[smem:$0x3FB0] =	sst s6  }
0xf: {  	[smem:$0x3FB1] =	sst s7  }
0x10: {  	[smem:$0x3FB2] =	sst s8  }
0x11: {  	[smem:$0x3FB3] =	sst s9;
	s0 =	simm.s32 @!p0 $0x0  }
0x12: {  	s1 =	sld [smem:$0x3F99];
	s0 =	simm.s32 @p0 $0x1  }
0x13: {  	[smem:$0x3FB4] =	sst s0;
	s0 =	simm.s32 @!p1 $0x0  }
0x14: {  	s2 =	sld [smem:$0x3F98];
	s0 =	simm.s32 @p1 $0x1  }
0x15: {  	[smem:$0x3FB5] =	sst s0;
	s0 =	simm.s32 @!p2 $0x0  }
0x16: {  	s3 =	sld [smem:$0x3FDB];
	s0 =	simm.s32 @p2 $0x1  }
0x17: {  	s4 =	simm.s32 $0x1BF5;
	[smem:$0x3FB7] =	sst s0  }
0x18: {  	s0 =	sld [smem:$0x3F9A];
	_ =	swait.ge [sflag:s4], $0x0  }
0x19: {  	s7 =	sld [smem:$0x3F9B]  }
0x1a: {  	s8 =	sadd.s32 $0xFFFFE003, lr  }
0x1b: {  	s9 =	sadd.s32 $0xFFFFFEF7, lr;
	s5 =	simm.s32 $0xFFFFFFFF;
	p2 =	slt.u32 s8, $0xFFFFF086  }
0x1c: {  	p1 =	slt.u32 s9, $0xF7A;
	s5 =	simm.s32 @!p2 $0x0  }
0x1d: {  	s5 =	simm.s32 @p1 $0x1;
	p0 =	seq.s32 s7, s2  }
0x1e: {  	s7 =	smul.u32 @!p0 $0xF7A, s2;
	p2 =	seq.s32 @!p0 s5, $0x0  }
0x1f: {  	s9 =	smul.u32 $0xF7A, s1;
	s8 =	simm.s32 @!p0 $0x1BF5;
	p2 =	por !p2, p0  }
0x20: {  	[sflag:s8] =	ssyncset.s32 @!p0 $0xFFFFF086;
	s6 =	sadd.s32 @!p0 s3, s7;
	s7 =	simm.s32 @!p0 $0x108  }
0x21: {  	s3 =	sadd.s32 s3, s9;
	s6 =	sadd.s32 @!p0 $0x88, s6;
	s7 =	simm.s32 @p2 $0x1082  }
0x22: {  	[simem:s7], [sflag:s8] =	dma.local @!p0 [hbm:s6], $0xF7A  }
0x23: {  	s9 =	sor.u32 $0xD0000000, s2;
	s6 =	simm.s32 $0x108;
	_ =	swait.ge @!p0 [sflag:s8], $0x0  }
0x24: {  	s3 =	sadd.s32 $0x88, s3;
	s6 =	simm.s32 @!p1 $0x1082;
	[sflag:s4] =	ssyncset.s32 $0xFFFFF086  }
0x25: {  	[simem:s6], [sflag:s4] =	dma.local [hbm:s3], $0xF7A  }
0x26: {  	[smem:$0x3F9B] =	sst s1;
	(tag) =	ssettag s2;
	_ =	strace s9  }
0x27: {  	s1 =	sld [smem:$0x3FAB]  }
0x28: {  	s2 =	sld [smem:$0x3FAC]  }
0x29: {  	s4 =	sld [smem:$0x3FAE]  }
0x2a: {  	p0 =	seq.s32 s5, $0x0;
	s5 =	sld [smem:$0x3FAF]  }
0x2b: {  	s6 =	sld [smem:$0x3FB0]  }
0x2c: {  	s7 =	sld [smem:$0x3FB1]  }
0x2d: {  	s3 =	simm.s32 $0x108;
	s8 =	sld [smem:$0x3FB2]  }
0x2e: {  	s3 =	simm.s32 @!p0 $0x1082;
	s9 =	sld [smem:$0x3FB3]  }
0x2f: {  	lr =	sadd.s32 s0, s3;
	s0 =	sld [smem:$0x3FAA]  }
0x30: {  	s3 =	sld [smem:$0x3FAD]  }
0x31: {  	[smem:$0x3FB6] =	sst s10  }
0x32: {  	s10 =	sld [smem:$0x3FB4];
	_ =	sdelay $0x3  }
0x33: {  	p0 =	seq.s32 s10, $0x1;
	s10 =	sld [smem:$0x3FB6];
	_ =	sdelay $0x3  }
0x34: {  	[smem:$0x3FB6] =	sst s10  }
0x35: {  	s10 =	sld [smem:$0x3FB5];
	_ =	sdelay $0x3  }
0x36: {  	p1 =	seq.s32 s10, $0x1;
	s10 =	sld [smem:$0x3FB6];
	_ =	sdelay $0x3  }
0x37: {  	[smem:$0x3FB6] =	sst s10  }
0x38: {  	s10 =	sld [smem:$0x3FB7]  }
0x39: {  	_ = 	snop;
	(pc) =	sbr.ind lr, $3  }
0x3a: {  	_ = 	snop  }
0x3b: {  	_ = 	snop  }
0x3c: {  	p2 =	seq.s32 s10, $0x1;
	s10 =	sld [smem:$0x3FB6]  }
0x3d: {  	_ =	shalt  }
0x3e: {  	_ =	shalt  }
0x3f: {  	_ =	shalt  }
0x40: {  	_ =	shalt  }
0x41: {  	_ =	shalt  }
0x42: {  	_ =	shalt  }
0x43: {  	_ =	shalt  }
0x44: {  	_ =	shalt  }
0x45: {  	_ =	shalt  }
0x46: {  	_ =	shalt  }
0x47: {  	_ =	shalt  }
0x48: {  	_ =	shalt  }
0x49: {  	_ =	shalt  }
0x4a: {  	_ =	shalt  }
0x4b: {  	_ =	shalt  }
0x4c: {  	_ =	shalt  }
0x4d: {  	_ =	shalt  }
0x4e: {  	_ =	shalt  }
0x4f: {  	_ =	shalt  }
0x50: {  	_ =	shalt  }
0x51: {  	_ =	shalt  }
0x52: {  	_ =	shalt  }
0x53: {  	_ =	shalt  }
0x54: {  	_ =	shalt  }
0x55: {  	_ =	shalt  }
0x56: {  	_ =	shalt  }
0x57: {  	_ =	shalt  }
0x58: {  	_ =	shalt  }
0x59: {  	_ =	shalt  }
0x5a: {  	_ =	shalt  }
0x5b: {  	_ =	shalt  }
0x5c: {  	_ =	shalt  }
0x5d: {  	_ =	shalt  }
0x5e: {  	_ =	shalt  }
0x5f: {  	_ =	shalt  }
0x60: {  	_ =	shalt  }
0x61: {  	_ =	shalt  }
0x62: {  	_ =	shalt  }
0x63: {  	_ =	shalt  }
0x64: {  	_ =	shalt  }
0x65: {  	_ =	shalt  }
0x66: {  	_ =	shalt  }
0x67: {  	_ =	shalt  }
0x68: {  	_ =	shalt  }
0x69: {  	_ =	shalt  }
0x6a: {  	_ =	shalt  }
0x6b: {  	_ =	shalt  }
0x6c: {  	_ =	shalt  }
0x6d: {  	_ =	shalt  }
0x6e: {  	_ =	shalt  }
0x6f: {  	_ =	shalt  }
0x70: {  	_ =	shalt  }
0x71: {  	_ =	shalt  }
0x72: {  	_ =	shalt  }
0x73: {  	_ =	shalt  }
0x74: {  	_ =	shalt  }
0x75: {  	_ =	shalt  }
0x76: {  	_ =	shalt  }
0x77: {  	_ =	shalt  }
0x78: {  	_ =	shalt  }
0x79: {  	_ =	shalt  }
0x7a: {  	_ =	shalt  }
0x7b: {  	_ =	shalt  }
0x7c: {  	_ =	shalt  }
0x7d: {  	_ =	shalt  }
0x7e: {  	_ =	shalt  }
0x7f: {  	_ =	shalt  }
0x80: {  	_ =	shalt  }
0x81: {  	_ =	shalt  }
0x82: {  	_ =	shalt  }
0x83: {  	_ =	shalt  }
0x84: {  	_ =	shalt  }
0x85: {  	_ =	shalt  }
0x86: {  	_ =	shalt  }
0x87: {  	_ =	shalt  }
.Lfunc_end0:
.L_simem_size_0:
called_computation_lowered:
.L_overlay_start_0:
0x88: {  	s2 =	sld [smem:$0x3FD9]  }
0x89: {  	s3 =	sld [smem:$0x3FFE];
	_ =	sdelay $0x1  }
0x8a: {  	s1 =	srdreg.scid  }
0x8b: {  	s0 =	sand.u32 $0x1, s1  }
0x8c: {  	s17 =	sshll.u32 s0, $0xA;
	s2 =	sadd.s32 s3, s2  }
0x8d: {  	s2 =	sadd.s32 s2, s17  }
0x8e: {  	[smem:$0x3FC2] =	sst s2  }
0x8f: {  	_ = 	snop  }
0x90: {  	s2 =	sld [smem:$0x3FD0];
	(tm) =	ssettm $0x1  }
0x91: {  	s18 =	sld [smem:$0x3FFB];
	_ =	sdelay $0x3  }
0x92: {  	_ =	strace s18  }
0x93: {  	s3 =	sld [smem:$0x3FFC];
	_ =	sdelay $0x3  }
0x94: {  	_ =	strace s3  }
0x95: {  	s3 =	sld [smem:$0x3FFD];
	_ =	sdelay $0x3  }
0x96: {  	_ =	strace s3  }
0x97: {  	_ =	strace $0x8FFFFFFF  }
0x98: {  	s19 =	sld [smem:$0x3FDB];
	_ =	sdelay $0x1  }
0x99: {  	s4 =	simm.s32 $_scs_section_size  }
0x9a: {  	s5 =	simm.s32 $_size__tile_overlayer_lowered;
	s6 =	simm.s32 $_tile_overlayer_lowered  }
0x9b: {  	s22 =	simm.s32 $0x1BFF;
	s21 =	sshll.u32 s6, $0x1;
	s3 =	sadd.s32 s4, s19  }
0x9c: {  	s7 =	simm.s32 $0x0;
	s20 =	sshll.u32 s5, $0x1;
	s5 =	sadd.s32 s21, s3  }
0x9d: {  	[timem:s7], [sflag:s22] =	dma.local [hbm:s5], s20  }
0x9e: {  	_ =	swait.ge [sflag:s22], s20  }
0x9f: {  	s4 =	ssub.s32 $0x0, s20;
	[sflag:s22] =	ssyncset.done $0x0  }
0xa0: {  	[sflag:s22] =	ssyncadd.s32 s4;
	_ =	sdelay $0x1  }
0xa1: {  	s23 =	simm.s32 $0x1B8B  }
0xa2: {  	_ =	swait.ge [sflag:s23], $0x1  }
0xa3: {  	[sflag:s23] =	ssyncset.done $0x0  }
0xa4: {  	s25 =	simm.s32 $0x1B8E;
	s24 =	sld [smem:$0x3FFE];
	[sflag:s23] =	ssyncadd.s32 $0xFFFFFFFF  }
0xa5: {  	s26 =	simm.s32 $execute0_lowered;
	[smem:$0x3FD2] =	sst s25  }
0xa6: {  	s5 =	sshll.u32 s26, $0x1;
	_ =	strace $0x80000046;
	[dreg:$0x1] =	wrdreg $0xFFFFFFFF  }
0xa7: {  	s28 =	simm.s32 $_size_execute0_lowered;
	s3 =	sadd.s32 s3, s5;
	[dreg:$0x0] =	wrdreg $0x0  }
0xa8: {  	s5 =	sshll.u32 s28, $0x1;
	[dreg:$0x2] =	wrdreg s3  }
0xa9: {  	[dreg:$0x3] =	wrdreg s5  }
0xaa: {  	[dreg:$0x4] =	wrdreg $0xC0  }
0xab: {  	_ =	task [dreg:s7], $0x5FFFF  }
0xac: {  	[dreg:$0x1] =	wrdreg $0xFFFFFFFF  }
0xad: {  	[dreg:$0x0] =	wrdreg $0x60  }
0xae: {  	[dreg:$0x2] =	wrdreg s24  }
0xaf: {  	[dreg:$0x3] =	wrdreg s2  }
0xb0: {  	[dreg:$0x4] =	wrdreg $0x38000  }
0xb1: {  	[dreg:$0x5] =	wrdreg $0x9  }
0xb2: {  	_ =	task.clear_ibuf [dreg:s7], $0x6FFFF;
	_ =	strace $0x90000046  }
0xb3: {  	s29 =	simm.s32 $0x9;
	_ =	strace $0x80000048  }
0xb4: {  	_ =	swait.ge [sflag:s29], $0x1  }
0xb5: {  	[sflag:s29] =	ssyncadd.s32 $0xFFFFFFFF  }
0xb6: {  	_ =	strace $0x90000048  }
0xb7: {  	_ =	sfence  }
0xb8: {  	s30 =	sld [smem:$0x0];
	_ =	sdelay $0x2  }
0xb9: {  	s31 =	sshll.u32 s1, $0xD;
	s1 =	sshrl.u32 s1, $0x2  }
0xba: {  	s3 =	sand.u32 $0x4000, s31;
	s1 =	sadd.s32 s1, s30  }
0xbb: {  	s0 =	sor.u32 s3, s0;
	s1 =	sshll.u32 s1, $0x11  }
0xbc: {  	s0 =	sor.u32 s1, s0  }
0xbd: {  	s0 =	sadd.s32 $0x8F2B, s0  }
0xbe: {  	[sflag:s0] =	ssyncadd.remote.s32 $0x1  }
0xbf: {  	_ =	sfence.sel $0xFFFF  }
0xc0: {  	[dreg:$0x0] =	wrdreg $0xFFFFFFFF;
	(pc) =	sbr.abs _section_cstart, $3  }
0xc1: {  	[dreg:$0x1] =	wrdreg $0xFFFFFFFF  }
0xc2: {  	_ =	task.clear_ibuf [dreg:s7], $0x2FFFF;
	_ =	strace $0x9FFFFFFF  }
0xc3: {  	(tm) =	ssettm $0x7FFFFFFF  }
tec
execute0_lowered:
.L_overlay_start_1:
0x0: {  	(tag) =	ssettag $0x1  }
0x1: {  	s1 =	srdreg.scid;
	s4 =	rddreg [dreg:$0x0]  }
0x2: {  	s0 =	stileid.u32;
	s10 =	rddreg [dreg:$0x1]  }
0x3: {  	s2 =	rddreg [dreg:$0x2];
	s3 =	simm.s32 $0x0;
	s6 =	smul.u32 $0x5000, s0  }
0x4: {  	s14 =	simm.s32 $0x80;
	s15 =	simm.s32 $0x2800;
	s26 =	smul.u32 $0xA000, s0  }
0x5: {  	s5 =	sand.u32 $0x1, s1;
	s1 =	rddreg [dreg:$0x3];
	s8 =	smul.u32 $0x2800, s0  }
0x6: {  	[smem:$0x7FF] =	sst s3;
	s16 =	sshll.u32 s0, $0x6;
	s7 =	smul.u32 $0x2800, s5  }
0x7: {  	_ =	strace $0x80000047;
	s28 =	ssub.s32 $0x2, s5;
	s12 =	smul.u32 $0x28000, s5  }
0x8: {  	s16 =	sor.u32 $0x1C01, s16;
	s29 =	sshrl.u32 s26, $0x2;
	s30 =	sshrl.u32 s28, $0x1  }
0x9: {  	s6 =	sadd.s32 s7, s6;
	s11 =	sadd.s32 s29, s2;
	s13 =	ssub.s32 s28, s30  }
0xa: {  	s12 =	sadd.s32 s8, s12;
	s6 =	sshrl.u32 s6, $0x3;
	s5 =	sadd.s32 $0x800, s11  }
0xb: {  	s7 =	sadd.s32 $0x1800, s11;
	s31 =	sshrl.u32 s12, $0x3;
	s12 =	simm.s32 $0x3000  }
0xc: {  	s9 =	sadd.s32 s6, s4;
	s4 =	sadd.s32 s8, s2;
	s6 =	sadd.s32 $0x1000, s11  }
0xd: {  	s8 =	sadd.s32 $0x2000, s11;
	s10 =	sadd.s32 s10, s31;
	s11 =	smax.u32 s13, $0x1  }
0xe: {  	v0 =	vimm.f32 $0.0e+00;
	v1 =	vimm.f32 $1.000000000e+00;
	s13 =	simm.s32 $0x1;
	s9 =	sadd.s32 $0x1800, s9;
	s17 =	sshrl.u32 s4, $0x3  }
.LBB2_1:
0xf: {  	s18 =	simm.s32 $0x0  }
.LBB2_2:
0x10: {  	p0 =	sne.s32 s18, $0x1FC0  }
.Ltmp0:
0x11: {  	_ = 	snop;
	(pc) =	sbr.rel @p0 .LBB2_2-.Ltmp0, $3  }
0x12: {  	_ =	sdelay $0x1  }
0x13: {  	s19 =	sshra.s32 s18, $0x2  }
0x14: {  	s18 =	sadd.s32 $0x40, s18;
	[tilespmem:s19+$0x3000] =	vst v0  }
0x15: {  	s18 =	simm.s32 $0x40;
	s19 =	simm.s32 $0x0  }
.LBB2_4:
0x16: {  	p0 =	sne.s32 s18, $0x1FC0;
	[tilespmem:s19+$0x2800] =	vst v1;
	s19 =	smov.u32 s18;
	s18 =	sadd.s32 $0x40, s18  }
.Ltmp1:
0x17: {  	(pc) =	sbr.rel @p0 .LBB2_4-.Ltmp1, $2  }
0x18: {  	_ =	sdelay $0x2  }
0x19: {  	s19 =	sshra.s32 s19, $0x2  }
0x1a: {  	[tilespmem:s19+$0x2800] =	vst v1  }
0x1b: {  	[spmem:s4] =	stream.linear.scatter [tilespmem:s12], [sflag:$0x1], $0x800, $0x38;
	[tilespmem:$0x6000] =	vst v63  }
0x1c: {  	_ =	swait.ge [sflag:s13], $0x800  }
0x1d: {  	[sflag:s13] =	ssyncset.done $0x0  }
0x1e: {  	[sflag:s13] =	ssyncadd.s32 $0xFFFFF800  }
0x1f: {  	[spmem:s5] =	stream.linear.scatter [tilespmem:s12], [sflag:$0x1], $0x800, $0x38;
	[tilespmem:$0x6000] =	vst v63  }
0x20: {  	_ =	swait.ge [sflag:s13], $0x800  }
0x21: {  	[sflag:s13] =	ssyncset.done $0x0  }
0x22: {  	[sflag:s13] =	ssyncadd.s32 $0xFFFFF800  }
0x23: {  	[spmem:s6] =	stream.linear.scatter [tilespmem:s12], [sflag:$0x1], $0x800, $0x38;
	[tilespmem:$0x6000] =	vst v63  }
0x24: {  	_ =	swait.ge [sflag:s13], $0x800  }
0x25: {  	[sflag:s13] =	ssyncset.done $0x0  }
0x26: {  	[sflag:s13] =	ssyncadd.s32 $0xFFFFF800  }
0x27: {  	[spmem:s7] =	stream.linear.scatter [tilespmem:s12], [sflag:$0x1], $0x800, $0x38;
	[tilespmem:$0x6000] =	vst v63  }
0x28: {  	_ =	swait.ge [sflag:s13], $0x800  }
0x29: {  	[sflag:s13] =	ssyncset.done $0x0  }
0x2a: {  	[sflag:s13] =	ssyncadd.s32 $0xFFFFF800  }
0x2b: {  	[spmem:s8] =	stream.linear.scatter [tilespmem:s12], [sflag:$0x1], $0x800, $0x38;
	[tilespmem:$0x6000] =	vst v63  }
0x2c: {  	_ =	swait.ge [sflag:s13], $0x800  }
0x2d: {  	[sflag:s13] =	ssyncset.done $0x0  }
0x2e: {  	s18 =	simm.s32 $0x0;
	[sflag:s13] =	ssyncadd.s32 $0xFFFFF800  }
0x2f: {  	[tilespmem:s18], [sflag:$0x1] =	stream.linear.gather [hbm4b:s9+s18], $0x2800, $0x38;
	[tilespmem:$0x6000] =	vst v63  }
0x30: {  	_ =	swait.ge [sflag:s13], $0x2800  }
0x31: {  	[sflag:s13] =	ssyncset.done $0x0  }
0x32: {  	[sflag:s13] =	ssyncadd.s32 $0xFFFFD800  }
0x33: {  	s31 =	simm.s32 $0x0;
	[bflag:$0x0] =	sbarrier.arrive $0xFFFF  }
0x34: {  	[spmem:s2] =	stream.indirect.scatter.add.f32 [tilespmem:s15], [sflag:$0x1], $0x10, s31, s14, $0xb8;
	[tilespmem:$0x6000] =	vst v63  }
0x35: {  	_ =	swait.ge [sflag:s13], $0x800  }
0x36: {  	s18 =	simm.s32 $0x200;
	[sflag:s13] =	ssyncset.done $0x0  }
.LBB2_6:
0x37: {  	s19 =	sshra.s32 s18, $0x2;
	[sflag:s13] =	ssyncadd.s32 $0xFFFFF800;
	p0 =	sne.s32 s18, $0x9E00  }
0x38: {  	[spmem:s2] =	stream.indirect.scatter.add.f32 [tilespmem:s15], [sflag:$0x1], $0x10, s19, s14, $0xb8;
	[tilespmem:$0x6000] =	vst v63  }
.Ltmp2:
0x39: {  	_ = 	snop;
	(pc) =	sbr.rel @p0 .LBB2_6-.Ltmp2, $4  }
0x3a: {  	_ = 	snop  }
0x3b: {  	s18 =	sadd.s32 $0x200, s18  }
0x3c: {  	_ =	swait.ge [sflag:s13], $0x800  }
0x3d: {  	[sflag:s13] =	ssyncset.done $0x0  }
0x3e: {  	s3 =	sadd.s32 $0x1, s3  }
0x3f: {  	[sflag:s13] =	ssyncadd.s32 $0xFFFFF800;
	p0 =	sne.s32 s3, s11  }
.Ltmp3:
0x40: {  	[bflag:$0x0] =	sbarrier.arrive $0xFFFF;
	(pc) =	sbr.rel @p0 .LBB2_1-.Ltmp3, $4  }
0x41: {  	[hbm:s10], [sflag:s16] =	dma.local [spmem:s17], $0x500  }
0x42: {  	_ =	swait.ge [sflag:s13], $0x500  }
0x43: {  	[sflag:s13] =	ssyncset.done $0x0  }
0x44: {  	[sflag:s13] =	ssyncadd.s32 $0xFFFFFB00  }
0x45: {  	_ =	sfence.sel $0x180000  }
0x46: {  	[bflag:$0x0] =	sbarrier.arrive $0xFFFF  }
0x47: {  	p0 =	sne.s32 s0, $0x0;
	_ =	strace $0x90000047  }
0x48: {  	s0 =	sadd.s32 @!p0 $0x100000, s1;
	[bflag:$0x2] =	sbarrier.arrive $0xFFFF  }
0x49: {  	[sflag:s0] =	ssyncadd.tile.s32 @!p0 $0x1;
	_ =	shalt  }
.Lfunc_end2:
_tile_overlayer_lowered:
.L_overlay_start_2:
0x4a: {  	(tag) =	ssettag $0x2  }
0x4b: {  	s0 =	rddreg [dreg:$0x0];
	s2 =	stileid.u32  }
0x4c: {  	s1 =	rddreg [dreg:$0x1];
	p0 =	sne.s32 s2, $0x0  }
0x4d: {  	s3 =	rddreg [dreg:$0x2];
	[bflag:$0x3] =	sbarrier.arrive $0xFFFF;
	s2 =	simm.s32 @!p0 $0x1C01  }
0x4e: {  	[timem:s3], [sflag:s2] =	dma.local @!p0 [hbm:s0], s1  }
0x4f: {  	s0 =	simm.s32 @!p0 $0x1  }
0x50: {  	_ =	swait.ge @!p0 [sflag:s0], s1  }
0x51: {  	s1 =	ssub.s32 @!p0 $0x0, s1;
	[sflag:s0] =	ssyncset.done @!p0 $0x0  }
0x52: {  	[sflag:s0] =	ssyncadd.s32 @!p0 s1  }
0x53: {  	[bflag:$0x3] =	sbarrier.arrive $0xFFFF  }
0x54: {  	_ =	shalt  }

</sc_bundles>
